<compile_context>
chip_gen: v7x
topology: tpu7x:2x2x1
jax: 0.10.2.dev20260603
libtpu: 0.0.44.dev20260713+nightly
codegen_flags: <defaults>
</compile_context>

<pallas_src>
import functools

import jax
import jax.numpy as jnp
from jax import lax
from jax.experimental import pallas as pl
from jax.experimental.pallas import tpu as pltpu
from jax.experimental.pallas import tpu_sc as plsc

N = 10000
D = 256
E = 160000

NC = 2
NS = 16
NW = NC * NS
L = 16
HW = D // 2

OWN = 320
S = 800
NSTRIP = E // S
FU = 5
CAPF = 8192
ACC_R = 321
DUMMY = OWN
FG = D // L
BR = 200
NB = N // BR
BW = BR * HW


def _sc_agg_body(x_hbm, src_hbm, dst_hbm, agg_hbm,
                 srcv, dstv, srcv1, dstv1, srcf, dstf, mbs, mbd,
                 xblk0, acc, esem0, esem1):
    c = lax.axis_index("c")
    s = lax.axis_index("s")
    wid = c * NS + s
    lo = wid * OWN
    lo_v = jnp.full((L,), lo, jnp.int32)
    own_u32 = jnp.full((L,), OWN, jnp.uint32)
    br_u32 = jnp.full((L,), BR, jnp.uint32)
    ones_v = jnp.ones((L,), jnp.int32)
    zeros_v = jnp.zeros((L,), jnp.int32)
    trash_v = jnp.full((L,), CAPF - 1, jnp.int32)
    mtrash_v = jnp.full((L,), 31, jnp.int32)
    dummy_v = jnp.full((L,), DUMMY, jnp.int32)
    iota_v = lax.iota(jnp.int32, L)
    last_v = jnp.full((L,), L - 1, jnp.int32)
    zero16f = jnp.zeros((L,), jnp.float32)
    pvecs = [iota_v + h * L for h in range(FG // 2)]
    favecs = [iota_v * 2 + h * 2 * L for h in range(FG // 2)]
    fbvecs = [favecs[h] + 1 for h in range(FG // 2)]

    def _zacc(i, _):
        plsc.store_scatter(acc, [jnp.full((L,), i // FG, jnp.int32),
                                 iota_v + (i % FG) * L], zero16f)
        return 0
    lax.fori_loop(0, ACC_R * FG, _zacc, 0)

    def _filt_from(bs, bd, i, cnt_v1):
        for u in range(FU):
            g = i * FU + u
            d = bd[pl.ds(g * L, L)]
            sv = bs[pl.ds(g * L, L)]
            du = d - lo_v
            m = plsc.bitcast(du, jnp.uint32) < own_u32
            mi = jnp.where(m, ones_v, zeros_v)
            csum = plsc.cumsum(mi)
            pos = jnp.where(m, csum + cnt_v1, trash_v)
            plsc.store_scatter(srcf, [pos], sv)
            plsc.store_scatter(dstf, [pos], du)
            cnt_v1 = cnt_v1 + jnp.take_along_axis(csum, last_v, axis=0)
        return cnt_v1

    def _block(b, xblk, ngrp):
        blo_v = jnp.full((L,), b * BR, jnp.int32)

        def _bscan(i, _):
            sf = srcf[pl.ds(i * L, L)]
            df = dstf[pl.ds(i * L, L)]
            su = sf - blo_v
            mb = plsc.bitcast(su, jnp.uint32) < br_u32
            mi = jnp.where(mb, ones_v, zeros_v)
            csum = plsc.cumsum(mi)
            pos = jnp.where(mb, csum - ones_v, mtrash_v)
            plsc.store_scatter(mbs, [pos], su)
            plsc.store_scatter(mbd, [pos], df)
            cntb = jnp.sum(mi)
            suv = mbs[pl.ds(0, L)]
            dfv = mbd[pl.ds(0, L)]

            def _edge(e, _):
                e_v = jnp.full((L,), e, jnp.int32)
                su_v = jnp.take_along_axis(suv, e_v, axis=0) * HW
                d_v = jnp.take_along_axis(dfv, e_v, axis=0)
                pvs = [plsc.load_gather(xblk, [su_v + pvecs[h]])
                       for h in range(FG // 2)]
                for h in range(FG // 2):
                    av, bv = plsc.unpack(
                        plsc.bitcast(pvs[h], jnp.bfloat16),
                        format=plsc.PackFormat.INTERLEAVED,
                        preferred_element_type=jnp.float32)
                    plsc.addupdate_scatter(acc, [d_v, favecs[h]], av)
                    plsc.addupdate_scatter(acc, [d_v, fbvecs[h]], bv)
                return 0
            lax.fori_loop(0, cntb, _edge, 0)
            return 0
        lax.fori_loop(0, ngrp, _bscan, 0)

    def _flush(cnt_v1):
        cnt = jnp.sum(jnp.where(iota_v == 0, cnt_v1, zeros_v)) + 1
        for u in range(2):
            srcf[pl.ds(cnt + u * L, L)] = zeros_v
            dstf[pl.ds(cnt + u * L, L)] = dummy_v
        ngrp = (cnt + L - 1) // L

        def _block1(b, _):
            pltpu.sync_copy(x_hbm.at[pl.ds(b * BW, BW)], xblk0)
            _block(b, xblk0, ngrp)
            return 0
        lax.fori_loop(0, NB, _block1, 0)
        return jnp.full((L,), -1, jnp.int32)

    def _eload(t0, b_srcv, b_dstv, b_sem):
        t = (t0 + wid) % NSTRIP
        base_e = t * S
        pltpu.async_copy(src_hbm.at[pl.ds(base_e, S)], b_srcv, b_sem)
        pltpu.async_copy(dst_hbm.at[pl.ds(base_e, S)], b_dstv, b_sem)

    def _ewait(b_srcv, b_dstv, b_sem):
        pltpu.make_async_copy(src_hbm.at[pl.ds(0, S)], b_srcv, b_sem).wait()
        pltpu.make_async_copy(dst_hbm.at[pl.ds(0, S)], b_dstv, b_sem).wait()

    ebufs = ((srcv, dstv, esem0), (srcv1, dstv1, esem1))
    _eload(0, *ebufs[0])
    _eload(1, *ebufs[1])

    def _strip2(tt, cnt_v1):
        for p in range(2):
            bs, bd, bsem = ebufs[p]
            _ewait(bs, bd, bsem)
            cnt_v1 = lax.fori_loop(
                0, S // L // FU,
                functools.partial(_filt_from, bs, bd), cnt_v1)
            _eload(tt * 2 + p + 2, bs, bd, bsem)
        cnt_s = jnp.sum(jnp.where(iota_v == 0, cnt_v1, zeros_v)) + 1
        return lax.cond(cnt_s >= CAPF - 2 * S - 32, _flush,
                        lambda cv: cv, cnt_v1)
    cnt_v1 = lax.fori_loop(0, NSTRIP // 2, _strip2,
                           jnp.full((L,), -1, jnp.int32))
    _ewait(*ebufs[0])
    _ewait(*ebufs[1])
    _flush(cnt_v1)

    @pl.when(wid < NW - 1)
    def _out():
        pltpu.sync_copy(acc.at[pl.ds(0, OWN)], agg_hbm.at[pl.ds(lo, OWN)])

    @pl.when(wid == NW - 1)
    def _out_last():
        pltpu.sync_copy(acc.at[pl.ds(0, N - (NW - 1) * OWN)],
                        agg_hbm.at[pl.ds(lo, N - (NW - 1) * OWN)])


_sc_agg = functools.partial(
    pl.kernel,
    out_type=jax.ShapeDtypeStruct((N, D), jnp.float32),
    mesh=plsc.VectorSubcoreMesh(core_axis_name="c", subcore_axis_name="s",
                                num_cores=NC, num_subcores=NS),
    compiler_params=pltpu.CompilerParams(needs_layout_passes=False),
    scratch_types=[
        pltpu.VMEM((S,), jnp.int32),
        pltpu.VMEM((S,), jnp.int32),
        pltpu.VMEM((S,), jnp.int32),
        pltpu.VMEM((S,), jnp.int32),
        pltpu.VMEM((CAPF,), jnp.int32),
        pltpu.VMEM((CAPF,), jnp.int32),
        pltpu.VMEM((32,), jnp.int32),
        pltpu.VMEM((32,), jnp.int32),
        pltpu.VMEM((BW,), jnp.int32),
        pltpu.VMEM((ACC_R, D), jnp.float32),
        pltpu.SemaphoreType.DMA,
        pltpu.SemaphoreType.DMA,
    ],
)(_sc_agg_body)


def _mlp_body(x_ref, a_ref, w1_ref, b1_ref, w2_ref, b2_ref, o_ref):
    h = x_ref[...] + a_ref[...]
    h1 = jnp.maximum(jnp.dot(h, w1_ref[...],
                             preferred_element_type=jnp.float32) + b1_ref[...], 0.0)
    o_ref[...] = jnp.maximum(jnp.dot(h1, w2_ref[...],
                                     preferred_element_type=jnp.float32) + b2_ref[...], 0.0)


def _mlp(x, agg, W1, b1, W2, b2):
    BN = 1000
    return pl.pallas_call(
        _mlp_body,
        grid=(N // BN,),
        in_specs=[
            pl.BlockSpec((BN, D), lambda i: (i, 0)),
            pl.BlockSpec((BN, D), lambda i: (i, 0)),
            pl.BlockSpec((D, D), lambda i: (0, 0)),
            pl.BlockSpec((1, D), lambda i: (0, 0)),
            pl.BlockSpec((D, D), lambda i: (0, 0)),
            pl.BlockSpec((1, D), lambda i: (0, 0)),
        ],
        out_specs=pl.BlockSpec((BN, D), lambda i: (i, 0)),
        out_shape=jax.ShapeDtypeStruct((N, D), jnp.float32),
    )(x, agg, W1, b1.reshape(1, D), W2, b2.reshape(1, D))


def kernel(x, edge_index, batch, W1, b1, W2, b2):
    src = edge_index[0]
    dst = edge_index[1]
    xi = lax.bitcast_convert_type(
        x.astype(jnp.bfloat16).reshape(N, D // 2, 2),
        jnp.int32).reshape(N * D // 2)
    agg = _sc_agg(xi, src, dst)
    return _mlp(x, agg, W1, b1, W2, b2)

# --- scband reference (transcript-rebuilt; emitter-appended) ---
"""Pipeline reference for scband-ginlayer-55113020342352 (READ-ONLY COPY).

The authoritative reference and input builder live on the scoring server;
editing this copy changes nothing except your own understanding.
"""

import jax, jax.numpy as jnp
import numpy as np

N = 10000
E = 160000
D = 256
NUM_GRAPHS = 16


def setup_inputs(seed: int = 0) -> dict:
    key = jax.random.key(seed)
    k1, k2, k3, k4, k5, k6, k7 = jax.random.split(key, 7)
    x = jax.random.normal(k1, (N, D), dtype=jnp.float32)
    edge_index = jax.random.randint(k2, (2, E), 0, N, dtype=jnp.int32)
    batch = jnp.sort(jax.random.randint(k3, (N,), 0, NUM_GRAPHS, dtype=jnp.int32))
    # MLP params (Linear(D, D) -> ReLU -> Linear(D, D)), Kaiming-ish scale
    scale1 = 1.0 / np.sqrt(D)
    W1 = jax.random.uniform(k4, (D, D), dtype=jnp.float32, minval=-scale1, maxval=scale1)
    b1 = jax.random.uniform(k5, (D,), dtype=jnp.float32, minval=-scale1, maxval=scale1)
    W2 = jax.random.uniform(k6, (D, D), dtype=jnp.float32, minval=-scale1, maxval=scale1)
    b2 = jax.random.uniform(k7, (D,), dtype=jnp.float32, minval=-scale1, maxval=scale1)
    return {"x": x, "edge_index": edge_index, "batch": batch,
            "W1": W1, "b1": b1, "W2": W2, "b2": b2}


def reference(x, edge_index, batch, W1, b1, W2, b2):
    # GINConv with default eps=0: h = MLP((1 + eps) * x + sum_{j in N(i)} x_j)
    src = edge_index[0]
    dst = edge_index[1]
    # scatter-add aggregation of neighbor features (sum aggregation)
    agg = jnp.zeros_like(x).at[dst].add(x[src])
    h = (1.0 + 0.0) * x + agg
    # MLP: Linear -> ReLU -> Linear
    h = jnp.maximum(h @ W1 + b1, 0.0)
    h = h @ W2 + b2
    # outer ReLU from GINLayer.forward
    out = jnp.maximum(h, 0.0)
    # collect_embeddings defaults to False -> returns (x, None); we return x
    return out

if __name__ == "__main__":
    import jax
    _d = setup_inputs()
    print(jax.jit(kernel)(*tuple(_d.values())))

</pallas_src>

<mosaic_0001>
#map = affine_map<(d0, d1) -> (0)>
#map1 = affine_map<(d0, d1) -> (0, 0)>
module attributes {stable_mosaic.version = 14 : i64} {
  func.func @_sc_agg_body(%arg0: i32, %arg1: i32, %arg2: memref<1280000xi32, #tpu.memory_space<hbm>>, %arg3: memref<160000xi32, #tpu.memory_space<hbm>>, %arg4: memref<160000xi32, #tpu.memory_space<hbm>>, %arg5: memref<10000x256xf32, #tpu.memory_space<hbm>>, %arg6: memref<800xi32, #tpu.memory_space<vmem>>, %arg7: memref<800xi32, #tpu.memory_space<vmem>>, %arg8: memref<800xi32, #tpu.memory_space<vmem>>, %arg9: memref<800xi32, #tpu.memory_space<vmem>>, %arg10: memref<8192xi32, #tpu.memory_space<vmem>>, %arg11: memref<8192xi32, #tpu.memory_space<vmem>>, %arg12: memref<32xi32, #tpu.memory_space<vmem>>, %arg13: memref<32xi32, #tpu.memory_space<vmem>>, %arg14: memref<25600xi32, #tpu.memory_space<vmem>>, %arg15: memref<321x256xf32, #tpu.memory_space<vmem>>, %arg16: memref<!tpu.dma_semaphore, #tpu.memory_space<semaphore_mem>>, %arg17: memref<!tpu.dma_semaphore, #tpu.memory_space<semaphore_mem>>) attributes {dimension_semantics = [#tpu.dimension_semantics<core_parallel>, #tpu.dimension_semantics<subcore_parallel>], iteration_bounds = array<i64: 2, 16>, scalar_prefetch = 0 : i64, scratch_operands = 12 : i64, tpu.core_type = #tpu.core_type<sc_vector_subcore>, window_params = [{transform_indices = #map}, {transform_indices = #map}, {transform_indices = #map}, {transform_indices = #map1}]} {
    %mul3A = arith.constant 16 : i32
    %mul3A_0 = arith.muli %arg0, %mul3A : i32
    %add3A = arith.addi %mul3A_0, %arg1 : i32
    %mul3A_1 = arith.constant 320 : i32
    %mul3A_2 = arith.muli %add3A, %mul3A_1 : i32
    %broadcast_in_dim3A = vector.broadcast %mul3A_2 : i32 to vector<16xi32>
    %broadcast_in_dim3A_3 = arith.constant 320 : i32
    %broadcast_in_dim3A_4 = vector.broadcast %broadcast_in_dim3A_3 : i32 to vector<16xi32>
    %broadcast_in_dim3A_5 = arith.constant 200 : i32
    %broadcast_in_dim3A_6 = vector.broadcast %broadcast_in_dim3A_5 : i32 to vector<16xi32>
    %broadcast_in_dim3A_7 = arith.constant 1 : i32
    %broadcast_in_dim3A_8 = vector.broadcast %broadcast_in_dim3A_7 : i32 to vector<16xi32>
    %broadcast_in_dim3A_9 = arith.constant 0 : i32
    %broadcast_in_dim3A_10 = vector.broadcast %broadcast_in_dim3A_9 : i32 to vector<16xi32>
    %broadcast_in_dim3A_11 = arith.constant 8191 : i32
    %broadcast_in_dim3A_12 = vector.broadcast %broadcast_in_dim3A_11 : i32 to vector<16xi32>
    %broadcast_in_dim3A_13 = arith.constant 31 : i32
    %broadcast_in_dim3A_14 = vector.broadcast %broadcast_in_dim3A_13 : i32 to vector<16xi32>
    %broadcast_in_dim3A_15 = arith.constant 320 : i32
    %broadcast_in_dim3A_16 = vector.broadcast %broadcast_in_dim3A_15 : i32 to vector<16xi32>
    %iota3A = tpu.iota {dimensions = array<i32: 0>} : vector<16xi32>
    %broadcast_in_dim3A_17 = arith.constant 15 : i32
    %broadcast_in_dim3A_18 = vector.broadcast %broadcast_in_dim3A_17 : i32 to vector<16xi32>
    %broadcast_in_dim3A_19 = arith.constant 0.000000e+00 : f32
    %broadcast_in_dim3A_20 = vector.broadcast %broadcast_in_dim3A_19 : f32 to vector<16xf32>
    %add3A_21 = arith.constant 0 : i32
    %add3A_22 = vector.broadcast %add3A_21 : i32 to vector<16xi32>
    %add3A_23 = arith.addi %iota3A, %add3A_22 : vector<16xi32>
    %add3A_24 = arith.constant 16 : i32
    %add3A_25 = vector.broadcast %add3A_24 : i32 to vector<16xi32>
    %add3A_26 = arith.addi %iota3A, %add3A_25 : vector<16xi32>
    %add3A_27 = arith.constant 32 : i32
    %add3A_28 = vector.broadcast %add3A_27 : i32 to vector<16xi32>
    %add3A_29 = arith.addi %iota3A, %add3A_28 : vector<16xi32>
    %add3A_30 = arith.constant 48 : i32
    %add3A_31 = vector.broadcast %add3A_30 : i32 to vector<16xi32>
    %add3A_32 = arith.addi %iota3A, %add3A_31 : vector<16xi32>
    %add3A_33 = arith.constant 64 : i32
    %add3A_34 = vector.broadcast %add3A_33 : i32 to vector<16xi32>
    %add3A_35 = arith.addi %iota3A, %add3A_34 : vector<16xi32>
    %add3A_36 = arith.constant 80 : i32
    %add3A_37 = vector.broadcast %add3A_36 : i32 to vector<16xi32>
    %add3A_38 = arith.addi %iota3A, %add3A_37 : vector<16xi32>
    %add3A_39 = arith.constant 96 : i32
    %add3A_40 = vector.broadcast %add3A_39 : i32 to vector<16xi32>
    %add3A_41 = arith.addi %iota3A, %add3A_40 : vector<16xi32>
    %add3A_42 = arith.constant 112 : i32
    %add3A_43 = vector.broadcast %add3A_42 : i32 to vector<16xi32>
    %add3A_44 = arith.addi %iota3A, %add3A_43 : vector<16xi32>
    %mul3A_45 = arith.constant 2 : i32
    %mul3A_46 = vector.broadcast %mul3A_45 : i32 to vector<16xi32>
    %mul3A_47 = arith.muli %iota3A, %mul3A_46 : vector<16xi32>
    %add3A_48 = arith.constant 0 : i32
    %add3A_49 = vector.broadcast %add3A_48 : i32 to vector<16xi32>
    %add3A_50 = arith.addi %mul3A_47, %add3A_49 : vector<16xi32>
    %mul3A_51 = arith.constant 2 : i32
    %mul3A_52 = vector.broadcast %mul3A_51 : i32 to vector<16xi32>
    %mul3A_53 = arith.muli %iota3A, %mul3A_52 : vector<16xi32>
    %add3A_54 = arith.constant 32 : i32
    %add3A_55 = vector.broadcast %add3A_54 : i32 to vector<16xi32>
    %add3A_56 = arith.addi %mul3A_53, %add3A_55 : vector<16xi32>
    %mul3A_57 = arith.constant 2 : i32
    %mul3A_58 = vector.broadcast %mul3A_57 : i32 to vector<16xi32>
    %mul3A_59 = arith.muli %iota3A, %mul3A_58 : vector<16xi32>
    %add3A_60 = arith.constant 64 : i32
    %add3A_61 = vector.broadcast %add3A_60 : i32 to vector<16xi32>
    %add3A_62 = arith.addi %mul3A_59, %add3A_61 : vector<16xi32>
    %mul3A_63 = arith.constant 2 : i32
    %mul3A_64 = vector.broadcast %mul3A_63 : i32 to vector<16xi32>
    %mul3A_65 = arith.muli %iota3A, %mul3A_64 : vector<16xi32>
    %add3A_66 = arith.constant 96 : i32
    %add3A_67 = vector.broadcast %add3A_66 : i32 to vector<16xi32>
    %add3A_68 = arith.addi %mul3A_65, %add3A_67 : vector<16xi32>
    %mul3A_69 = arith.constant 2 : i32
    %mul3A_70 = vector.broadcast %mul3A_69 : i32 to vector<16xi32>
    %mul3A_71 = arith.muli %iota3A, %mul3A_70 : vector<16xi32>
    %add3A_72 = arith.constant 128 : i32
    %add3A_73 = vector.broadcast %add3A_72 : i32 to vector<16xi32>
    %add3A_74 = arith.addi %mul3A_71, %add3A_73 : vector<16xi32>
    %mul3A_75 = arith.constant 2 : i32
    %mul3A_76 = vector.broadcast %mul3A_75 : i32 to vector<16xi32>
    %mul3A_77 = arith.muli %iota3A, %mul3A_76 : vector<16xi32>
    %add3A_78 = arith.constant 160 : i32
    %add3A_79 = vector.broadcast %add3A_78 : i32 to vector<16xi32>
    %add3A_80 = arith.addi %mul3A_77, %add3A_79 : vector<16xi32>
    %mul3A_81 = arith.constant 2 : i32
    %mul3A_82 = vector.broadcast %mul3A_81 : i32 to vector<16xi32>
    %mul3A_83 = arith.muli %iota3A, %mul3A_82 : vector<16xi32>
    %add3A_84 = arith.constant 192 : i32
    %add3A_85 = vector.broadcast %add3A_84 : i32 to vector<16xi32>
    %add3A_86 = arith.addi %mul3A_83, %add3A_85 : vector<16xi32>
    %mul3A_87 = arith.constant 2 : i32
    %mul3A_88 = vector.broadcast %mul3A_87 : i32 to vector<16xi32>
    %mul3A_89 = arith.muli %iota3A, %mul3A_88 : vector<16xi32>
    %add3A_90 = arith.constant 224 : i32
    %add3A_91 = vector.broadcast %add3A_90 : i32 to vector<16xi32>
    %add3A_92 = arith.addi %mul3A_89, %add3A_91 : vector<16xi32>
    %add3A_93 = arith.constant 1 : i32
    %add3A_94 = vector.broadcast %add3A_93 : i32 to vector<16xi32>
    %add3A_95 = arith.addi %add3A_50, %add3A_94 : vector<16xi32>
    %add3A_96 = arith.constant 1 : i32
    %add3A_97 = vector.broadcast %add3A_96 : i32 to vector<16xi32>
    %add3A_98 = arith.addi %add3A_56, %add3A_97 : vector<16xi32>
    %add3A_99 = arith.constant 1 : i32
    %add3A_100 = vector.broadcast %add3A_99 : i32 to vector<16xi32>
    %add3A_101 = arith.addi %add3A_62, %add3A_100 : vector<16xi32>
    %add3A_102 = arith.constant 1 : i32
    %add3A_103 = vector.broadcast %add3A_102 : i32 to vector<16xi32>
    %add3A_104 = arith.addi %add3A_68, %add3A_103 : vector<16xi32>
    %add3A_105 = arith.constant 1 : i32
    %add3A_106 = vector.broadcast %add3A_105 : i32 to vector<16xi32>
    %add3A_107 = arith.addi %add3A_74, %add3A_106 : vector<16xi32>
    %add3A_108 = arith.constant 1 : i32
    %add3A_109 = vector.broadcast %add3A_108 : i32 to vector<16xi32>
    %add3A_110 = arith.addi %add3A_80, %add3A_109 : vector<16xi32>
    %add3A_111 = arith.constant 1 : i32
    %add3A_112 = vector.broadcast %add3A_111 : i32 to vector<16xi32>
    %add3A_113 = arith.addi %add3A_86, %add3A_112 : vector<16xi32>
    %add3A_114 = arith.constant 1 : i32
    %add3A_115 = vector.broadcast %add3A_114 : i32 to vector<16xi32>
    %add3A_116 = arith.addi %add3A_92, %add3A_115 : vector<16xi32>
    %scan3A = arith.constant 0 : i32
    %scan3A_117 = arith.constant 0 : i32
    %scan3A_118 = arith.constant 5136 : i32
    %scan3A_119 = arith.addi %scan3A_117, %scan3A_118 : i32
    %scan3A_120 = arith.constant 1 : i32
    %scan3A_121 = scf.for %scan3A_252 = %scan3A_117 to %scan3A_119 step %scan3A_120 iter_args(%scan3A_253 = %scan3A) -> (i32)  : i32 {
      %jit3A_254 = arith.constant 16 : i32
      %div3A_255 = arith.divsi %scan3A_252, %jit3A_254 : i32
      %sign3A_256 = arith.constant 0 : i32
      %sign3A_257 = arith.cmpi sgt, %scan3A_252, %sign3A_256 : i32
      %sign3A_258 = arith.extui %sign3A_257 : i1 to i32
      %sign3A_259 = arith.constant 0 : i32
      %sign3A_260 = arith.cmpi slt, %scan3A_252, %sign3A_259 : i32
      %sign3A_261 = arith.extui %sign3A_260 : i1 to i32
      %sign3A_262 = arith.subi %sign3A_258, %sign3A_261 : i32
      %sign3A_263 = arith.constant 0 : i32
      %sign3A_264 = arith.cmpi sgt, %jit3A_254, %sign3A_263 : i32
      %sign3A_265 = arith.extui %sign3A_264 : i1 to i32
      %sign3A_266 = arith.constant 0 : i32
      %sign3A_267 = arith.cmpi slt, %jit3A_254, %sign3A_266 : i32
      %sign3A_268 = arith.extui %sign3A_267 : i1 to i32
      %sign3A_269 = arith.subi %sign3A_265, %sign3A_268 : i32
      %ne3A_270 = arith.cmpi ne, %sign3A_262, %sign3A_269 : i32
      %rem3A_271 = arith.remsi %scan3A_252, %jit3A_254 : i32
      %ne3A_272 = arith.constant 0 : i32
      %ne3A_273 = arith.cmpi ne, %rem3A_271, %ne3A_272 : i32
      %and3A_274 = arith.andi %ne3A_270, %ne3A_273 : i1
      %sub3A_275 = arith.constant 1 : i32
      %sub3A_276 = arith.subi %div3A_255, %sub3A_275 : i32
      %select_n3A_277 = arith.select %and3A_274, %sub3A_276, %div3A_255 : i32
      %broadcast_in_dim3A_278 = vector.broadcast %select_n3A_277 : i32 to vector<16xi32>
      %jit3A_279 = arith.constant 16 : i32
      %eq3A_280 = arith.constant 0 : i32
      %eq3A_281 = arith.cmpi eq, %jit3A_279, %eq3A_280 : i32
      %jit3A_282 = arith.constant 1 : i32
      %select_n3A_283 = arith.select %eq3A_281, %jit3A_282, %jit3A_279 : i32
      %rem3A_284 = arith.remsi %scan3A_252, %select_n3A_283 : i32
      %ne3A_285 = arith.constant 0 : i32
      %ne3A_286 = arith.cmpi ne, %rem3A_284, %ne3A_285 : i32
      %lt3A_287 = arith.constant 0 : i32
      %lt3A_288 = arith.cmpi slt, %rem3A_284, %lt3A_287 : i32
      %lt3A_289 = arith.constant 0 : i32
      %lt3A_290 = arith.cmpi slt, %select_n3A_283, %lt3A_289 : i32
      %ne3A_291 = arith.xori %lt3A_288, %lt3A_290 : i1
      %and3A_292 = arith.andi %ne3A_291, %ne3A_286 : i1
      %add3A_293 = arith.addi %rem3A_284, %select_n3A_283 : i32
      %select_n3A_294 = arith.select %and3A_292, %add3A_293, %rem3A_284 : i32
      %mul3A_295 = arith.constant 16 : i32
      %mul3A_296 = arith.muli %select_n3A_294, %mul3A_295 : i32
      %add3A_297 = vector.broadcast %mul3A_296 : i32 to vector<16xi32>
      %add3A_298 = arith.addi %iota3A, %add3A_297 : vector<16xi32>
      tpu.vector_store_idx %arg15[%broadcast_in_dim3A_278, %add3A_298], %broadcast_in_dim3A_20 : memref<321x256xf32, #tpu.memory_space<vmem>>[vector<16xi32>, vector<16xi32>], vector<16xf32>,
      %scan3A_299 = arith.constant 0 : i32
      scf.yield %scan3A_299 : i32
    }
    %scan3A_122 = arith.constant 5136 : i32
    %add3A_123 = arith.constant 0 : i32
    %add3A_124 = arith.addi %add3A_123, %add3A : i32
    %jit3A = arith.constant 200 : i32
    %eq3A = arith.constant 0 : i32
    %eq3A_125 = arith.cmpi eq, %jit3A, %eq3A : i32
    %jit3A_126 = arith.constant 1 : i32
    %select_n3A = arith.select %eq3A_125, %jit3A_126, %jit3A : i32
    %rem3A = arith.remsi %add3A_124, %select_n3A : i32
    %ne3A = arith.constant 0 : i32
    %ne3A_127 = arith.cmpi ne, %rem3A, %ne3A : i32
    %lt3A = arith.constant 0 : i32
    %lt3A_128 = arith.cmpi slt, %rem3A, %lt3A : i32
    %lt3A_129 = arith.constant 0 : i32
    %lt3A_130 = arith.cmpi slt, %select_n3A, %lt3A_129 : i32
    %ne3A_131 = arith.xori %lt3A_128, %lt3A_130 : i1
    %and3A = arith.andi %ne3A_131, %ne3A_127 : i1
    %add3A_132 = arith.addi %rem3A, %select_n3A : i32
    %select_n3A_133 = arith.select %and3A, %add3A_132, %rem3A : i32
    %mul3A_134 = arith.constant 800 : i32
    %mul3A_135 = arith.muli %select_n3A_133, %mul3A_134 : i32
    %dma_start3A = tpu.memref_slice %arg3[%mul3A_135] : memref<160000xi32, #tpu.memory_space<hbm>> -> memref<800xi32, #tpu.memory_space<hbm>>
    %dma_start3A_136 = tpu.memref_slice %arg3[%mul3A_135] : memref<160000xi32, #tpu.memory_space<hbm>> -> memref<800xi32, #tpu.memory_space<hbm>>
    tpu.enqueue_dma source(%dma_start3A_136 : memref<800xi32, #tpu.memory_space<hbm>>) target(%arg6 : memref<800xi32, #tpu.memory_space<vmem>>) target_semaphore(%arg16 : memref<!tpu.dma_semaphore, #tpu.memory_space<semaphore_mem>>)
    %dma_start3A_137 = tpu.memref_slice %arg4[%mul3A_135] : memref<160000xi32, #tpu.memory_space<hbm>> -> memref<800xi32, #tpu.memory_space<hbm>>
    %dma_start3A_138 = tpu.memref_slice %arg4[%mul3A_135] : memref<160000xi32, #tpu.memory_space<hbm>> -> memref<800xi32, #tpu.memory_space<hbm>>
    tpu.enqueue_dma source(%dma_start3A_138 : memref<800xi32, #tpu.memory_space<hbm>>) target(%arg7 : memref<800xi32, #tpu.memory_space<vmem>>) target_semaphore(%arg16 : memref<!tpu.dma_semaphore, #tpu.memory_space<semaphore_mem>>)
    %add3A_139 = arith.constant 1 : i32
    %add3A_140 = arith.addi %add3A_139, %add3A : i32
    %jit3A_141 = arith.constant 200 : i32
    %eq3A_142 = arith.constant 0 : i32
    %eq3A_143 = arith.cmpi eq, %jit3A_141, %eq3A_142 : i32
    %jit3A_144 = arith.constant 1 : i32
    %select_n3A_145 = arith.select %eq3A_143, %jit3A_144, %jit3A_141 : i32
    %rem3A_146 = arith.remsi %add3A_140, %select_n3A_145 : i32
    %ne3A_147 = arith.constant 0 : i32
    %ne3A_148 = arith.cmpi ne, %rem3A_146, %ne3A_147 : i32
    %lt3A_149 = arith.constant 0 : i32
    %lt3A_150 = arith.cmpi slt, %rem3A_146, %lt3A_149 : i32
    %lt3A_151 = arith.constant 0 : i32
    %lt3A_152 = arith.cmpi slt, %select_n3A_145, %lt3A_151 : i32
    %ne3A_153 = arith.xori %lt3A_150, %lt3A_152 : i1
    %and3A_154 = arith.andi %ne3A_153, %ne3A_148 : i1
    %add3A_155 = arith.addi %rem3A_146, %select_n3A_145 : i32
    %select_n3A_156 = arith.select %and3A_154, %add3A_155, %rem3A_146 : i32
    %mul3A_157 = arith.constant 800 : i32
    %mul3A_158 = arith.muli %select_n3A_156, %mul3A_157 : i32
    %dma_start3A_159 = tpu.memref_slice %arg3[%mul3A_158] : memref<160000xi32, #tpu.memory_space<hbm>> -> memref<800xi32, #tpu.memory_space<hbm>>
    %dma_start3A_160 = tpu.memref_slice %arg3[%mul3A_158] : memref<160000xi32, #tpu.memory_space<hbm>> -> memref<800xi32, #tpu.memory_space<hbm>>
    tpu.enqueue_dma source(%dma_start3A_160 : memref<800xi32, #tpu.memory_space<hbm>>) target(%arg8 : memref<800xi32, #tpu.memory_space<vmem>>) target_semaphore(%arg17 : memref<!tpu.dma_semaphore, #tpu.memory_space<semaphore_mem>>)
    %dma_start3A_161 = tpu.memref_slice %arg4[%mul3A_158] : memref<160000xi32, #tpu.memory_space<hbm>> -> memref<800xi32, #tpu.memory_space<hbm>>
    %dma_start3A_162 = tpu.memref_slice %arg4[%mul3A_158] : memref<160000xi32, #tpu.memory_space<hbm>> -> memref<800xi32, #tpu.memory_space<hbm>>
    tpu.enqueue_dma source(%dma_start3A_162 : memref<800xi32, #tpu.memory_space<hbm>>) target(%arg9 : memref<800xi32, #tpu.memory_space<vmem>>) target_semaphore(%arg17 : memref<!tpu.dma_semaphore, #tpu.memory_space<semaphore_mem>>)
    %broadcast_in_dim3A_163 = arith.constant -1 : i32
    %broadcast_in_dim3A_164 = vector.broadcast %broadcast_in_dim3A_163 : i32 to vector<16xi32>
    %scan3A_165 = arith.constant 0 : i32
    %scan3A_166 = arith.constant 100 : i32
    %scan3A_167 = arith.addi %scan3A_165, %scan3A_166 : i32
    %scan3A_168 = arith.constant 1 : i32
    %scan3A_169 = scf.for %scan3A_252 = %scan3A_165 to %scan3A_167 step %scan3A_168 iter_args(%scan3A_253 = %broadcast_in_dim3A_164) -> (vector<16xi32>)  : i32 {
      %dma_wait3A_254 = arith.constant 0 : i32
      %dma_wait3A_255 = tpu.memref_slice %arg3[%dma_wait3A_254] : memref<160000xi32, #tpu.memory_space<hbm>> -> memref<800xi32, #tpu.memory_space<hbm>>
      %dma_wait3A_256 = arith.constant 0 : i32
      %dma_wait3A_257 = tpu.memref_slice %arg3[%dma_wait3A_256] : memref<160000xi32, #tpu.memory_space<hbm>> -> memref<800xi32, #tpu.memory_space<hbm>>
      tpu.wait_dma2 semaphore(%arg16 : memref<!tpu.dma_semaphore, #tpu.memory_space<semaphore_mem>>) src(%dma_wait3A_257 : memref<800xi32, #tpu.memory_space<hbm>>) dst(%arg6 : memref<800xi32, #tpu.memory_space<vmem>>)
      %dma_wait3A_258 = arith.constant 0 : i32
      %dma_wait3A_259 = tpu.memref_slice %arg4[%dma_wait3A_258] : memref<160000xi32, #tpu.memory_space<hbm>> -> memref<800xi32, #tpu.memory_space<hbm>>
      %dma_wait3A_260 = arith.constant 0 : i32
      %dma_wait3A_261 = tpu.memref_slice %arg4[%dma_wait3A_260] : memref<160000xi32, #tpu.memory_space<hbm>> -> memref<800xi32, #tpu.memory_space<hbm>>
      tpu.wait_dma2 semaphore(%arg16 : memref<!tpu.dma_semaphore, #tpu.memory_space<semaphore_mem>>) src(%dma_wait3A_261 : memref<800xi32, #tpu.memory_space<hbm>>) dst(%arg7 : memref<800xi32, #tpu.memory_space<vmem>>)
      %scan3A_262 = arith.constant 0 : i32
      %scan3A_263 = arith.constant 10 : i32
      %scan3A_264 = arith.addi %scan3A_262, %scan3A_263 : i32
      %scan3A_265 = arith.constant 1 : i32
      %scan3A_266 = scf.for %scan3A_355 = %scan3A_262 to %scan3A_264 step %scan3A_265 iter_args(%scan3A_356 = %scan3A_253) -> (vector<16xi32>)  : i32 {
        %mul3A_357 = arith.constant 5 : i32
        %mul3A_358 = arith.muli %scan3A_355, %mul3A_357 : i32
        %add3A_359 = arith.constant 0 : i32
        %add3A_360 = arith.addi %mul3A_358, %add3A_359 : i32
        %mul3A_361 = arith.constant 16 : i32
        %mul3A_362 = arith.muli %add3A_360, %mul3A_361 : i32
        %get3A = arith.index_cast %mul3A_362 : i32 to index
        %get3A_363 = tpu.vector_load %arg7[%get3A] {strides = array<i32>} : memref<800xi32, #tpu.memory_space<vmem>>, vector<16xi32>,
        %mul3A_364 = arith.constant 16 : i32
        %mul3A_365 = arith.muli %add3A_360, %mul3A_364 : i32
        %get3A_366 = arith.index_cast %mul3A_365 : i32 to index
        %get3A_367 = tpu.vector_load %arg6[%get3A_366] {strides = array<i32>} : memref<800xi32, #tpu.memory_space<vmem>>, vector<16xi32>,
        %sub3A_368 = arith.subi %get3A_363, %broadcast_in_dim3A : vector<16xi32>
        %bitcast3A = vector.bitcast %sub3A_368 : vector<16xi32> to vector<16xi32>
        %lt3A_369 = arith.cmpi ult, %bitcast3A, %broadcast_in_dim3A_4 : vector<16xi32>
        %select_n3A_370 = arith.select %lt3A_369, %broadcast_in_dim3A_8, %broadcast_in_dim3A_10 : vector<16xi1>, vector<16xi32>
        %broadcast_in_dim3A_371 = arith.constant true
        %broadcast_in_dim3A_372 = vector.broadcast %broadcast_in_dim3A_371 : i1 to vector<16xi1>
        %masked_cumsum3A = tpu.scan <sum>, %select_n3A_370 masked %broadcast_in_dim3A_372 : vector<16xi32>, vector<16xi1> -> vector<16xi32>
        %add3A_373 = arith.addi %masked_cumsum3A, %scan3A_356 : vector<16xi32>
        %select_n3A_374 = arith.select %lt3A_369, %add3A_373, %broadcast_in_dim3A_12 : vector<16xi1>, vector<16xi32>
        tpu.vector_store_idx %arg10[%select_n3A_374], %get3A_367 : memref<8192xi32, #tpu.memory_space<vmem>>[vector<16xi32>], vector<16xi32>,
        tpu.vector_store_idx %arg11[%select_n3A_374], %sub3A_368 : memref<8192xi32, #tpu.memory_space<vmem>>[vector<16xi32>], vector<16xi32>,
        %lt3A_375 = arith.constant 0 : i32
        %lt3A_376 = vector.broadcast %lt3A_375 : i32 to vector<16xi32>
        %lt3A_377 = arith.cmpi slt, %broadcast_in_dim3A_18, %lt3A_376 : vector<16xi32>
        %add3A_378 = arith.constant 16 : i32
        %add3A_379 = vector.broadcast %add3A_378 : i32 to vector<16xi32>
        %add3A_380 = arith.addi %broadcast_in_dim3A_18, %add3A_379 : vector<16xi32>
        %select_n3A_381 = arith.select %lt3A_377, %add3A_380, %broadcast_in_dim3A_18 : vector<16xi1>, vector<16xi32>
        %reshape3A = vector.shape_cast %select_n3A_381 : vector<16xi32> to vector<16x1xi32>
        %gather3A = vector.shape_cast %reshape3A : vector<16x1xi32> to vector<16xi32>
        %gather3A_382 = tpu.dynamic_gather %masked_cumsum3A[%gather3A] in [0] : vector<16xi32>, vector<16xi32> -> vector<16xi32>
        %add3A_383 = arith.addi %scan3A_356, %gather3A_382 : vector<16xi32>
        %mul3A_384 = arith.constant 5 : i32
        %mul3A_385 = arith.muli %scan3A_355, %mul3A_384 : i32
        %add3A_386 = arith.constant 1 : i32
        %add3A_387 = arith.addi %mul3A_385, %add3A_386 : i32
        %mul3A_388 = arith.constant 16 : i32
        %mul3A_389 = arith.muli %add3A_387, %mul3A_388 : i32
        %get3A_390 = arith.index_cast %mul3A_389 : i32 to index
        %get3A_391 = tpu.vector_load %arg7[%get3A_390] {strides = array<i32>} : memref<800xi32, #tpu.memory_space<vmem>>, vector<16xi32>,
        %mul3A_392 = arith.constant 16 : i32
        %mul3A_393 = arith.muli %add3A_387, %mul3A_392 : i32
        %get3A_394 = arith.index_cast %mul3A_393 : i32 to index
        %get3A_395 = tpu.vector_load %arg6[%get3A_394] {strides = array<i32>} : memref<800xi32, #tpu.memory_space<vmem>>, vector<16xi32>,
        %sub3A_396 = arith.subi %get3A_391, %broadcast_in_dim3A : vector<16xi32>
        %bitcast3A_397 = vector.bitcast %sub3A_396 : vector<16xi32> to vector<16xi32>
        %lt3A_398 = arith.cmpi ult, %bitcast3A_397, %broadcast_in_dim3A_4 : vector<16xi32>
        %select_n3A_399 = arith.select %lt3A_398, %broadcast_in_dim3A_8, %broadcast_in_dim3A_10 : vector<16xi1>, vector<16xi32>
        %broadcast_in_dim3A_400 = arith.constant true
        %broadcast_in_dim3A_401 = vector.broadcast %broadcast_in_dim3A_400 : i1 to vector<16xi1>
        %masked_cumsum3A_402 = tpu.scan <sum>, %select_n3A_399 masked %broadcast_in_dim3A_401 : vector<16xi32>, vector<16xi1> -> vector<16xi32>
        %add3A_403 = arith.addi %masked_cumsum3A_402, %add3A_383 : vector<16xi32>
        %select_n3A_404 = arith.select %lt3A_398, %add3A_403, %broadcast_in_dim3A_12 : vector<16xi1>, vector<16xi32>
        tpu.vector_store_idx %arg10[%select_n3A_404], %get3A_395 : memref<8192xi32, #tpu.memory_space<vmem>>[vector<16xi32>], vector<16xi32>,
        tpu.vector_store_idx %arg11[%select_n3A_404], %sub3A_396 : memref<8192xi32, #tpu.memory_space<vmem>>[vector<16xi32>], vector<16xi32>,
        %lt3A_405 = arith.constant 0 : i32
        %lt3A_406 = vector.broadcast %lt3A_405 : i32 to vector<16xi32>
        %lt3A_407 = arith.cmpi slt, %broadcast_in_dim3A_18, %lt3A_406 : vector<16xi32>
        %add3A_408 = arith.constant 16 : i32
        %add3A_409 = vector.broadcast %add3A_408 : i32 to vector<16xi32>
        %add3A_410 = arith.addi %broadcast_in_dim3A_18, %add3A_409 : vector<16xi32>
        %select_n3A_411 = arith.select %lt3A_407, %add3A_410, %broadcast_in_dim3A_18 : vector<16xi1>, vector<16xi32>
        %reshape3A_412 = vector.shape_cast %select_n3A_411 : vector<16xi32> to vector<16x1xi32>
        %gather3A_413 = vector.shape_cast %reshape3A_412 : vector<16x1xi32> to vector<16xi32>
        %gather3A_414 = tpu.dynamic_gather %masked_cumsum3A_402[%gather3A_413] in [0] : vector<16xi32>, vector<16xi32> -> vector<16xi32>
        %add3A_415 = arith.addi %add3A_383, %gather3A_414 : vector<16xi32>
        %mul3A_416 = arith.constant 5 : i32
        %mul3A_417 = arith.muli %scan3A_355, %mul3A_416 : i32
        %add3A_418 = arith.constant 2 : i32
        %add3A_419 = arith.addi %mul3A_417, %add3A_418 : i32
        %mul3A_420 = arith.constant 16 : i32
        %mul3A_421 = arith.muli %add3A_419, %mul3A_420 : i32
        %get3A_422 = arith.index_cast %mul3A_421 : i32 to index
        %get3A_423 = tpu.vector_load %arg7[%get3A_422] {strides = array<i32>} : memref<800xi32, #tpu.memory_space<vmem>>, vector<16xi32>,
        %mul3A_424 = arith.constant 16 : i32
        %mul3A_425 = arith.muli %add3A_419, %mul3A_424 : i32
        %get3A_426 = arith.index_cast %mul3A_425 : i32 to index
        %get3A_427 = tpu.vector_load %arg6[%get3A_426] {strides = array<i32>} : memref<800xi32, #tpu.memory_space<vmem>>, vector<16xi32>,
        %sub3A_428 = arith.subi %get3A_423, %broadcast_in_dim3A : vector<16xi32>
        %bitcast3A_429 = vector.bitcast %sub3A_428 : vector<16xi32> to vector<16xi32>
        %lt3A_430 = arith.cmpi ult, %bitcast3A_429, %broadcast_in_dim3A_4 : vector<16xi32>
        %select_n3A_431 = arith.select %lt3A_430, %broadcast_in_dim3A_8, %broadcast_in_dim3A_10 : vector<16xi1>, vector<16xi32>
        %broadcast_in_dim3A_432 = arith.constant true
        %broadcast_in_dim3A_433 = vector.broadcast %broadcast_in_dim3A_432 : i1 to vector<16xi1>
        %masked_cumsum3A_434 = tpu.scan <sum>, %select_n3A_431 masked %broadcast_in_dim3A_433 : vector<16xi32>, vector<16xi1> -> vector<16xi32>
        %add3A_435 = arith.addi %masked_cumsum3A_434, %add3A_415 : vector<16xi32>
        %select_n3A_436 = arith.select %lt3A_430, %add3A_435, %broadcast_in_dim3A_12 : vector<16xi1>, vector<16xi32>
        tpu.vector_store_idx %arg10[%select_n3A_436], %get3A_427 : memref<8192xi32, #tpu.memory_space<vmem>>[vector<16xi32>], vector<16xi32>,
        tpu.vector_store_idx %arg11[%select_n3A_436], %sub3A_428 : memref<8192xi32, #tpu.memory_space<vmem>>[vector<16xi32>], vector<16xi32>,
        %lt3A_437 = arith.constant 0 : i32
        %lt3A_438 = vector.broadcast %lt3A_437 : i32 to vector<16xi32>
        %lt3A_439 = arith.cmpi slt, %broadcast_in_dim3A_18, %lt3A_438 : vector<16xi32>
        %add3A_440 = arith.constant 16 : i32
        %add3A_441 = vector.broadcast %add3A_440 : i32 to vector<16xi32>
        %add3A_442 = arith.addi %broadcast_in_dim3A_18, %add3A_441 : vector<16xi32>
        %select_n3A_443 = arith.select %lt3A_439, %add3A_442, %broadcast_in_dim3A_18 : vector<16xi1>, vector<16xi32>
        %reshape3A_444 = vector.shape_cast %select_n3A_443 : vector<16xi32> to vector<16x1xi32>
        %gather3A_445 = vector.shape_cast %reshape3A_444 : vector<16x1xi32> to vector<16xi32>
        %gather3A_446 = tpu.dynamic_gather %masked_cumsum3A_434[%gather3A_445] in [0] : vector<16xi32>, vector<16xi32> -> vector<16xi32>
        %add3A_447 = arith.addi %add3A_415, %gather3A_446 : vector<16xi32>
        %mul3A_448 = arith.constant 5 : i32
        %mul3A_449 = arith.muli %scan3A_355, %mul3A_448 : i32
        %add3A_450 = arith.constant 3 : i32
        %add3A_451 = arith.addi %mul3A_449, %add3A_450 : i32
        %mul3A_452 = arith.constant 16 : i32
        %mul3A_453 = arith.muli %add3A_451, %mul3A_452 : i32
        %get3A_454 = arith.index_cast %mul3A_453 : i32 to index
        %get3A_455 = tpu.vector_load %arg7[%get3A_454] {strides = array<i32>} : memref<800xi32, #tpu.memory_space<vmem>>, vector<16xi32>,
        %mul3A_456 = arith.constant 16 : i32
        %mul3A_457 = arith.muli %add3A_451, %mul3A_456 : i32
        %get3A_458 = arith.index_cast %mul3A_457 : i32 to index
        %get3A_459 = tpu.vector_load %arg6[%get3A_458] {strides = array<i32>} : memref<800xi32, #tpu.memory_space<vmem>>, vector<16xi32>,
        %sub3A_460 = arith.subi %get3A_455, %broadcast_in_dim3A : vector<16xi32>
        %bitcast3A_461 = vector.bitcast %sub3A_460 : vector<16xi32> to vector<16xi32>
        %lt3A_462 = arith.cmpi ult, %bitcast3A_461, %broadcast_in_dim3A_4 : vector<16xi32>
        %select_n3A_463 = arith.select %lt3A_462, %broadcast_in_dim3A_8, %broadcast_in_dim3A_10 : vector<16xi1>, vector<16xi32>
        %broadcast_in_dim3A_464 = arith.constant true
        %broadcast_in_dim3A_465 = vector.broadcast %broadcast_in_dim3A_464 : i1 to vector<16xi1>
        %masked_cumsum3A_466 = tpu.scan <sum>, %select_n3A_463 masked %broadcast_in_dim3A_465 : vector<16xi32>, vector<16xi1> -> vector<16xi32>
        %add3A_467 = arith.addi %masked_cumsum3A_466, %add3A_447 : vector<16xi32>
        %select_n3A_468 = arith.select %lt3A_462, %add3A_467, %broadcast_in_dim3A_12 : vector<16xi1>, vector<16xi32>
        tpu.vector_store_idx %arg10[%select_n3A_468], %get3A_459 : memref<8192xi32, #tpu.memory_space<vmem>>[vector<16xi32>], vector<16xi32>,
        tpu.vector_store_idx %arg11[%select_n3A_468], %sub3A_460 : memref<8192xi32, #tpu.memory_space<vmem>>[vector<16xi32>], vector<16xi32>,
        %lt3A_469 = arith.constant 0 : i32
        %lt3A_470 = vector.broadcast %lt3A_469 : i32 to vector<16xi32>
        %lt3A_471 = arith.cmpi slt, %broadcast_in_dim3A_18, %lt3A_470 : vector<16xi32>
        %add3A_472 = arith.constant 16 : i32
        %add3A_473 = vector.broadcast %add3A_472 : i32 to vector<16xi32>
        %add3A_474 = arith.addi %broadcast_in_dim3A_18, %add3A_473 : vector<16xi32>
        %select_n3A_475 = arith.select %lt3A_471, %add3A_474, %broadcast_in_dim3A_18 : vector<16xi1>, vector<16xi32>
        %reshape3A_476 = vector.shape_cast %select_n3A_475 : vector<16xi32> to vector<16x1xi32>
        %gather3A_477 = vector.shape_cast %reshape3A_476 : vector<16x1xi32> to vector<16xi32>
        %gather3A_478 = tpu.dynamic_gather %masked_cumsum3A_466[%gather3A_477] in [0] : vector<16xi32>, vector<16xi32> -> vector<16xi32>
        %add3A_479 = arith.addi %add3A_447, %gather3A_478 : vector<16xi32>
        %mul3A_480 = arith.constant 5 : i32
        %mul3A_481 = arith.muli %scan3A_355, %mul3A_480 : i32
        %add3A_482 = arith.constant 4 : i32
        %add3A_483 = arith.addi %mul3A_481, %add3A_482 : i32
        %mul3A_484 = arith.constant 16 : i32
        %mul3A_485 = arith.muli %add3A_483, %mul3A_484 : i32
        %get3A_486 = arith.index_cast %mul3A_485 : i32 to index
        %get3A_487 = tpu.vector_load %arg7[%get3A_486] {strides = array<i32>} : memref<800xi32, #tpu.memory_space<vmem>>, vector<16xi32>,
        %mul3A_488 = arith.constant 16 : i32
        %mul3A_489 = arith.muli %add3A_483, %mul3A_488 : i32
        %get3A_490 = arith.index_cast %mul3A_489 : i32 to index
        %get3A_491 = tpu.vector_load %arg6[%get3A_490] {strides = array<i32>} : memref<800xi32, #tpu.memory_space<vmem>>, vector<16xi32>,
        %sub3A_492 = arith.subi %get3A_487, %broadcast_in_dim3A : vector<16xi32>
        %bitcast3A_493 = vector.bitcast %sub3A_492 : vector<16xi32> to vector<16xi32>
        %lt3A_494 = arith.cmpi ult, %bitcast3A_493, %broadcast_in_dim3A_4 : vector<16xi32>
        %select_n3A_495 = arith.select %lt3A_494, %broadcast_in_dim3A_8, %broadcast_in_dim3A_10 : vector<16xi1>, vector<16xi32>
        %broadcast_in_dim3A_496 = arith.constant true
        %broadcast_in_dim3A_497 = vector.broadcast %broadcast_in_dim3A_496 : i1 to vector<16xi1>
        %masked_cumsum3A_498 = tpu.scan <sum>, %select_n3A_495 masked %broadcast_in_dim3A_497 : vector<16xi32>, vector<16xi1> -> vector<16xi32>
        %add3A_499 = arith.addi %masked_cumsum3A_498, %add3A_479 : vector<16xi32>
        %select_n3A_500 = arith.select %lt3A_494, %add3A_499, %broadcast_in_dim3A_12 : vector<16xi1>, vector<16xi32>
        tpu.vector_store_idx %arg10[%select_n3A_500], %get3A_491 : memref<8192xi32, #tpu.memory_space<vmem>>[vector<16xi32>], vector<16xi32>,
        tpu.vector_store_idx %arg11[%select_n3A_500], %sub3A_492 : memref<8192xi32, #tpu.memory_space<vmem>>[vector<16xi32>], vector<16xi32>,
        %lt3A_501 = arith.constant 0 : i32
        %lt3A_502 = vector.broadcast %lt3A_501 : i32 to vector<16xi32>
        %lt3A_503 = arith.cmpi slt, %broadcast_in_dim3A_18, %lt3A_502 : vector<16xi32>
        %add3A_504 = arith.constant 16 : i32
        %add3A_505 = vector.broadcast %add3A_504 : i32 to vector<16xi32>
        %add3A_506 = arith.addi %broadcast_in_dim3A_18, %add3A_505 : vector<16xi32>
        %select_n3A_507 = arith.select %lt3A_503, %add3A_506, %broadcast_in_dim3A_18 : vector<16xi1>, vector<16xi32>
        %reshape3A_508 = vector.shape_cast %select_n3A_507 : vector<16xi32> to vector<16x1xi32>
        %gather3A_509 = vector.shape_cast %reshape3A_508 : vector<16x1xi32> to vector<16xi32>
        %gather3A_510 = tpu.dynamic_gather %masked_cumsum3A_498[%gather3A_509] in [0] : vector<16xi32>, vector<16xi32> -> vector<16xi32>
        %add3A_511 = arith.addi %add3A_479, %gather3A_510 : vector<16xi32>
        scf.yield %add3A_511 : vector<16xi32>
      }
      %scan3A_267 = arith.constant 10 : i32
      %mul3A_268 = arith.constant 2 : i32
      %mul3A_269 = arith.muli %scan3A_252, %mul3A_268 : i32
      %add3A_270 = arith.constant 0 : i32
      %add3A_271 = arith.addi %mul3A_269, %add3A_270 : i32
      %add3A_272 = arith.constant 2 : i32
      %add3A_273 = arith.addi %add3A_271, %add3A_272 : i32
      %add3A_274 = arith.addi %add3A_273, %add3A : i32
      %jit3A_275 = arith.constant 200 : i32
      %eq3A_276 = arith.constant 0 : i32
      %eq3A_277 = arith.cmpi eq, %jit3A_275, %eq3A_276 : i32
      %jit3A_278 = arith.constant 1 : i32
      %select_n3A_279 = arith.select %eq3A_277, %jit3A_278, %jit3A_275 : i32
      %rem3A_280 = arith.remsi %add3A_274, %select_n3A_279 : i32
      %ne3A_281 = arith.constant 0 : i32
      %ne3A_282 = arith.cmpi ne, %rem3A_280, %ne3A_281 : i32
      %lt3A_283 = arith.constant 0 : i32
      %lt3A_284 = arith.cmpi slt, %rem3A_280, %lt3A_283 : i32
      %lt3A_285 = arith.constant 0 : i32
      %lt3A_286 = arith.cmpi slt, %select_n3A_279, %lt3A_285 : i32
      %ne3A_287 = arith.xori %lt3A_284, %lt3A_286 : i1
      %and3A_288 = arith.andi %ne3A_287, %ne3A_282 : i1
      %add3A_289 = arith.addi %rem3A_280, %select_n3A_279 : i32
      %select_n3A_290 = arith.select %and3A_288, %add3A_289, %rem3A_280 : i32
      %mul3A_291 = arith.constant 800 : i32
      %mul3A_292 = arith.muli %select_n3A_290, %mul3A_291 : i32
      %dma_start3A_293 = tpu.memref_slice %arg3[%mul3A_292] : memref<160000xi32, #tpu.memory_space<hbm>> -> memref<800xi32, #tpu.memory_space<hbm>>
      %dma_start3A_294 = tpu.memref_slice %arg3[%mul3A_292] : memref<160000xi32, #tpu.memory_space<hbm>> -> memref<800xi32, #tpu.memory_space<hbm>>
      tpu.enqueue_dma source(%dma_start3A_294 : memref<800xi32, #tpu.memory_space<hbm>>) target(%arg6 : memref<800xi32, #tpu.memory_space<vmem>>) target_semaphore(%arg16 : memref<!tpu.dma_semaphore, #tpu.memory_space<semaphore_mem>>)
      %dma_start3A_295 = tpu.memref_slice %arg4[%mul3A_292] : memref<160000xi32, #tpu.memory_space<hbm>> -> memref<800xi32, #tpu.memory_space<hbm>>
      %dma_start3A_296 = tpu.memref_slice %arg4[%mul3A_292] : memref<160000xi32, #tpu.memory_space<hbm>> -> memref<800xi32, #tpu.memory_space<hbm>>
      tpu.enqueue_dma source(%dma_start3A_296 : memref<800xi32, #tpu.memory_space<hbm>>) target(%arg7 : memref<800xi32, #tpu.memory_space<vmem>>) target_semaphore(%arg16 : memref<!tpu.dma_semaphore, #tpu.memory_space<semaphore_mem>>)
      %dma_wait3A_297 = arith.constant 0 : i32
      %dma_wait3A_298 = tpu.memref_slice %arg3[%dma_wait3A_297] : memref<160000xi32, #tpu.memory_space<hbm>> -> memref<800xi32, #tpu.memory_space<hbm>>
      %dma_wait3A_299 = arith.constant 0 : i32
      %dma_wait3A_300 = tpu.memref_slice %arg3[%dma_wait3A_299] : memref<160000xi32, #tpu.memory_space<hbm>> -> memref<800xi32, #tpu.memory_space<hbm>>
      tpu.wait_dma2 semaphore(%arg17 : memref<!tpu.dma_semaphore, #tpu.memory_space<semaphore_mem>>) src(%dma_wait3A_300 : memref<800xi32, #tpu.memory_space<hbm>>) dst(%arg8 : memref<800xi32, #tpu.memory_space<vmem>>)
      %dma_wait3A_301 = arith.constant 0 : i32
      %dma_wait3A_302 = tpu.memref_slice %arg4[%dma_wait3A_301] : memref<160000xi32, #tpu.memory_space<hbm>> -> memref<800xi32, #tpu.memory_space<hbm>>
      %dma_wait3A_303 = arith.constant 0 : i32
      %dma_wait3A_304 = tpu.memref_slice %arg4[%dma_wait3A_303] : memref<160000xi32, #tpu.memory_space<hbm>> -> memref<800xi32, #tpu.memory_space<hbm>>
      tpu.wait_dma2 semaphore(%arg17 : memref<!tpu.dma_semaphore, #tpu.memory_space<semaphore_mem>>) src(%dma_wait3A_304 : memref<800xi32, #tpu.memory_space<hbm>>) dst(%arg9 : memref<800xi32, #tpu.memory_space<vmem>>)
      %scan3A_305 = arith.constant 0 : i32
      %scan3A_306 = arith.constant 10 : i32
      %scan3A_307 = arith.addi %scan3A_305, %scan3A_306 : i32
      %scan3A_308 = arith.constant 1 : i32
      %scan3A_309 = scf.for %scan3A_355 = %scan3A_305 to %scan3A_307 step %scan3A_308 iter_args(%scan3A_356 = %scan3A_266) -> (vector<16xi32>)  : i32 {
        %mul3A_357 = arith.constant 5 : i32
        %mul3A_358 = arith.muli %scan3A_355, %mul3A_357 : i32
        %add3A_359 = arith.constant 0 : i32
        %add3A_360 = arith.addi %mul3A_358, %add3A_359 : i32
        %mul3A_361 = arith.constant 16 : i32
        %mul3A_362 = arith.muli %add3A_360, %mul3A_361 : i32
        %get3A = arith.index_cast %mul3A_362 : i32 to index
        %get3A_363 = tpu.vector_load %arg9[%get3A] {strides = array<i32>} : memref<800xi32, #tpu.memory_space<vmem>>, vector<16xi32>,
        %mul3A_364 = arith.constant 16 : i32
        %mul3A_365 = arith.muli %add3A_360, %mul3A_364 : i32
        %get3A_366 = arith.index_cast %mul3A_365 : i32 to index
        %get3A_367 = tpu.vector_load %arg8[%get3A_366] {strides = array<i32>} : memref<800xi32, #tpu.memory_space<vmem>>, vector<16xi32>,
        %sub3A_368 = arith.subi %get3A_363, %broadcast_in_dim3A : vector<16xi32>
        %bitcast3A = vector.bitcast %sub3A_368 : vector<16xi32> to vector<16xi32>
        %lt3A_369 = arith.cmpi ult, %bitcast3A, %broadcast_in_dim3A_4 : vector<16xi32>
        %select_n3A_370 = arith.select %lt3A_369, %broadcast_in_dim3A_8, %broadcast_in_dim3A_10 : vector<16xi1>, vector<16xi32>
        %broadcast_in_dim3A_371 = arith.constant true
        %broadcast_in_dim3A_372 = vector.broadcast %broadcast_in_dim3A_371 : i1 to vector<16xi1>
        %masked_cumsum3A = tpu.scan <sum>, %select_n3A_370 masked %broadcast_in_dim3A_372 : vector<16xi32>, vector<16xi1> -> vector<16xi32>
        %add3A_373 = arith.addi %masked_cumsum3A, %scan3A_356 : vector<16xi32>
        %select_n3A_374 = arith.select %lt3A_369, %add3A_373, %broadcast_in_dim3A_12 : vector<16xi1>, vector<16xi32>
        tpu.vector_store_idx %arg10[%select_n3A_374], %get3A_367 : memref<8192xi32, #tpu.memory_space<vmem>>[vector<16xi32>], vector<16xi32>,
        tpu.vector_store_idx %arg11[%select_n3A_374], %sub3A_368 : memref<8192xi32, #tpu.memory_space<vmem>>[vector<16xi32>], vector<16xi32>,
        %lt3A_375 = arith.constant 0 : i32
        %lt3A_376 = vector.broadcast %lt3A_375 : i32 to vector<16xi32>
        %lt3A_377 = arith.cmpi slt, %broadcast_in_dim3A_18, %lt3A_376 : vector<16xi32>
        %add3A_378 = arith.constant 16 : i32
        %add3A_379 = vector.broadcast %add3A_378 : i32 to vector<16xi32>
        %add3A_380 = arith.addi %broadcast_in_dim3A_18, %add3A_379 : vector<16xi32>
        %select_n3A_381 = arith.select %lt3A_377, %add3A_380, %broadcast_in_dim3A_18 : vector<16xi1>, vector<16xi32>
        %reshape3A = vector.shape_cast %select_n3A_381 : vector<16xi32> to vector<16x1xi32>
        %gather3A = vector.shape_cast %reshape3A : vector<16x1xi32> to vector<16xi32>
        %gather3A_382 = tpu.dynamic_gather %masked_cumsum3A[%gather3A] in [0] : vector<16xi32>, vector<16xi32> -> vector<16xi32>
        %add3A_383 = arith.addi %scan3A_356, %gather3A_382 : vector<16xi32>
        %mul3A_384 = arith.constant 5 : i32
        %mul3A_385 = arith.muli %scan3A_355, %mul3A_384 : i32
        %add3A_386 = arith.constant 1 : i32
        %add3A_387 = arith.addi %mul3A_385, %add3A_386 : i32
        %mul3A_388 = arith.constant 16 : i32
        %mul3A_389 = arith.muli %add3A_387, %mul3A_388 : i32
        %get3A_390 = arith.index_cast %mul3A_389 : i32 to index
        %get3A_391 = tpu.vector_load %arg9[%get3A_390] {strides = array<i32>} : memref<800xi32, #tpu.memory_space<vmem>>, vector<16xi32>,
        %mul3A_392 = arith.constant 16 : i32
        %mul3A_393 = arith.muli %add3A_387, %mul3A_392 : i32
        %get3A_394 = arith.index_cast %mul3A_393 : i32 to index
        %get3A_395 = tpu.vector_load %arg8[%get3A_394] {strides = array<i32>} : memref<800xi32, #tpu.memory_space<vmem>>, vector<16xi32>,
        %sub3A_396 = arith.subi %get3A_391, %broadcast_in_dim3A : vector<16xi32>
        %bitcast3A_397 = vector.bitcast %sub3A_396 : vector<16xi32> to vector<16xi32>
        %lt3A_398 = arith.cmpi ult, %bitcast3A_397, %broadcast_in_dim3A_4 : vector<16xi32>
        %select_n3A_399 = arith.select %lt3A_398, %broadcast_in_dim3A_8, %broadcast_in_dim3A_10 : vector<16xi1>, vector<16xi32>
        %broadcast_in_dim3A_400 = arith.constant true
        %broadcast_in_dim3A_401 = vector.broadcast %broadcast_in_dim3A_400 : i1 to vector<16xi1>
        %masked_cumsum3A_402 = tpu.scan <sum>, %select_n3A_399 masked %broadcast_in_dim3A_401 : vector<16xi32>, vector<16xi1> -> vector<16xi32>
        %add3A_403 = arith.addi %masked_cumsum3A_402, %add3A_383 : vector<16xi32>
        %select_n3A_404 = arith.select %lt3A_398, %add3A_403, %broadcast_in_dim3A_12 : vector<16xi1>, vector<16xi32>
        tpu.vector_store_idx %arg10[%select_n3A_404], %get3A_395 : memref<8192xi32, #tpu.memory_space<vmem>>[vector<16xi32>], vector<16xi32>,
        tpu.vector_store_idx %arg11[%select_n3A_404], %sub3A_396 : memref<8192xi32, #tpu.memory_space<vmem>>[vector<16xi32>], vector<16xi32>,
        %lt3A_405 = arith.constant 0 : i32
        %lt3A_406 = vector.broadcast %lt3A_405 : i32 to vector<16xi32>
        %lt3A_407 = arith.cmpi slt, %broadcast_in_dim3A_18, %lt3A_406 : vector<16xi32>
        %add3A_408 = arith.constant 16 : i32
        %add3A_409 = vector.broadcast %add3A_408 : i32 to vector<16xi32>
        %add3A_410 = arith.addi %broadcast_in_dim3A_18, %add3A_409 : vector<16xi32>
        %select_n3A_411 = arith.select %lt3A_407, %add3A_410, %broadcast_in_dim3A_18 : vector<16xi1>, vector<16xi32>
        %reshape3A_412 = vector.shape_cast %select_n3A_411 : vector<16xi32> to vector<16x1xi32>
        %gather3A_413 = vector.shape_cast %reshape3A_412 : vector<16x1xi32> to vector<16xi32>
        %gather3A_414 = tpu.dynamic_gather %masked_cumsum3A_402[%gather3A_413] in [0] : vector<16xi32>, vector<16xi32> -> vector<16xi32>
        %add3A_415 = arith.addi %add3A_383, %gather3A_414 : vector<16xi32>
        %mul3A_416 = arith.constant 5 : i32
        %mul3A_417 = arith.muli %scan3A_355, %mul3A_416 : i32
        %add3A_418 = arith.constant 2 : i32
        %add3A_419 = arith.addi %mul3A_417, %add3A_418 : i32
        %mul3A_420 = arith.constant 16 : i32
        %mul3A_421 = arith.muli %add3A_419, %mul3A_420 : i32
        %get3A_422 = arith.index_cast %mul3A_421 : i32 to index
        %get3A_423 = tpu.vector_load %arg9[%get3A_422] {strides = array<i32>} : memref<800xi32, #tpu.memory_space<vmem>>, vector<16xi32>,
        %mul3A_424 = arith.constant 16 : i32
        %mul3A_425 = arith.muli %add3A_419, %mul3A_424 : i32
        %get3A_426 = arith.index_cast %mul3A_425 : i32 to index
        %get3A_427 = tpu.vector_load %arg8[%get3A_426] {strides = array<i32>} : memref<800xi32, #tpu.memory_space<vmem>>, vector<16xi32>,
        %sub3A_428 = arith.subi %get3A_423, %broadcast_in_dim3A : vector<16xi32>
        %bitcast3A_429 = vector.bitcast %sub3A_428 : vector<16xi32> to vector<16xi32>
        %lt3A_430 = arith.cmpi ult, %bitcast3A_429, %broadcast_in_dim3A_4 : vector<16xi32>
        %select_n3A_431 = arith.select %lt3A_430, %broadcast_in_dim3A_8, %broadcast_in_dim3A_10 : vector<16xi1>, vector<16xi32>
        %broadcast_in_dim3A_432 = arith.constant true
        %broadcast_in_dim3A_433 = vector.broadcast %broadcast_in_dim3A_432 : i1 to vector<16xi1>
        %masked_cumsum3A_434 = tpu.scan <sum>, %select_n3A_431 masked %broadcast_in_dim3A_433 : vector<16xi32>, vector<16xi1> -> vector<16xi32>
        %add3A_435 = arith.addi %masked_cumsum3A_434, %add3A_415 : vector<16xi32>
        %select_n3A_436 = arith.select %lt3A_430, %add3A_435, %broadcast_in_dim3A_12 : vector<16xi1>, vector<16xi32>
        tpu.vector_store_idx %arg10[%select_n3A_436], %get3A_427 : memref<8192xi32, #tpu.memory_space<vmem>>[vector<16xi32>], vector<16xi32>,
        tpu.vector_store_idx %arg11[%select_n3A_436], %sub3A_428 : memref<8192xi32, #tpu.memory_space<vmem>>[vector<16xi32>], vector<16xi32>,
        %lt3A_437 = arith.constant 0 : i32
        %lt3A_438 = vector.broadcast %lt3A_437 : i32 to vector<16xi32>
        %lt3A_439 = arith.cmpi slt, %broadcast_in_dim3A_18, %lt3A_438 : vector<16xi32>
        %add3A_440 = arith.constant 16 : i32
        %add3A_441 = vector.broadcast %add3A_440 : i32 to vector<16xi32>
        %add3A_442 = arith.addi %broadcast_in_dim3A_18, %add3A_441 : vector<16xi32>
        %select_n3A_443 = arith.select %lt3A_439, %add3A_442, %broadcast_in_dim3A_18 : vector<16xi1>, vector<16xi32>
        %reshape3A_444 = vector.shape_cast %select_n3A_443 : vector<16xi32> to vector<16x1xi32>
        %gather3A_445 = vector.shape_cast %reshape3A_444 : vector<16x1xi32> to vector<16xi32>
        %gather3A_446 = tpu.dynamic_gather %masked_cumsum3A_434[%gather3A_445] in [0] : vector<16xi32>, vector<16xi32> -> vector<16xi32>
        %add3A_447 = arith.addi %add3A_415, %gather3A_446 : vector<16xi32>
        %mul3A_448 = arith.constant 5 : i32
        %mul3A_449 = arith.muli %scan3A_355, %mul3A_448 : i32
        %add3A_450 = arith.constant 3 : i32
        %add3A_451 = arith.addi %mul3A_449, %add3A_450 : i32
        %mul3A_452 = arith.constant 16 : i32
        %mul3A_453 = arith.muli %add3A_451, %mul3A_452 : i32
        %get3A_454 = arith.index_cast %mul3A_453 : i32 to index
        %get3A_455 = tpu.vector_load %arg9[%get3A_454] {strides = array<i32>} : memref<800xi32, #tpu.memory_space<vmem>>, vector<16xi32>,
        %mul3A_456 = arith.constant 16 : i32
        %mul3A_457 = arith.muli %add3A_451, %mul3A_456 : i32
        %get3A_458 = arith.index_cast %mul3A_457 : i32 to index
        %get3A_459 = tpu.vector_load %arg8[%get3A_458] {strides = array<i32>} : memref<800xi32, #tpu.memory_space<vmem>>, vector<16xi32>,
        %sub3A_460 = arith.subi %get3A_455, %broadcast_in_dim3A : vector<16xi32>
        %bitcast3A_461 = vector.bitcast %sub3A_460 : vector<16xi32> to vector<16xi32>
        %lt3A_462 = arith.cmpi ult, %bitcast3A_461, %broadcast_in_dim3A_4 : vector<16xi32>
        %select_n3A_463 = arith.select %lt3A_462, %broadcast_in_dim3A_8, %broadcast_in_dim3A_10 : vector<16xi1>, vector<16xi32>
        %broadcast_in_dim3A_464 = arith.constant true
        %broadcast_in_dim3A_465 = vector.broadcast %broadcast_in_dim3A_464 : i1 to vector<16xi1>
        %masked_cumsum3A_466 = tpu.scan <sum>, %select_n3A_463 masked %broadcast_in_dim3A_465 : vector<16xi32>, vector<16xi1> -> vector<16xi32>
        %add3A_467 = arith.addi %masked_cumsum3A_466, %add3A_447 : vector<16xi32>
        %select_n3A_468 = arith.select %lt3A_462, %add3A_467, %broadcast_in_dim3A_12 : vector<16xi1>, vector<16xi32>
        tpu.vector_store_idx %arg10[%select_n3A_468], %get3A_459 : memref<8192xi32, #tpu.memory_space<vmem>>[vector<16xi32>], vector<16xi32>,
        tpu.vector_store_idx %arg11[%select_n3A_468], %sub3A_460 : memref<8192xi32, #tpu.memory_space<vmem>>[vector<16xi32>], vector<16xi32>,
        %lt3A_469 = arith.constant 0 : i32
        %lt3A_470 = vector.broadcast %lt3A_469 : i32 to vector<16xi32>
        %lt3A_471 = arith.cmpi slt, %broadcast_in_dim3A_18, %lt3A_470 : vector<16xi32>
        %add3A_472 = arith.constant 16 : i32
        %add3A_473 = vector.broadcast %add3A_472 : i32 to vector<16xi32>
        %add3A_474 = arith.addi %broadcast_in_dim3A_18, %add3A_473 : vector<16xi32>
        %select_n3A_475 = arith.select %lt3A_471, %add3A_474, %broadcast_in_dim3A_18 : vector<16xi1>, vector<16xi32>
        %reshape3A_476 = vector.shape_cast %select_n3A_475 : vector<16xi32> to vector<16x1xi32>
        %gather3A_477 = vector.shape_cast %reshape3A_476 : vector<16x1xi32> to vector<16xi32>
        %gather3A_478 = tpu.dynamic_gather %masked_cumsum3A_466[%gather3A_477] in [0] : vector<16xi32>, vector<16xi32> -> vector<16xi32>
        %add3A_479 = arith.addi %add3A_447, %gather3A_478 : vector<16xi32>
        %mul3A_480 = arith.constant 5 : i32
        %mul3A_481 = arith.muli %scan3A_355, %mul3A_480 : i32
        %add3A_482 = arith.constant 4 : i32
        %add3A_483 = arith.addi %mul3A_481, %add3A_482 : i32
        %mul3A_484 = arith.constant 16 : i32
        %mul3A_485 = arith.muli %add3A_483, %mul3A_484 : i32
        %get3A_486 = arith.index_cast %mul3A_485 : i32 to index
        %get3A_487 = tpu.vector_load %arg9[%get3A_486] {strides = array<i32>} : memref<800xi32, #tpu.memory_space<vmem>>, vector<16xi32>,
        %mul3A_488 = arith.constant 16 : i32
        %mul3A_489 = arith.muli %add3A_483, %mul3A_488 : i32
        %get3A_490 = arith.index_cast %mul3A_489 : i32 to index
        %get3A_491 = tpu.vector_load %arg8[%get3A_490] {strides = array<i32>} : memref<800xi32, #tpu.memory_space<vmem>>, vector<16xi32>,
        %sub3A_492 = arith.subi %get3A_487, %broadcast_in_dim3A : vector<16xi32>
        %bitcast3A_493 = vector.bitcast %sub3A_492 : vector<16xi32> to vector<16xi32>
        %lt3A_494 = arith.cmpi ult, %bitcast3A_493, %broadcast_in_dim3A_4 : vector<16xi32>
        %select_n3A_495 = arith.select %lt3A_494, %broadcast_in_dim3A_8, %broadcast_in_dim3A_10 : vector<16xi1>, vector<16xi32>
        %broadcast_in_dim3A_496 = arith.constant true
        %broadcast_in_dim3A_497 = vector.broadcast %broadcast_in_dim3A_496 : i1 to vector<16xi1>
        %masked_cumsum3A_498 = tpu.scan <sum>, %select_n3A_495 masked %broadcast_in_dim3A_497 : vector<16xi32>, vector<16xi1> -> vector<16xi32>
        %add3A_499 = arith.addi %masked_cumsum3A_498, %add3A_479 : vector<16xi32>
        %select_n3A_500 = arith.select %lt3A_494, %add3A_499, %broadcast_in_dim3A_12 : vector<16xi1>, vector<16xi32>
        tpu.vector_store_idx %arg10[%select_n3A_500], %get3A_491 : memref<8192xi32, #tpu.memory_space<vmem>>[vector<16xi32>], vector<16xi32>,
        tpu.vector_store_idx %arg11[%select_n3A_500], %sub3A_492 : memref<8192xi32, #tpu.memory_space<vmem>>[vector<16xi32>], vector<16xi32>,
        %lt3A_501 = arith.constant 0 : i32
        %lt3A_502 = vector.broadcast %lt3A_501 : i32 to vector<16xi32>
        %lt3A_503 = arith.cmpi slt, %broadcast_in_dim3A_18, %lt3A_502 : vector<16xi32>
        %add3A_504 = arith.constant 16 : i32
        %add3A_505 = vector.broadcast %add3A_504 : i32 to vector<16xi32>
        %add3A_506 = arith.addi %broadcast_in_dim3A_18, %add3A_505 : vector<16xi32>
        %select_n3A_507 = arith.select %lt3A_503, %add3A_506, %broadcast_in_dim3A_18 : vector<16xi1>, vector<16xi32>
        %reshape3A_508 = vector.shape_cast %select_n3A_507 : vector<16xi32> to vector<16x1xi32>
        %gather3A_509 = vector.shape_cast %reshape3A_508 : vector<16x1xi32> to vector<16xi32>
        %gather3A_510 = tpu.dynamic_gather %masked_cumsum3A_498[%gather3A_509] in [0] : vector<16xi32>, vector<16xi32> -> vector<16xi32>
        %add3A_511 = arith.addi %add3A_479, %gather3A_510 : vector<16xi32>
        scf.yield %add3A_511 : vector<16xi32>
      }
      %scan3A_310 = arith.constant 10 : i32
      %mul3A_311 = arith.constant 2 : i32
      %mul3A_312 = arith.muli %scan3A_252, %mul3A_311 : i32
      %add3A_313 = arith.constant 1 : i32
      %add3A_314 = arith.addi %mul3A_312, %add3A_313 : i32
      %add3A_315 = arith.constant 2 : i32
      %add3A_316 = arith.addi %add3A_314, %add3A_315 : i32
      %add3A_317 = arith.addi %add3A_316, %add3A : i32
      %jit3A_318 = arith.constant 200 : i32
      %eq3A_319 = arith.constant 0 : i32
      %eq3A_320 = arith.cmpi eq, %jit3A_318, %eq3A_319 : i32
      %jit3A_321 = arith.constant 1 : i32
      %select_n3A_322 = arith.select %eq3A_320, %jit3A_321, %jit3A_318 : i32
      %rem3A_323 = arith.remsi %add3A_317, %select_n3A_322 : i32
      %ne3A_324 = arith.constant 0 : i32
      %ne3A_325 = arith.cmpi ne, %rem3A_323, %ne3A_324 : i32
      %lt3A_326 = arith.constant 0 : i32
      %lt3A_327 = arith.cmpi slt, %rem3A_323, %lt3A_326 : i32
      %lt3A_328 = arith.constant 0 : i32
      %lt3A_329 = arith.cmpi slt, %select_n3A_322, %lt3A_328 : i32
      %ne3A_330 = arith.xori %lt3A_327, %lt3A_329 : i1
      %and3A_331 = arith.andi %ne3A_330, %ne3A_325 : i1
      %add3A_332 = arith.addi %rem3A_323, %select_n3A_322 : i32
      %select_n3A_333 = arith.select %and3A_331, %add3A_332, %rem3A_323 : i32
      %mul3A_334 = arith.constant 800 : i32
      %mul3A_335 = arith.muli %select_n3A_333, %mul3A_334 : i32
      %dma_start3A_336 = tpu.memref_slice %arg3[%mul3A_335] : memref<160000xi32, #tpu.memory_space<hbm>> -> memref<800xi32, #tpu.memory_space<hbm>>
      %dma_start3A_337 = tpu.memref_slice %arg3[%mul3A_335] : memref<160000xi32, #tpu.memory_space<hbm>> -> memref<800xi32, #tpu.memory_space<hbm>>
      tpu.enqueue_dma source(%dma_start3A_337 : memref<800xi32, #tpu.memory_space<hbm>>) target(%arg8 : memref<800xi32, #tpu.memory_space<vmem>>) target_semaphore(%arg17 : memref<!tpu.dma_semaphore, #tpu.memory_space<semaphore_mem>>)
      %dma_start3A_338 = tpu.memref_slice %arg4[%mul3A_335] : memref<160000xi32, #tpu.memory_space<hbm>> -> memref<800xi32, #tpu.memory_space<hbm>>
      %dma_start3A_339 = tpu.memref_slice %arg4[%mul3A_335] : memref<160000xi32, #tpu.memory_space<hbm>> -> memref<800xi32, #tpu.memory_space<hbm>>
      tpu.enqueue_dma source(%dma_start3A_339 : memref<800xi32, #tpu.memory_space<hbm>>) target(%arg9 : memref<800xi32, #tpu.memory_space<vmem>>) target_semaphore(%arg17 : memref<!tpu.dma_semaphore, #tpu.memory_space<semaphore_mem>>)
      %eq3A_340 = arith.constant 0 : i32
      %eq3A_341 = vector.broadcast %eq3A_340 : i32 to vector<16xi32>
      %eq3A_342 = arith.cmpi eq, %iota3A, %eq3A_341 : vector<16xi32>
      %select_n3A_343 = arith.select %eq3A_342, %scan3A_309, %broadcast_in_dim3A_10 : vector<16xi1>, vector<16xi32>
      %reduce_sum3A_344 = arith.constant true
      %reduce_sum3A_345 = vector.broadcast %reduce_sum3A_344 : i1 to vector<16xi1>
      %reduce_sum3A_346 = tpu.scan <sum>, %select_n3A_343 masked %reduce_sum3A_345 : vector<16xi32>, vector<16xi1> -> vector<16xi32>
      %reduce_sum3A_347 = vector.extract %reduce_sum3A_346[15] : i32 from vector<16xi32>
      %add3A_348 = arith.constant 1 : i32
      %add3A_349 = arith.addi %reduce_sum3A_347, %add3A_348 : i32
      %ge3A = arith.constant 6560 : i32
      %ge3A_350 = arith.cmpi sge, %add3A_349, %ge3A : i32
      %convert_element_type3A_351 = arith.extui %ge3A_350 : i1 to i32
      %cond3A_352 = arith.constant 0 : i32
      %cond3A_353 = arith.cmpi ne, %convert_element_type3A_351, %cond3A_352 : i32
      %cond3A_354 = scf.if %cond3A_353 -> (vector<16xi32>) {
        %eq3A_355 = arith.constant 0 : i32
        %eq3A_356 = vector.broadcast %eq3A_355 : i32 to vector<16xi32>
        %eq3A_357 = arith.cmpi eq, %iota3A, %eq3A_356 : vector<16xi32>
        %select_n3A_358 = arith.select %eq3A_357, %scan3A_309, %broadcast_in_dim3A_10 : vector<16xi1>, vector<16xi32>
        %reduce_sum3A_359 = arith.constant true
        %reduce_sum3A_360 = vector.broadcast %reduce_sum3A_359 : i1 to vector<16xi1>
        %reduce_sum3A_361 = tpu.scan <sum>, %select_n3A_358 masked %reduce_sum3A_360 : vector<16xi32>, vector<16xi1> -> vector<16xi32>
        %reduce_sum3A_362 = vector.extract %reduce_sum3A_361[15] : i32 from vector<16xi32>
        %add3A_363 = arith.constant 1 : i32
        %add3A_364 = arith.addi %reduce_sum3A_362, %add3A_363 : i32
        %add3A_365 = arith.constant 0 : i32
        %add3A_366 = arith.addi %add3A_364, %add3A_365 : i32
        %swap3A_367 = arith.index_cast %add3A_366 : i32 to index
        %swap3A_368 = tpu.vector_load %arg10[%swap3A_367] {strides = array<i32>} : memref<8192xi32, #tpu.memory_space<vmem>>, vector<16xi32>,
        tpu.vector_store %arg10[%swap3A_367], %broadcast_in_dim3A_10 {strides = array<i32>} : memref<8192xi32, #tpu.memory_space<vmem>>, vector<16xi32>,
        %add3A_369 = arith.constant 0 : i32
        %add3A_370 = arith.addi %add3A_364, %add3A_369 : i32
        %swap3A_371 = arith.index_cast %add3A_370 : i32 to index
        %swap3A_372 = tpu.vector_load %arg11[%swap3A_371] {strides = array<i32>} : memref<8192xi32, #tpu.memory_space<vmem>>, vector<16xi32>,
        tpu.vector_store %arg11[%swap3A_371], %broadcast_in_dim3A_16 {strides = array<i32>} : memref<8192xi32, #tpu.memory_space<vmem>>, vector<16xi32>,
        %add3A_373 = arith.constant 16 : i32
        %add3A_374 = arith.addi %add3A_364, %add3A_373 : i32
        %swap3A_375 = arith.index_cast %add3A_374 : i32 to index
        %swap3A_376 = tpu.vector_load %arg10[%swap3A_375] {strides = array<i32>} : memref<8192xi32, #tpu.memory_space<vmem>>, vector<16xi32>,
        tpu.vector_store %arg10[%swap3A_375], %broadcast_in_dim3A_10 {strides = array<i32>} : memref<8192xi32, #tpu.memory_space<vmem>>, vector<16xi32>,
        %add3A_377 = arith.constant 16 : i32
        %add3A_378 = arith.addi %add3A_364, %add3A_377 : i32
        %swap3A_379 = arith.index_cast %add3A_378 : i32 to index
        %swap3A_380 = tpu.vector_load %arg11[%swap3A_379] {strides = array<i32>} : memref<8192xi32, #tpu.memory_space<vmem>>, vector<16xi32>,
        tpu.vector_store %arg11[%swap3A_379], %broadcast_in_dim3A_16 {strides = array<i32>} : memref<8192xi32, #tpu.memory_space<vmem>>, vector<16xi32>,
        %add3A_381 = arith.constant 16 : i32
        %add3A_382 = arith.addi %add3A_364, %add3A_381 : i32
        %sub3A_383 = arith.constant 1 : i32
        %sub3A_384 = arith.subi %add3A_382, %sub3A_383 : i32
        %jit3A_385 = arith.constant 16 : i32
        %div3A_386 = arith.divsi %sub3A_384, %jit3A_385 : i32
        %sign3A_387 = arith.constant 0 : i32
        %sign3A_388 = arith.cmpi sgt, %sub3A_384, %sign3A_387 : i32
        %sign3A_389 = arith.extui %sign3A_388 : i1 to i32
        %sign3A_390 = arith.constant 0 : i32
        %sign3A_391 = arith.cmpi slt, %sub3A_384, %sign3A_390 : i32
        %sign3A_392 = arith.extui %sign3A_391 : i1 to i32
        %sign3A_393 = arith.subi %sign3A_389, %sign3A_392 : i32
        %sign3A_394 = arith.constant 0 : i32
        %sign3A_395 = arith.cmpi sgt, %jit3A_385, %sign3A_394 : i32
        %sign3A_396 = arith.extui %sign3A_395 : i1 to i32
        %sign3A_397 = arith.constant 0 : i32
        %sign3A_398 = arith.cmpi slt, %jit3A_385, %sign3A_397 : i32
        %sign3A_399 = arith.extui %sign3A_398 : i1 to i32
        %sign3A_400 = arith.subi %sign3A_396, %sign3A_399 : i32
        %ne3A_401 = arith.cmpi ne, %sign3A_393, %sign3A_400 : i32
        %rem3A_402 = arith.remsi %sub3A_384, %jit3A_385 : i32
        %ne3A_403 = arith.constant 0 : i32
        %ne3A_404 = arith.cmpi ne, %rem3A_402, %ne3A_403 : i32
        %and3A_405 = arith.andi %ne3A_401, %ne3A_404 : i1
        %sub3A_406 = arith.constant 1 : i32
        %sub3A_407 = arith.subi %div3A_386, %sub3A_406 : i32
        %select_n3A_408 = arith.select %and3A_405, %sub3A_407, %div3A_386 : i32
        %scan3A_409 = arith.constant 0 : i32
        %scan3A_410 = arith.constant 0 : i32
        %scan3A_411 = arith.constant 50 : i32
        %scan3A_412 = arith.addi %scan3A_410, %scan3A_411 : i32
        %scan3A_413 = arith.constant 1 : i32
        %scan3A_414 = scf.for %scan3A_418 = %scan3A_410 to %scan3A_412 step %scan3A_413 iter_args(%scan3A_419 = %scan3A_409) -> (i32)  : i32 {
          %mul3A_420 = arith.constant 25600 : i32
          %mul3A_421 = arith.muli %scan3A_418, %mul3A_420 : i32
          "tpu.region"() ({
            %run_scoped3A = tpu.sem_alloc : memref<!tpu.dma_semaphore, #tpu.memory_space<semaphore_mem>>
            %dma_start3A_437 = tpu.memref_slice %arg2[%mul3A_421] : memref<1280000xi32, #tpu.memory_space<hbm>> -> memref<25600xi32, #tpu.memory_space<hbm>>
            %dma_start3A_438 = tpu.memref_slice %arg2[%mul3A_421] : memref<1280000xi32, #tpu.memory_space<hbm>> -> memref<25600xi32, #tpu.memory_space<hbm>>
            tpu.enqueue_dma source(%dma_start3A_438 : memref<25600xi32, #tpu.memory_space<hbm>>) target(%arg14 : memref<25600xi32, #tpu.memory_space<vmem>>) target_semaphore(%run_scoped3A : memref<!tpu.dma_semaphore, #tpu.memory_space<semaphore_mem>>)
            %dma_wait3A_439 = tpu.memref_slice %arg2[%mul3A_421] : memref<1280000xi32, #tpu.memory_space<hbm>> -> memref<25600xi32, #tpu.memory_space<hbm>>
            %dma_wait3A_440 = tpu.memref_slice %arg2[%mul3A_421] : memref<1280000xi32, #tpu.memory_space<hbm>> -> memref<25600xi32, #tpu.memory_space<hbm>>
            tpu.wait_dma2 semaphore(%run_scoped3A : memref<!tpu.dma_semaphore, #tpu.memory_space<semaphore_mem>>) src(%dma_wait3A_440 : memref<25600xi32, #tpu.memory_space<hbm>>) dst(%arg14 : memref<25600xi32, #tpu.memory_space<vmem>>)
            tpu.yield
          }) : () -> ()
          %mul3A_422 = arith.constant 200 : i32
          %mul3A_423 = arith.muli %scan3A_418, %mul3A_422 : i32
          %broadcast_in_dim3A_424 = vector.broadcast %mul3A_423 : i32 to vector<16xi32>
          %while3A = arith.constant 0 : i32
          %while3A_425 = arith.constant 0 : i32
          %while3A_426 = arith.subi %select_n3A_408, %while3A : i32
          %while3A_427 = arith.addi %while3A, %while3A_426 : i32
          %while3A_428 = arith.constant 1 : i32
          %while3A_429 = arith.divsi %while3A_426, %while3A_428 : i32
          %while3A_430 = arith.muli %while3A_429, %while3A_428 : i32
          %while3A_431 = arith.addi %while3A, %while3A_430 : i32
          %while3A_432 = arith.constant 1 : i32
          %while3A_433 = scf.for %while3A_437 = %while3A to %while3A_431 step %while3A_432 iter_args(%while3A_438 = %while3A_425) -> (i32)  : i32 {
            %mul3A_439 = arith.constant 16 : i32
            %mul3A_440 = arith.muli %while3A_437, %mul3A_439 : i32
            %get3A = arith.index_cast %mul3A_440 : i32 to index
            %get3A_441 = tpu.vector_load %arg10[%get3A] {strides = array<i32>} : memref<8192xi32, #tpu.memory_space<vmem>>, vector<16xi32>,
            %mul3A_442 = arith.constant 16 : i32
            %mul3A_443 = arith.muli %while3A_437, %mul3A_442 : i32
            %get3A_444 = arith.index_cast %mul3A_443 : i32 to index
            %get3A_445 = tpu.vector_load %arg11[%get3A_444] {strides = array<i32>} : memref<8192xi32, #tpu.memory_space<vmem>>, vector<16xi32>,
            %sub3A_446 = arith.subi %get3A_441, %broadcast_in_dim3A_424 : vector<16xi32>
            %bitcast3A = vector.bitcast %sub3A_446 : vector<16xi32> to vector<16xi32>
            %lt3A_447 = arith.cmpi ult, %bitcast3A, %broadcast_in_dim3A_6 : vector<16xi32>
            %select_n3A_448 = arith.select %lt3A_447, %broadcast_in_dim3A_8, %broadcast_in_dim3A_10 : vector<16xi1>, vector<16xi32>
            %broadcast_in_dim3A_449 = arith.constant true
            %broadcast_in_dim3A_450 = vector.broadcast %broadcast_in_dim3A_449 : i1 to vector<16xi1>
            %masked_cumsum3A = tpu.scan <sum>, %select_n3A_448 masked %broadcast_in_dim3A_450 : vector<16xi32>, vector<16xi1> -> vector<16xi32>
            %sub3A_451 = arith.subi %masked_cumsum3A, %broadcast_in_dim3A_8 : vector<16xi32>
            %select_n3A_452 = arith.select %lt3A_447, %sub3A_451, %broadcast_in_dim3A_14 : vector<16xi1>, vector<16xi32>
            tpu.vector_store_idx %arg12[%select_n3A_452], %sub3A_446 : memref<32xi32, #tpu.memory_space<vmem>>[vector<16xi32>], vector<16xi32>,
            tpu.vector_store_idx %arg13[%select_n3A_452], %get3A_445 : memref<32xi32, #tpu.memory_space<vmem>>[vector<16xi32>], vector<16xi32>,
            %reduce_sum3A_453 = arith.constant true
            %reduce_sum3A_454 = vector.broadcast %reduce_sum3A_453 : i1 to vector<16xi1>
            %reduce_sum3A_455 = tpu.scan <sum>, %select_n3A_448 masked %reduce_sum3A_454 : vector<16xi32>, vector<16xi1> -> vector<16xi32>
            %reduce_sum3A_456 = vector.extract %reduce_sum3A_455[15] : i32 from vector<16xi32>
            %get3A_457 = arith.constant 0 : index
            %get3A_458 = tpu.vector_load %arg12[%get3A_457] {strides = array<i32>} : memref<32xi32, #tpu.memory_space<vmem>>, vector<16xi32>,
            %get3A_459 = arith.constant 0 : index
            %get3A_460 = tpu.vector_load %arg13[%get3A_459] {strides = array<i32>} : memref<32xi32, #tpu.memory_space<vmem>>, vector<16xi32>,
            %while3A_461 = arith.constant 0 : i32
            %while3A_462 = arith.constant 0 : i32
            %while3A_463 = arith.subi %reduce_sum3A_456, %while3A_461 : i32
            %while3A_464 = arith.addi %while3A_461, %while3A_463 : i32
            %while3A_465 = arith.constant 1 : i32
            %while3A_466 = arith.divsi %while3A_463, %while3A_465 : i32
            %while3A_467 = arith.muli %while3A_466, %while3A_465 : i32
            %while3A_468 = arith.addi %while3A_461, %while3A_467 : i32
            %while3A_469 = arith.constant 1 : i32
            %while3A_470 = scf.for %while3A_474 = %while3A_461 to %while3A_468 step %while3A_469 iter_args(%while3A_475 = %while3A_462) -> (i32)  : i32 {
              %broadcast_in_dim3A_476 = vector.broadcast %while3A_474 : i32 to vector<16xi32>
              %lt3A_477 = arith.constant 0 : i32
              %lt3A_478 = vector.broadcast %lt3A_477 : i32 to vector<16xi32>
              %lt3A_479 = arith.cmpi slt, %broadcast_in_dim3A_476, %lt3A_478 : vector<16xi32>
              %add3A_480 = arith.constant 16 : i32
              %add3A_481 = vector.broadcast %add3A_480 : i32 to vector<16xi32>
              %add3A_482 = arith.addi %broadcast_in_dim3A_476, %add3A_481 : vector<16xi32>
              %select_n3A_483 = arith.select %lt3A_479, %add3A_482, %broadcast_in_dim3A_476 : vector<16xi1>, vector<16xi32>
              %reshape3A = vector.shape_cast %select_n3A_483 : vector<16xi32> to vector<16x1xi32>
              %gather3A = vector.shape_cast %reshape3A : vector<16x1xi32> to vector<16xi32>
              %gather3A_484 = tpu.dynamic_gather %get3A_458[%gather3A] in [0] : vector<16xi32>, vector<16xi32> -> vector<16xi32>
              %mul3A_485 = arith.constant 128 : i32
              %mul3A_486 = vector.broadcast %mul3A_485 : i32 to vector<16xi32>
              %mul3A_487 = arith.muli %gather3A_484, %mul3A_486 : vector<16xi32>
              %lt3A_488 = arith.constant 0 : i32
              %lt3A_489 = vector.broadcast %lt3A_488 : i32 to vector<16xi32>
              %lt3A_490 = arith.cmpi slt, %broadcast_in_dim3A_476, %lt3A_489 : vector<16xi32>
              %add3A_491 = arith.constant 16 : i32
              %add3A_492 = vector.broadcast %add3A_491 : i32 to vector<16xi32>
              %add3A_493 = arith.addi %broadcast_in_dim3A_476, %add3A_492 : vector<16xi32>
              %select_n3A_494 = arith.select %lt3A_490, %add3A_493, %broadcast_in_dim3A_476 : vector<16xi1>, vector<16xi32>
              %reshape3A_495 = vector.shape_cast %select_n3A_494 : vector<16xi32> to vector<16x1xi32>
              %gather3A_496 = vector.shape_cast %reshape3A_495 : vector<16x1xi32> to vector<16xi32>
              %gather3A_497 = tpu.dynamic_gather %get3A_460[%gather3A_496] in [0] : vector<16xi32>, vector<16xi32> -> vector<16xi32>
              %add3A_498 = arith.addi %mul3A_487, %add3A_23 : vector<16xi32>
              %gather3A_499 = tpu.vector_load_idx %arg14[%add3A_498] : memref<25600xi32, #tpu.memory_space<vmem>>[vector<16xi32>], vector<16xi32>,
              %add3A_500 = arith.addi %mul3A_487, %add3A_26 : vector<16xi32>
              %gather3A_501 = tpu.vector_load_idx %arg14[%add3A_500] : memref<25600xi32, #tpu.memory_space<vmem>>[vector<16xi32>], vector<16xi32>,
              %add3A_502 = arith.addi %mul3A_487, %add3A_29 : vector<16xi32>
              %gather3A_503 = tpu.vector_load_idx %arg14[%add3A_502] : memref<25600xi32, #tpu.memory_space<vmem>>[vector<16xi32>], vector<16xi32>,
              %add3A_504 = arith.addi %mul3A_487, %add3A_32 : vector<16xi32>
              %gather3A_505 = tpu.vector_load_idx %arg14[%add3A_504] : memref<25600xi32, #tpu.memory_space<vmem>>[vector<16xi32>], vector<16xi32>,
              %add3A_506 = arith.addi %mul3A_487, %add3A_35 : vector<16xi32>
              %gather3A_507 = tpu.vector_load_idx %arg14[%add3A_506] : memref<25600xi32, #tpu.memory_space<vmem>>[vector<16xi32>], vector<16xi32>,
              %add3A_508 = arith.addi %mul3A_487, %add3A_38 : vector<16xi32>
              %gather3A_509 = tpu.vector_load_idx %arg14[%add3A_508] : memref<25600xi32, #tpu.memory_space<vmem>>[vector<16xi32>], vector<16xi32>,
              %add3A_510 = arith.addi %mul3A_487, %add3A_41 : vector<16xi32>
              %gather3A_511 = tpu.vector_load_idx %arg14[%add3A_510] : memref<25600xi32, #tpu.memory_space<vmem>>[vector<16xi32>], vector<16xi32>,
              %add3A_512 = arith.addi %mul3A_487, %add3A_44 : vector<16xi32>
              %gather3A_513 = tpu.vector_load_idx %arg14[%add3A_512] : memref<25600xi32, #tpu.memory_space<vmem>>[vector<16xi32>], vector<16xi32>,
              %bitcast3A_514 = vector.bitcast %gather3A_499 : vector<16xi32> to vector<32xbf16>
              %unpack3A = tpu.unpack_subelements %bitcast3A_514, 0 {pack_format = #tpu.pack_format<interleaved>} : vector<32xbf16> -> vector<16xf32>
              %unpack3A_515 = tpu.unpack_subelements %bitcast3A_514, 1 {pack_format = #tpu.pack_format<interleaved>} : vector<32xbf16> -> vector<16xf32>
              tpu.vector_store_idx %arg15[%gather3A_497, %add3A_50], %unpack3A {add = true} : memref<321x256xf32, #tpu.memory_space<vmem>>[vector<16xi32>, vector<16xi32>], vector<16xf32>,
              tpu.vector_store_idx %arg15[%gather3A_497, %add3A_95], %unpack3A_515 {add = true} : memref<321x256xf32, #tpu.memory_space<vmem>>[vector<16xi32>, vector<16xi32>], vector<16xf32>,
              %bitcast3A_516 = vector.bitcast %gather3A_501 : vector<16xi32> to vector<32xbf16>
              %unpack3A_517 = tpu.unpack_subelements %bitcast3A_516, 0 {pack_format = #tpu.pack_format<interleaved>} : vector<32xbf16> -> vector<16xf32>
              %unpack3A_518 = tpu.unpack_subelements %bitcast3A_516, 1 {pack_format = #tpu.pack_format<interleaved>} : vector<32xbf16> -> vector<16xf32>
              tpu.vector_store_idx %arg15[%gather3A_497, %add3A_56], %unpack3A_517 {add = true} : memref<321x256xf32, #tpu.memory_space<vmem>>[vector<16xi32>, vector<16xi32>], vector<16xf32>,
              tpu.vector_store_idx %arg15[%gather3A_497, %add3A_98], %unpack3A_518 {add = true} : memref<321x256xf32, #tpu.memory_space<vmem>>[vector<16xi32>, vector<16xi32>], vector<16xf32>,
              %bitcast3A_519 = vector.bitcast %gather3A_503 : vector<16xi32> to vector<32xbf16>
              %unpack3A_520 = tpu.unpack_subelements %bitcast3A_519, 0 {pack_format = #tpu.pack_format<interleaved>} : vector<32xbf16> -> vector<16xf32>
              %unpack3A_521 = tpu.unpack_subelements %bitcast3A_519, 1 {pack_format = #tpu.pack_format<interleaved>} : vector<32xbf16> -> vector<16xf32>
              tpu.vector_store_idx %arg15[%gather3A_497, %add3A_62], %unpack3A_520 {add = true} : memref<321x256xf32, #tpu.memory_space<vmem>>[vector<16xi32>, vector<16xi32>], vector<16xf32>,
              tpu.vector_store_idx %arg15[%gather3A_497, %add3A_101], %unpack3A_521 {add = true} : memref<321x256xf32, #tpu.memory_space<vmem>>[vector<16xi32>, vector<16xi32>], vector<16xf32>,
              %bitcast3A_522 = vector.bitcast %gather3A_505 : vector<16xi32> to vector<32xbf16>
              %unpack3A_523 = tpu.unpack_subelements %bitcast3A_522, 0 {pack_format = #tpu.pack_format<interleaved>} : vector<32xbf16> -> vector<16xf32>
              %unpack3A_524 = tpu.unpack_subelements %bitcast3A_522, 1 {pack_format = #tpu.pack_format<interleaved>} : vector<32xbf16> -> vector<16xf32>
              tpu.vector_store_idx %arg15[%gather3A_497, %add3A_68], %unpack3A_523 {add = true} : memref<321x256xf32, #tpu.memory_space<vmem>>[vector<16xi32>, vector<16xi32>], vector<16xf32>,
              tpu.vector_store_idx %arg15[%gather3A_497, %add3A_104], %unpack3A_524 {add = true} : memref<321x256xf32, #tpu.memory_space<vmem>>[vector<16xi32>, vector<16xi32>], vector<16xf32>,
              %bitcast3A_525 = vector.bitcast %gather3A_507 : vector<16xi32> to vector<32xbf16>
              %unpack3A_526 = tpu.unpack_subelements %bitcast3A_525, 0 {pack_format = #tpu.pack_format<interleaved>} : vector<32xbf16> -> vector<16xf32>
              %unpack3A_527 = tpu.unpack_subelements %bitcast3A_525, 1 {pack_format = #tpu.pack_format<interleaved>} : vector<32xbf16> -> vector<16xf32>
              tpu.vector_store_idx %arg15[%gather3A_497, %add3A_74], %unpack3A_526 {add = true} : memref<321x256xf32, #tpu.memory_space<vmem>>[vector<16xi32>, vector<16xi32>], vector<16xf32>,
              tpu.vector_store_idx %arg15[%gather3A_497, %add3A_107], %unpack3A_527 {add = true} : memref<321x256xf32, #tpu.memory_space<vmem>>[vector<16xi32>, vector<16xi32>], vector<16xf32>,
              %bitcast3A_528 = vector.bitcast %gather3A_509 : vector<16xi32> to vector<32xbf16>
              %unpack3A_529 = tpu.unpack_subelements %bitcast3A_528, 0 {pack_format = #tpu.pack_format<interleaved>} : vector<32xbf16> -> vector<16xf32>
              %unpack3A_530 = tpu.unpack_subelements %bitcast3A_528, 1 {pack_format = #tpu.pack_format<interleaved>} : vector<32xbf16> -> vector<16xf32>
              tpu.vector_store_idx %arg15[%gather3A_497, %add3A_80], %unpack3A_529 {add = true} : memref<321x256xf32, #tpu.memory_space<vmem>>[vector<16xi32>, vector<16xi32>], vector<16xf32>,
              tpu.vector_store_idx %arg15[%gather3A_497, %add3A_110], %unpack3A_530 {add = true} : memref<321x256xf32, #tpu.memory_space<vmem>>[vector<16xi32>, vector<16xi32>], vector<16xf32>,
              %bitcast3A_531 = vector.bitcast %gather3A_511 : vector<16xi32> to vector<32xbf16>
              %unpack3A_532 = tpu.unpack_subelements %bitcast3A_531, 0 {pack_format = #tpu.pack_format<interleaved>} : vector<32xbf16> -> vector<16xf32>
              %unpack3A_533 = tpu.unpack_subelements %bitcast3A_531, 1 {pack_format = #tpu.pack_format<interleaved>} : vector<32xbf16> -> vector<16xf32>
              tpu.vector_store_idx %arg15[%gather3A_497, %add3A_86], %unpack3A_532 {add = true} : memref<321x256xf32, #tpu.memory_space<vmem>>[vector<16xi32>, vector<16xi32>], vector<16xf32>,
              tpu.vector_store_idx %arg15[%gather3A_497, %add3A_113], %unpack3A_533 {add = true} : memref<321x256xf32, #tpu.memory_space<vmem>>[vector<16xi32>, vector<16xi32>], vector<16xf32>,
              %bitcast3A_534 = vector.bitcast %gather3A_513 : vector<16xi32> to vector<32xbf16>
              %unpack3A_535 = tpu.unpack_subelements %bitcast3A_534, 0 {pack_format = #tpu.pack_format<interleaved>} : vector<32xbf16> -> vector<16xf32>
              %unpack3A_536 = tpu.unpack_subelements %bitcast3A_534, 1 {pack_format = #tpu.pack_format<interleaved>} : vector<32xbf16> -> vector<16xf32>
              tpu.vector_store_idx %arg15[%gather3A_497, %add3A_92], %unpack3A_535 {add = true} : memref<321x256xf32, #tpu.memory_space<vmem>>[vector<16xi32>, vector<16xi32>], vector<16xf32>,
              tpu.vector_store_idx %arg15[%gather3A_497, %add3A_116], %unpack3A_536 {add = true} : memref<321x256xf32, #tpu.memory_space<vmem>>[vector<16xi32>, vector<16xi32>], vector<16xf32>,
              %while3A_537 = arith.constant 0 : i32
              scf.yield %while3A_537 : i32
            }
            %while3A_471 = arith.constant 1 : i32
            %while3A_472 = scf.for %while3A_474 = %while3A_468 to %while3A_464 step %while3A_471 iter_args(%while3A_475 = %while3A_470) -> (i32)  : i32 {
              %broadcast_in_dim3A_476 = vector.broadcast %while3A_474 : i32 to vector<16xi32>
              %lt3A_477 = arith.constant 0 : i32
              %lt3A_478 = vector.broadcast %lt3A_477 : i32 to vector<16xi32>
              %lt3A_479 = arith.cmpi slt, %broadcast_in_dim3A_476, %lt3A_478 : vector<16xi32>
              %add3A_480 = arith.constant 16 : i32
              %add3A_481 = vector.broadcast %add3A_480 : i32 to vector<16xi32>
              %add3A_482 = arith.addi %broadcast_in_dim3A_476, %add3A_481 : vector<16xi32>
              %select_n3A_483 = arith.select %lt3A_479, %add3A_482, %broadcast_in_dim3A_476 : vector<16xi1>, vector<16xi32>
              %reshape3A = vector.shape_cast %select_n3A_483 : vector<16xi32> to vector<16x1xi32>
              %gather3A = vector.shape_cast %reshape3A : vector<16x1xi32> to vector<16xi32>
              %gather3A_484 = tpu.dynamic_gather %get3A_458[%gather3A] in [0] : vector<16xi32>, vector<16xi32> -> vector<16xi32>
              %mul3A_485 = arith.constant 128 : i32
              %mul3A_486 = vector.broadcast %mul3A_485 : i32 to vector<16xi32>
              %mul3A_487 = arith.muli %gather3A_484, %mul3A_486 : vector<16xi32>
              %lt3A_488 = arith.constant 0 : i32
              %lt3A_489 = vector.broadcast %lt3A_488 : i32 to vector<16xi32>
              %lt3A_490 = arith.cmpi slt, %broadcast_in_dim3A_476, %lt3A_489 : vector<16xi32>
              %add3A_491 = arith.constant 16 : i32
              %add3A_492 = vector.broadcast %add3A_491 : i32 to vector<16xi32>
              %add3A_493 = arith.addi %broadcast_in_dim3A_476, %add3A_492 : vector<16xi32>
              %select_n3A_494 = arith.select %lt3A_490, %add3A_493, %broadcast_in_dim3A_476 : vector<16xi1>, vector<16xi32>
              %reshape3A_495 = vector.shape_cast %select_n3A_494 : vector<16xi32> to vector<16x1xi32>
              %gather3A_496 = vector.shape_cast %reshape3A_495 : vector<16x1xi32> to vector<16xi32>
              %gather3A_497 = tpu.dynamic_gather %get3A_460[%gather3A_496] in [0] : vector<16xi32>, vector<16xi32> -> vector<16xi32>
              %add3A_498 = arith.addi %mul3A_487, %add3A_23 : vector<16xi32>
              %gather3A_499 = tpu.vector_load_idx %arg14[%add3A_498] : memref<25600xi32, #tpu.memory_space<vmem>>[vector<16xi32>], vector<16xi32>,
              %add3A_500 = arith.addi %mul3A_487, %add3A_26 : vector<16xi32>
              %gather3A_501 = tpu.vector_load_idx %arg14[%add3A_500] : memref<25600xi32, #tpu.memory_space<vmem>>[vector<16xi32>], vector<16xi32>,
              %add3A_502 = arith.addi %mul3A_487, %add3A_29 : vector<16xi32>
              %gather3A_503 = tpu.vector_load_idx %arg14[%add3A_502] : memref<25600xi32, #tpu.memory_space<vmem>>[vector<16xi32>], vector<16xi32>,
              %add3A_504 = arith.addi %mul3A_487, %add3A_32 : vector<16xi32>
              %gather3A_505 = tpu.vector_load_idx %arg14[%add3A_504] : memref<25600xi32, #tpu.memory_space<vmem>>[vector<16xi32>], vector<16xi32>,
              %add3A_506 = arith.addi %mul3A_487, %add3A_35 : vector<16xi32>
              %gather3A_507 = tpu.vector_load_idx %arg14[%add3A_506] : memref<25600xi32, #tpu.memory_space<vmem>>[vector<16xi32>], vector<16xi32>,
              %add3A_508 = arith.addi %mul3A_487, %add3A_38 : vector<16xi32>
              %gather3A_509 = tpu.vector_load_idx %arg14[%add3A_508] : memref<25600xi32, #tpu.memory_space<vmem>>[vector<16xi32>], vector<16xi32>,
              %add3A_510 = arith.addi %mul3A_487, %add3A_41 : vector<16xi32>
              %gather3A_511 = tpu.vector_load_idx %arg14[%add3A_510] : memref<25600xi32, #tpu.memory_space<vmem>>[vector<16xi32>], vector<16xi32>,
              %add3A_512 = arith.addi %mul3A_487, %add3A_44 : vector<16xi32>
              %gather3A_513 = tpu.vector_load_idx %arg14[%add3A_512] : memref<25600xi32, #tpu.memory_space<vmem>>[vector<16xi32>], vector<16xi32>,
              %bitcast3A_514 = vector.bitcast %gather3A_499 : vector<16xi32> to vector<32xbf16>
              %unpack3A = tpu.unpack_subelements %bitcast3A_514, 0 {pack_format = #tpu.pack_format<interleaved>} : vector<32xbf16> -> vector<16xf32>
              %unpack3A_515 = tpu.unpack_subelements %bitcast3A_514, 1 {pack_format = #tpu.pack_format<interleaved>} : vector<32xbf16> -> vector<16xf32>
              tpu.vector_store_idx %arg15[%gather3A_497, %add3A_50], %unpack3A {add = true} : memref<321x256xf32, #tpu.memory_space<vmem>>[vector<16xi32>, vector<16xi32>], vector<16xf32>,
              tpu.vector_store_idx %arg15[%gather3A_497, %add3A_95], %unpack3A_515 {add = true} : memref<321x256xf32, #tpu.memory_space<vmem>>[vector<16xi32>, vector<16xi32>], vector<16xf32>,
              %bitcast3A_516 = vector.bitcast %gather3A_501 : vector<16xi32> to vector<32xbf16>
              %unpack3A_517 = tpu.unpack_subelements %bitcast3A_516, 0 {pack_format = #tpu.pack_format<interleaved>} : vector<32xbf16> -> vector<16xf32>
              %unpack3A_518 = tpu.unpack_subelements %bitcast3A_516, 1 {pack_format = #tpu.pack_format<interleaved>} : vector<32xbf16> -> vector<16xf32>
              tpu.vector_store_idx %arg15[%gather3A_497, %add3A_56], %unpack3A_517 {add = true} : memref<321x256xf32, #tpu.memory_space<vmem>>[vector<16xi32>, vector<16xi32>], vector<16xf32>,
              tpu.vector_store_idx %arg15[%gather3A_497, %add3A_98], %unpack3A_518 {add = true} : memref<321x256xf32, #tpu.memory_space<vmem>>[vector<16xi32>, vector<16xi32>], vector<16xf32>,
              %bitcast3A_519 = vector.bitcast %gather3A_503 : vector<16xi32> to vector<32xbf16>
              %unpack3A_520 = tpu.unpack_subelements %bitcast3A_519, 0 {pack_format = #tpu.pack_format<interleaved>} : vector<32xbf16> -> vector<16xf32>
              %unpack3A_521 = tpu.unpack_subelements %bitcast3A_519, 1 {pack_format = #tpu.pack_format<interleaved>} : vector<32xbf16> -> vector<16xf32>
              tpu.vector_store_idx %arg15[%gather3A_497, %add3A_62], %unpack3A_520 {add = true} : memref<321x256xf32, #tpu.memory_space<vmem>>[vector<16xi32>, vector<16xi32>], vector<16xf32>,
              tpu.vector_store_idx %arg15[%gather3A_497, %add3A_101], %unpack3A_521 {add = true} : memref<321x256xf32, #tpu.memory_space<vmem>>[vector<16xi32>, vector<16xi32>], vector<16xf32>,
              %bitcast3A_522 = vector.bitcast %gather3A_505 : vector<16xi32> to vector<32xbf16>
              %unpack3A_523 = tpu.unpack_subelements %bitcast3A_522, 0 {pack_format = #tpu.pack_format<interleaved>} : vector<32xbf16> -> vector<16xf32>
              %unpack3A_524 = tpu.unpack_subelements %bitcast3A_522, 1 {pack_format = #tpu.pack_format<interleaved>} : vector<32xbf16> -> vector<16xf32>
              tpu.vector_store_idx %arg15[%gather3A_497, %add3A_68], %unpack3A_523 {add = true} : memref<321x256xf32, #tpu.memory_space<vmem>>[vector<16xi32>, vector<16xi32>], vector<16xf32>,
              tpu.vector_store_idx %arg15[%gather3A_497, %add3A_104], %unpack3A_524 {add = true} : memref<321x256xf32, #tpu.memory_space<vmem>>[vector<16xi32>, vector<16xi32>], vector<16xf32>,
              %bitcast3A_525 = vector.bitcast %gather3A_507 : vector<16xi32> to vector<32xbf16>
              %unpack3A_526 = tpu.unpack_subelements %bitcast3A_525, 0 {pack_format = #tpu.pack_format<interleaved>} : vector<32xbf16> -> vector<16xf32>
              %unpack3A_527 = tpu.unpack_subelements %bitcast3A_525, 1 {pack_format = #tpu.pack_format<interleaved>} : vector<32xbf16> -> vector<16xf32>
              tpu.vector_store_idx %arg15[%gather3A_497, %add3A_74], %unpack3A_526 {add = true} : memref<321x256xf32, #tpu.memory_space<vmem>>[vector<16xi32>, vector<16xi32>], vector<16xf32>,
              tpu.vector_store_idx %arg15[%gather3A_497, %add3A_107], %unpack3A_527 {add = true} : memref<321x256xf32, #tpu.memory_space<vmem>>[vector<16xi32>, vector<16xi32>], vector<16xf32>,
              %bitcast3A_528 = vector.bitcast %gather3A_509 : vector<16xi32> to vector<32xbf16>
              %unpack3A_529 = tpu.unpack_subelements %bitcast3A_528, 0 {pack_format = #tpu.pack_format<interleaved>} : vector<32xbf16> -> vector<16xf32>
              %unpack3A_530 = tpu.unpack_subelements %bitcast3A_528, 1 {pack_format = #tpu.pack_format<interleaved>} : vector<32xbf16> -> vector<16xf32>
              tpu.vector_store_idx %arg15[%gather3A_497, %add3A_80], %unpack3A_529 {add = true} : memref<321x256xf32, #tpu.memory_space<vmem>>[vector<16xi32>, vector<16xi32>], vector<16xf32>,
              tpu.vector_store_idx %arg15[%gather3A_497, %add3A_110], %unpack3A_530 {add = true} : memref<321x256xf32, #tpu.memory_space<vmem>>[vector<16xi32>, vector<16xi32>], vector<16xf32>,
              %bitcast3A_531 = vector.bitcast %gather3A_511 : vector<16xi32> to vector<32xbf16>
              %unpack3A_532 = tpu.unpack_subelements %bitcast3A_531, 0 {pack_format = #tpu.pack_format<interleaved>} : vector<32xbf16> -> vector<16xf32>
              %unpack3A_533 = tpu.unpack_subelements %bitcast3A_531, 1 {pack_format = #tpu.pack_format<interleaved>} : vector<32xbf16> -> vector<16xf32>
              tpu.vector_store_idx %arg15[%gather3A_497, %add3A_86], %unpack3A_532 {add = true} : memref<321x256xf32, #tpu.memory_space<vmem>>[vector<16xi32>, vector<16xi32>], vector<16xf32>,
              tpu.vector_store_idx %arg15[%gather3A_497, %add3A_113], %unpack3A_533 {add = true} : memref<321x256xf32, #tpu.memory_space<vmem>>[vector<16xi32>, vector<16xi32>], vector<16xf32>,
              %bitcast3A_534 = vector.bitcast %gather3A_513 : vector<16xi32> to vector<32xbf16>
              %unpack3A_535 = tpu.unpack_subelements %bitcast3A_534, 0 {pack_format = #tpu.pack_format<interleaved>} : vector<32xbf16> -> vector<16xf32>
              %unpack3A_536 = tpu.unpack_subelements %bitcast3A_534, 1 {pack_format = #tpu.pack_format<interleaved>} : vector<32xbf16> -> vector<16xf32>
              tpu.vector_store_idx %arg15[%gather3A_497, %add3A_92], %unpack3A_535 {add = true} : memref<321x256xf32, #tpu.memory_space<vmem>>[vector<16xi32>, vector<16xi32>], vector<16xf32>,
              tpu.vector_store_idx %arg15[%gather3A_497, %add3A_116], %unpack3A_536 {add = true} : memref<321x256xf32, #tpu.memory_space<vmem>>[vector<16xi32>, vector<16xi32>], vector<16xf32>,
              %while3A_537 = arith.constant 0 : i32
              scf.yield %while3A_537 : i32
            }
            %while3A_473 = arith.constant 0 : i32
            scf.yield %while3A_473 : i32
          }
          %while3A_434 = arith.constant 1 : i32
          %while3A_435 = scf.for %while3A_437 = %while3A_431 to %while3A_427 step %while3A_434 iter_args(%while3A_438 = %while3A_433) -> (i32)  : i32 {
            %mul3A_439 = arith.constant 16 : i32
            %mul3A_440 = arith.muli %while3A_437, %mul3A_439 : i32
            %get3A = arith.index_cast %mul3A_440 : i32 to index
            %get3A_441 = tpu.vector_load %arg10[%get3A] {strides = array<i32>} : memref<8192xi32, #tpu.memory_space<vmem>>, vector<16xi32>,
            %mul3A_442 = arith.constant 16 : i32
            %mul3A_443 = arith.muli %while3A_437, %mul3A_442 : i32
            %get3A_444 = arith.index_cast %mul3A_443 : i32 to index
            %get3A_445 = tpu.vector_load %arg11[%get3A_444] {strides = array<i32>} : memref<8192xi32, #tpu.memory_space<vmem>>, vector<16xi32>,
            %sub3A_446 = arith.subi %get3A_441, %broadcast_in_dim3A_424 : vector<16xi32>
            %bitcast3A = vector.bitcast %sub3A_446 : vector<16xi32> to vector<16xi32>
            %lt3A_447 = arith.cmpi ult, %bitcast3A, %broadcast_in_dim3A_6 : vector<16xi32>
            %select_n3A_448 = arith.select %lt3A_447, %broadcast_in_dim3A_8, %broadcast_in_dim3A_10 : vector<16xi1>, vector<16xi32>
            %broadcast_in_dim3A_449 = arith.constant true
            %broadcast_in_dim3A_450 = vector.broadcast %broadcast_in_dim3A_449 : i1 to vector<16xi1>
            %masked_cumsum3A = tpu.scan <sum>, %select_n3A_448 masked %broadcast_in_dim3A_450 : vector<16xi32>, vector<16xi1> -> vector<16xi32>
            %sub3A_451 = arith.subi %masked_cumsum3A, %broadcast_in_dim3A_8 : vector<16xi32>
            %select_n3A_452 = arith.select %lt3A_447, %sub3A_451, %broadcast_in_dim3A_14 : vector<16xi1>, vector<16xi32>
            tpu.vector_store_idx %arg12[%select_n3A_452], %sub3A_446 : memref<32xi32, #tpu.memory_space<vmem>>[vector<16xi32>], vector<16xi32>,
            tpu.vector_store_idx %arg13[%select_n3A_452], %get3A_445 : memref<32xi32, #tpu.memory_space<vmem>>[vector<16xi32>], vector<16xi32>,
            %reduce_sum3A_453 = arith.constant true
            %reduce_sum3A_454 = vector.broadcast %reduce_sum3A_453 : i1 to vector<16xi1>
            %reduce_sum3A_455 = tpu.scan <sum>, %select_n3A_448 masked %reduce_sum3A_454 : vector<16xi32>, vector<16xi1> -> vector<16xi32>
            %reduce_sum3A_456 = vector.extract %reduce_sum3A_455[15] : i32 from vector<16xi32>
            %get3A_457 = arith.constant 0 : index
            %get3A_458 = tpu.vector_load %arg12[%get3A_457] {strides = array<i32>} : memref<32xi32, #tpu.memory_space<vmem>>, vector<16xi32>,
            %get3A_459 = arith.constant 0 : index
            %get3A_460 = tpu.vector_load %arg13[%get3A_459] {strides = array<i32>} : memref<32xi32, #tpu.memory_space<vmem>>, vector<16xi32>,
            %while3A_461 = arith.constant 0 : i32
            %while3A_462 = arith.constant 0 : i32
            %while3A_463 = arith.subi %reduce_sum3A_456, %while3A_461 : i32
            %while3A_464 = arith.addi %while3A_461, %while3A_463 : i32
            %while3A_465 = arith.constant 1 : i32
            %while3A_466 = arith.divsi %while3A_463, %while3A_465 : i32
            %while3A_467 = arith.muli %while3A_466, %while3A_465 : i32
            %while3A_468 = arith.addi %while3A_461, %while3A_467 : i32
            %while3A_469 = arith.constant 1 : i32
            %while3A_470 = scf.for %while3A_474 = %while3A_461 to %while3A_468 step %while3A_469 iter_args(%while3A_475 = %while3A_462) -> (i32)  : i32 {
              %broadcast_in_dim3A_476 = vector.broadcast %while3A_474 : i32 to vector<16xi32>
              %lt3A_477 = arith.constant 0 : i32
              %lt3A_478 = vector.broadcast %lt3A_477 : i32 to vector<16xi32>
              %lt3A_479 = arith.cmpi slt, %broadcast_in_dim3A_476, %lt3A_478 : vector<16xi32>
              %add3A_480 = arith.constant 16 : i32
              %add3A_481 = vector.broadcast %add3A_480 : i32 to vector<16xi32>
              %add3A_482 = arith.addi %broadcast_in_dim3A_476, %add3A_481 : vector<16xi32>
              %select_n3A_483 = arith.select %lt3A_479, %add3A_482, %broadcast_in_dim3A_476 : vector<16xi1>, vector<16xi32>
              %reshape3A = vector.shape_cast %select_n3A_483 : vector<16xi32> to vector<16x1xi32>
              %gather3A = vector.shape_cast %reshape3A : vector<16x1xi32> to vector<16xi32>
              %gather3A_484 = tpu.dynamic_gather %get3A_458[%gather3A] in [0] : vector<16xi32>, vector<16xi32> -> vector<16xi32>
              %mul3A_485 = arith.constant 128 : i32
              %mul3A_486 = vector.broadcast %mul3A_485 : i32 to vector<16xi32>
              %mul3A_487 = arith.muli %gather3A_484, %mul3A_486 : vector<16xi32>
              %lt3A_488 = arith.constant 0 : i32
              %lt3A_489 = vector.broadcast %lt3A_488 : i32 to vector<16xi32>
              %lt3A_490 = arith.cmpi slt, %broadcast_in_dim3A_476, %lt3A_489 : vector<16xi32>
              %add3A_491 = arith.constant 16 : i32
              %add3A_492 = vector.broadcast %add3A_491 : i32 to vector<16xi32>
              %add3A_493 = arith.addi %broadcast_in_dim3A_476, %add3A_492 : vector<16xi32>
              %select_n3A_494 = arith.select %lt3A_490, %add3A_493, %broadcast_in_dim3A_476 : vector<16xi1>, vector<16xi32>
              %reshape3A_495 = vector.shape_cast %select_n3A_494 : vector<16xi32> to vector<16x1xi32>
              %gather3A_496 = vector.shape_cast %reshape3A_495 : vector<16x1xi32> to vector<16xi32>
              %gather3A_497 = tpu.dynamic_gather %get3A_460[%gather3A_496] in [0] : vector<16xi32>, vector<16xi32> -> vector<16xi32>
              %add3A_498 = arith.addi %mul3A_487, %add3A_23 : vector<16xi32>
              %gather3A_499 = tpu.vector_load_idx %arg14[%add3A_498] : memref<25600xi32, #tpu.memory_space<vmem>>[vector<16xi32>], vector<16xi32>,
              %add3A_500 = arith.addi %mul3A_487, %add3A_26 : vector<16xi32>
              %gather3A_501 = tpu.vector_load_idx %arg14[%add3A_500] : memref<25600xi32, #tpu.memory_space<vmem>>[vector<16xi32>], vector<16xi32>,
              %add3A_502 = arith.addi %mul3A_487, %add3A_29 : vector<16xi32>
              %gather3A_503 = tpu.vector_load_idx %arg14[%add3A_502] : memref<25600xi32, #tpu.memory_space<vmem>>[vector<16xi32>], vector<16xi32>,
              %add3A_504 = arith.addi %mul3A_487, %add3A_32 : vector<16xi32>
              %gather3A_505 = tpu.vector_load_idx %arg14[%add3A_504] : memref<25600xi32, #tpu.memory_space<vmem>>[vector<16xi32>], vector<16xi32>,
              %add3A_506 = arith.addi %mul3A_487, %add3A_35 : vector<16xi32>
              %gather3A_507 = tpu.vector_load_idx %arg14[%add3A_506] : memref<25600xi32, #tpu.memory_space<vmem>>[vector<16xi32>], vector<16xi32>,
              %add3A_508 = arith.addi %mul3A_487, %add3A_38 : vector<16xi32>
              %gather3A_509 = tpu.vector_load_idx %arg14[%add3A_508] : memref<25600xi32, #tpu.memory_space<vmem>>[vector<16xi32>], vector<16xi32>,
              %add3A_510 = arith.addi %mul3A_487, %add3A_41 : vector<16xi32>
              %gather3A_511 = tpu.vector_load_idx %arg14[%add3A_510] : memref<25600xi32, #tpu.memory_space<vmem>>[vector<16xi32>], vector<16xi32>,
              %add3A_512 = arith.addi %mul3A_487, %add3A_44 : vector<16xi32>
              %gather3A_513 = tpu.vector_load_idx %arg14[%add3A_512] : memref<25600xi32, #tpu.memory_space<vmem>>[vector<16xi32>], vector<16xi32>,
              %bitcast3A_514 = vector.bitcast %gather3A_499 : vector<16xi32> to vector<32xbf16>
              %unpack3A = tpu.unpack_subelements %bitcast3A_514, 0 {pack_format = #tpu.pack_format<interleaved>} : vector<32xbf16> -> vector<16xf32>
              %unpack3A_515 = tpu.unpack_subelements %bitcast3A_514, 1 {pack_format = #tpu.pack_format<interleaved>} : vector<32xbf16> -> vector<16xf32>
              tpu.vector_store_idx %arg15[%gather3A_497, %add3A_50], %unpack3A {add = true} : memref<321x256xf32, #tpu.memory_space<vmem>>[vector<16xi32>, vector<16xi32>], vector<16xf32>,
              tpu.vector_store_idx %arg15[%gather3A_497, %add3A_95], %unpack3A_515 {add = true} : memref<321x256xf32, #tpu.memory_space<vmem>>[vector<16xi32>, vector<16xi32>], vector<16xf32>,
              %bitcast3A_516 = vector.bitcast %gather3A_501 : vector<16xi32> to vector<32xbf16>
              %unpack3A_517 = tpu.unpack_subelements %bitcast3A_516, 0 {pack_format = #tpu.pack_format<interleaved>} : vector<32xbf16> -> vector<16xf32>
              %unpack3A_518 = tpu.unpack_subelements %bitcast3A_516, 1 {pack_format = #tpu.pack_format<interleaved>} : vector<32xbf16> -> vector<16xf32>
              tpu.vector_store_idx %arg15[%gather3A_497, %add3A_56], %unpack3A_517 {add = true} : memref<321x256xf32, #tpu.memory_space<vmem>>[vector<16xi32>, vector<16xi32>], vector<16xf32>,
              tpu.vector_store_idx %arg15[%gather3A_497, %add3A_98], %unpack3A_518 {add = true} : memref<321x256xf32, #tpu.memory_space<vmem>>[vector<16xi32>, vector<16xi32>], vector<16xf32>,
              %bitcast3A_519 = vector.bitcast %gather3A_503 : vector<16xi32> to vector<32xbf16>
              %unpack3A_520 = tpu.unpack_subelements %bitcast3A_519, 0 {pack_format = #tpu.pack_format<interleaved>} : vector<32xbf16> -> vector<16xf32>
              %unpack3A_521 = tpu.unpack_subelements %bitcast3A_519, 1 {pack_format = #tpu.pack_format<interleaved>} : vector<32xbf16> -> vector<16xf32>
              tpu.vector_store_idx %arg15[%gather3A_497, %add3A_62], %unpack3A_520 {add = true} : memref<321x256xf32, #tpu.memory_space<vmem>>[vector<16xi32>, vector<16xi32>], vector<16xf32>,
              tpu.vector_store_idx %arg15[%gather3A_497, %add3A_101], %unpack3A_521 {add = true} : memref<321x256xf32, #tpu.memory_space<vmem>>[vector<16xi32>, vector<16xi32>], vector<16xf32>,
              %bitcast3A_522 = vector.bitcast %gather3A_505 : vector<16xi32> to vector<32xbf16>
              %unpack3A_523 = tpu.unpack_subelements %bitcast3A_522, 0 {pack_format = #tpu.pack_format<interleaved>} : vector<32xbf16> -> vector<16xf32>
              %unpack3A_524 = tpu.unpack_subelements %bitcast3A_522, 1 {pack_format = #tpu.pack_format<interleaved>} : vector<32xbf16> -> vector<16xf32>
              tpu.vector_store_idx %arg15[%gather3A_497, %add3A_68], %unpack3A_523 {add = true} : memref<321x256xf32, #tpu.memory_space<vmem>>[vector<16xi32>, vector<16xi32>], vector<16xf32>,
              tpu.vector_store_idx %arg15[%gather3A_497, %add3A_104], %unpack3A_524 {add = true} : memref<321x256xf32, #tpu.memory_space<vmem>>[vector<16xi32>, vector<16xi32>], vector<16xf32>,
              %bitcast3A_525 = vector.bitcast %gather3A_507 : vector<16xi32> to vector<32xbf16>
              %unpack3A_526 = tpu.unpack_subelements %bitcast3A_525, 0 {pack_format = #tpu.pack_format<interleaved>} : vector<32xbf16> -> vector<16xf32>
              %unpack3A_527 = tpu.unpack_subelements %bitcast3A_525, 1 {pack_format = #tpu.pack_format<interleaved>} : vector<32xbf16> -> vector<16xf32>
              tpu.vector_store_idx %arg15[%gather3A_497, %add3A_74], %unpack3A_526 {add = true} : memref<321x256xf32, #tpu.memory_space<vmem>>[vector<16xi32>, vector<16xi32>], vector<16xf32>,
              tpu.vector_store_idx %arg15[%gather3A_497, %add3A_107], %unpack3A_527 {add = true} : memref<321x256xf32, #tpu.memory_space<vmem>>[vector<16xi32>, vector<16xi32>], vector<16xf32>,
              %bitcast3A_528 = vector.bitcast %gather3A_509 : vector<16xi32> to vector<32xbf16>
              %unpack3A_529 = tpu.unpack_subelements %bitcast3A_528, 0 {pack_format = #tpu.pack_format<interleaved>} : vector<32xbf16> -> vector<16xf32>
              %unpack3A_530 = tpu.unpack_subelements %bitcast3A_528, 1 {pack_format = #tpu.pack_format<interleaved>} : vector<32xbf16> -> vector<16xf32>
              tpu.vector_store_idx %arg15[%gather3A_497, %add3A_80], %unpack3A_529 {add = true} : memref<321x256xf32, #tpu.memory_space<vmem>>[vector<16xi32>, vector<16xi32>], vector<16xf32>,
              tpu.vector_store_idx %arg15[%gather3A_497, %add3A_110], %unpack3A_530 {add = true} : memref<321x256xf32, #tpu.memory_space<vmem>>[vector<16xi32>, vector<16xi32>], vector<16xf32>,
              %bitcast3A_531 = vector.bitcast %gather3A_511 : vector<16xi32> to vector<32xbf16>
              %unpack3A_532 = tpu.unpack_subelements %bitcast3A_531, 0 {pack_format = #tpu.pack_format<interleaved>} : vector<32xbf16> -> vector<16xf32>
              %unpack3A_533 = tpu.unpack_subelements %bitcast3A_531, 1 {pack_format = #tpu.pack_format<interleaved>} : vector<32xbf16> -> vector<16xf32>
              tpu.vector_store_idx %arg15[%gather3A_497, %add3A_86], %unpack3A_532 {add = true} : memref<321x256xf32, #tpu.memory_space<vmem>>[vector<16xi32>, vector<16xi32>], vector<16xf32>,
              tpu.vector_store_idx %arg15[%gather3A_497, %add3A_113], %unpack3A_533 {add = true} : memref<321x256xf32, #tpu.memory_space<vmem>>[vector<16xi32>, vector<16xi32>], vector<16xf32>,
              %bitcast3A_534 = vector.bitcast %gather3A_513 : vector<16xi32> to vector<32xbf16>
              %unpack3A_535 = tpu.unpack_subelements %bitcast3A_534, 0 {pack_format = #tpu.pack_format<interleaved>} : vector<32xbf16> -> vector<16xf32>
              %unpack3A_536 = tpu.unpack_subelements %bitcast3A_534, 1 {pack_format = #tpu.pack_format<interleaved>} : vector<32xbf16> -> vector<16xf32>
              tpu.vector_store_idx %arg15[%gather3A_497, %add3A_92], %unpack3A_535 {add = true} : memref<321x256xf32, #tpu.memory_space<vmem>>[vector<16xi32>, vector<16xi32>], vector<16xf32>,
              tpu.vector_store_idx %arg15[%gather3A_497, %add3A_116], %unpack3A_536 {add = true} : memref<321x256xf32, #tpu.memory_space<vmem>>[vector<16xi32>, vector<16xi32>], vector<16xf32>,
              %while3A_537 = arith.constant 0 : i32
              scf.yield %while3A_537 : i32
            }
            %while3A_471 = arith.constant 1 : i32
            %while3A_472 = scf.for %while3A_474 = %while3A_468 to %while3A_464 step %while3A_471 iter_args(%while3A_475 = %while3A_470) -> (i32)  : i32 {
              %broadcast_in_dim3A_476 = vector.broadcast %while3A_474 : i32 to vector<16xi32>
              %lt3A_477 = arith.constant 0 : i32
              %lt3A_478 = vector.broadcast %lt3A_477 : i32 to vector<16xi32>
              %lt3A_479 = arith.cmpi slt, %broadcast_in_dim3A_476, %lt3A_478 : vector<16xi32>
              %add3A_480 = arith.constant 16 : i32
              %add3A_481 = vector.broadcast %add3A_480 : i32 to vector<16xi32>
              %add3A_482 = arith.addi %broadcast_in_dim3A_476, %add3A_481 : vector<16xi32>
              %select_n3A_483 = arith.select %lt3A_479, %add3A_482, %broadcast_in_dim3A_476 : vector<16xi1>, vector<16xi32>
              %reshape3A = vector.shape_cast %select_n3A_483 : vector<16xi32> to vector<16x1xi32>
              %gather3A = vector.shape_cast %reshape3A : vector<16x1xi32> to vector<16xi32>
              %gather3A_484 = tpu.dynamic_gather %get3A_458[%gather3A] in [0] : vector<16xi32>, vector<16xi32> -> vector<16xi32>
              %mul3A_485 = arith.constant 128 : i32
              %mul3A_486 = vector.broadcast %mul3A_485 : i32 to vector<16xi32>
              %mul3A_487 = arith.muli %gather3A_484, %mul3A_486 : vector<16xi32>
              %lt3A_488 = arith.constant 0 : i32
              %lt3A_489 = vector.broadcast %lt3A_488 : i32 to vector<16xi32>
              %lt3A_490 = arith.cmpi slt, %broadcast_in_dim3A_476, %lt3A_489 : vector<16xi32>
              %add3A_491 = arith.constant 16 : i32
              %add3A_492 = vector.broadcast %add3A_491 : i32 to vector<16xi32>
              %add3A_493 = arith.addi %broadcast_in_dim3A_476, %add3A_492 : vector<16xi32>
              %select_n3A_494 = arith.select %lt3A_490, %add3A_493, %broadcast_in_dim3A_476 : vector<16xi1>, vector<16xi32>
              %reshape3A_495 = vector.shape_cast %select_n3A_494 : vector<16xi32> to vector<16x1xi32>
              %gather3A_496 = vector.shape_cast %reshape3A_495 : vector<16x1xi32> to vector<16xi32>
              %gather3A_497 = tpu.dynamic_gather %get3A_460[%gather3A_496] in [0] : vector<16xi32>, vector<16xi32> -> vector<16xi32>
              %add3A_498 = arith.addi %mul3A_487, %add3A_23 : vector<16xi32>
              %gather3A_499 = tpu.vector_load_idx %arg14[%add3A_498] : memref<25600xi32, #tpu.memory_space<vmem>>[vector<16xi32>], vector<16xi32>,
              %add3A_500 = arith.addi %mul3A_487, %add3A_26 : vector<16xi32>
              %gather3A_501 = tpu.vector_load_idx %arg14[%add3A_500] : memref<25600xi32, #tpu.memory_space<vmem>>[vector<16xi32>], vector<16xi32>,
              %add3A_502 = arith.addi %mul3A_487, %add3A_29 : vector<16xi32>
              %gather3A_503 = tpu.vector_load_idx %arg14[%add3A_502] : memref<25600xi32, #tpu.memory_space<vmem>>[vector<16xi32>], vector<16xi32>,
              %add3A_504 = arith.addi %mul3A_487, %add3A_32 : vector<16xi32>
              %gather3A_505 = tpu.vector_load_idx %arg14[%add3A_504] : memref<25600xi32, #tpu.memory_space<vmem>>[vector<16xi32>], vector<16xi32>,
              %add3A_506 = arith.addi %mul3A_487, %add3A_35 : vector<16xi32>
              %gather3A_507 = tpu.vector_load_idx %arg14[%add3A_506] : memref<25600xi32, #tpu.memory_space<vmem>>[vector<16xi32>], vector<16xi32>,
              %add3A_508 = arith.addi %mul3A_487, %add3A_38 : vector<16xi32>
              %gather3A_509 = tpu.vector_load_idx %arg14[%add3A_508] : memref<25600xi32, #tpu.memory_space<vmem>>[vector<16xi32>], vector<16xi32>,
              %add3A_510 = arith.addi %mul3A_487, %add3A_41 : vector<16xi32>
              %gather3A_511 = tpu.vector_load_idx %arg14[%add3A_510] : memref<25600xi32, #tpu.memory_space<vmem>>[vector<16xi32>], vector<16xi32>,
              %add3A_512 = arith.addi %mul3A_487, %add3A_44 : vector<16xi32>
              %gather3A_513 = tpu.vector_load_idx %arg14[%add3A_512] : memref<25600xi32, #tpu.memory_space<vmem>>[vector<16xi32>], vector<16xi32>,
              %bitcast3A_514 = vector.bitcast %gather3A_499 : vector<16xi32> to vector<32xbf16>
              %unpack3A = tpu.unpack_subelements %bitcast3A_514, 0 {pack_format = #tpu.pack_format<interleaved>} : vector<32xbf16> -> vector<16xf32>
              %unpack3A_515 = tpu.unpack_subelements %bitcast3A_514, 1 {pack_format = #tpu.pack_format<interleaved>} : vector<32xbf16> -> vector<16xf32>
              tpu.vector_store_idx %arg15[%gather3A_497, %add3A_50], %unpack3A {add = true} : memref<321x256xf32, #tpu.memory_space<vmem>>[vector<16xi32>, vector<16xi32>], vector<16xf32>,
              tpu.vector_store_idx %arg15[%gather3A_497, %add3A_95], %unpack3A_515 {add = true} : memref<321x256xf32, #tpu.memory_space<vmem>>[vector<16xi32>, vector<16xi32>], vector<16xf32>,
              %bitcast3A_516 = vector.bitcast %gather3A_501 : vector<16xi32> to vector<32xbf16>
              %unpack3A_517 = tpu.unpack_subelements %bitcast3A_516, 0 {pack_format = #tpu.pack_format<interleaved>} : vector<32xbf16> -> vector<16xf32>
              %unpack3A_518 = tpu.unpack_subelements %bitcast3A_516, 1 {pack_format = #tpu.pack_format<interleaved>} : vector<32xbf16> -> vector<16xf32>
              tpu.vector_store_idx %arg15[%gather3A_497, %add3A_56], %unpack3A_517 {add = true} : memref<321x256xf32, #tpu.memory_space<vmem>>[vector<16xi32>, vector<16xi32>], vector<16xf32>,
              tpu.vector_store_idx %arg15[%gather3A_497, %add3A_98], %unpack3A_518 {add = true} : memref<321x256xf32, #tpu.memory_space<vmem>>[vector<16xi32>, vector<16xi32>], vector<16xf32>,
              %bitcast3A_519 = vector.bitcast %gather3A_503 : vector<16xi32> to vector<32xbf16>
              %unpack3A_520 = tpu.unpack_subelements %bitcast3A_519, 0 {pack_format = #tpu.pack_format<interleaved>} : vector<32xbf16> -> vector<16xf32>
              %unpack3A_521 = tpu.unpack_subelements %bitcast3A_519, 1 {pack_format = #tpu.pack_format<interleaved>} : vector<32xbf16> -> vector<16xf32>
              tpu.vector_store_idx %arg15[%gather3A_497, %add3A_62], %unpack3A_520 {add = true} : memref<321x256xf32, #tpu.memory_space<vmem>>[vector<16xi32>, vector<16xi32>], vector<16xf32>,
              tpu.vector_store_idx %arg15[%gather3A_497, %add3A_101], %unpack3A_521 {add = true} : memref<321x256xf32, #tpu.memory_space<vmem>>[vector<16xi32>, vector<16xi32>], vector<16xf32>,
              %bitcast3A_522 = vector.bitcast %gather3A_505 : vector<16xi32> to vector<32xbf16>
              %unpack3A_523 = tpu.unpack_subelements %bitcast3A_522, 0 {pack_format = #tpu.pack_format<interleaved>} : vector<32xbf16> -> vector<16xf32>
              %unpack3A_524 = tpu.unpack_subelements %bitcast3A_522, 1 {pack_format = #tpu.pack_format<interleaved>} : vector<32xbf16> -> vector<16xf32>
              tpu.vector_store_idx %arg15[%gather3A_497, %add3A_68], %unpack3A_523 {add = true} : memref<321x256xf32, #tpu.memory_space<vmem>>[vector<16xi32>, vector<16xi32>], vector<16xf32>,
              tpu.vector_store_idx %arg15[%gather3A_497, %add3A_104], %unpack3A_524 {add = true} : memref<321x256xf32, #tpu.memory_space<vmem>>[vector<16xi32>, vector<16xi32>], vector<16xf32>,
              %bitcast3A_525 = vector.bitcast %gather3A_507 : vector<16xi32> to vector<32xbf16>
              %unpack3A_526 = tpu.unpack_subelements %bitcast3A_525, 0 {pack_format = #tpu.pack_format<interleaved>} : vector<32xbf16> -> vector<16xf32>
              %unpack3A_527 = tpu.unpack_subelements %bitcast3A_525, 1 {pack_format = #tpu.pack_format<interleaved>} : vector<32xbf16> -> vector<16xf32>
              tpu.vector_store_idx %arg15[%gather3A_497, %add3A_74], %unpack3A_526 {add = true} : memref<321x256xf32, #tpu.memory_space<vmem>>[vector<16xi32>, vector<16xi32>], vector<16xf32>,
              tpu.vector_store_idx %arg15[%gather3A_497, %add3A_107], %unpack3A_527 {add = true} : memref<321x256xf32, #tpu.memory_space<vmem>>[vector<16xi32>, vector<16xi32>], vector<16xf32>,
              %bitcast3A_528 = vector.bitcast %gather3A_509 : vector<16xi32> to vector<32xbf16>
              %unpack3A_529 = tpu.unpack_subelements %bitcast3A_528, 0 {pack_format = #tpu.pack_format<interleaved>} : vector<32xbf16> -> vector<16xf32>
              %unpack3A_530 = tpu.unpack_subelements %bitcast3A_528, 1 {pack_format = #tpu.pack_format<interleaved>} : vector<32xbf16> -> vector<16xf32>
              tpu.vector_store_idx %arg15[%gather3A_497, %add3A_80], %unpack3A_529 {add = true} : memref<321x256xf32, #tpu.memory_space<vmem>>[vector<16xi32>, vector<16xi32>], vector<16xf32>,
              tpu.vector_store_idx %arg15[%gather3A_497, %add3A_110], %unpack3A_530 {add = true} : memref<321x256xf32, #tpu.memory_space<vmem>>[vector<16xi32>, vector<16xi32>], vector<16xf32>,
              %bitcast3A_531 = vector.bitcast %gather3A_511 : vector<16xi32> to vector<32xbf16>
              %unpack3A_532 = tpu.unpack_subelements %bitcast3A_531, 0 {pack_format = #tpu.pack_format<interleaved>} : vector<32xbf16> -> vector<16xf32>
              %unpack3A_533 = tpu.unpack_subelements %bitcast3A_531, 1 {pack_format = #tpu.pack_format<interleaved>} : vector<32xbf16> -> vector<16xf32>
              tpu.vector_store_idx %arg15[%gather3A_497, %add3A_86], %unpack3A_532 {add = true} : memref<321x256xf32, #tpu.memory_space<vmem>>[vector<16xi32>, vector<16xi32>], vector<16xf32>,
              tpu.vector_store_idx %arg15[%gather3A_497, %add3A_113], %unpack3A_533 {add = true} : memref<321x256xf32, #tpu.memory_space<vmem>>[vector<16xi32>, vector<16xi32>], vector<16xf32>,
              %bitcast3A_534 = vector.bitcast %gather3A_513 : vector<16xi32> to vector<32xbf16>
              %unpack3A_535 = tpu.unpack_subelements %bitcast3A_534, 0 {pack_format = #tpu.pack_format<interleaved>} : vector<32xbf16> -> vector<16xf32>
              %unpack3A_536 = tpu.unpack_subelements %bitcast3A_534, 1 {pack_format = #tpu.pack_format<interleaved>} : vector<32xbf16> -> vector<16xf32>
              tpu.vector_store_idx %arg15[%gather3A_497, %add3A_92], %unpack3A_535 {add = true} : memref<321x256xf32, #tpu.memory_space<vmem>>[vector<16xi32>, vector<16xi32>], vector<16xf32>,
              tpu.vector_store_idx %arg15[%gather3A_497, %add3A_116], %unpack3A_536 {add = true} : memref<321x256xf32, #tpu.memory_space<vmem>>[vector<16xi32>, vector<16xi32>], vector<16xf32>,
              %while3A_537 = arith.constant 0 : i32
              scf.yield %while3A_537 : i32
            }
            %while3A_473 = arith.constant 0 : i32
            scf.yield %while3A_473 : i32
          }
          %scan3A_436 = arith.constant 0 : i32
          scf.yield %scan3A_436 : i32
        }
        %scan3A_415 = arith.constant 50 : i32
        %broadcast_in_dim3A_416 = arith.constant -1 : i32
        %broadcast_in_dim3A_417 = vector.broadcast %broadcast_in_dim3A_416 : i32 to vector<16xi32>
        scf.yield %broadcast_in_dim3A_417 : vector<16xi32>
      } else {
        scf.yield %scan3A_309 : vector<16xi32>
      }
      scf.yield %cond3A_354 : vector<16xi32>
    }
    %scan3A_170 = arith.constant 100 : i32
    %dma_wait3A = arith.constant 0 : i32
    %dma_wait3A_171 = tpu.memref_slice %arg3[%dma_wait3A] : memref<160000xi32, #tpu.memory_space<hbm>> -> memref<800xi32, #tpu.memory_space<hbm>>
    %dma_wait3A_172 = arith.constant 0 : i32
    %dma_wait3A_173 = tpu.memref_slice %arg3[%dma_wait3A_172] : memref<160000xi32, #tpu.memory_space<hbm>> -> memref<800xi32, #tpu.memory_space<hbm>>
    tpu.wait_dma2 semaphore(%arg16 : memref<!tpu.dma_semaphore, #tpu.memory_space<semaphore_mem>>) src(%dma_wait3A_173 : memref<800xi32, #tpu.memory_space<hbm>>) dst(%arg6 : memref<800xi32, #tpu.memory_space<vmem>>)
    %dma_wait3A_174 = arith.constant 0 : i32
    %dma_wait3A_175 = tpu.memref_slice %arg4[%dma_wait3A_174] : memref<160000xi32, #tpu.memory_space<hbm>> -> memref<800xi32, #tpu.memory_space<hbm>>
    %dma_wait3A_176 = arith.constant 0 : i32
    %dma_wait3A_177 = tpu.memref_slice %arg4[%dma_wait3A_176] : memref<160000xi32, #tpu.memory_space<hbm>> -> memref<800xi32, #tpu.memory_space<hbm>>
    tpu.wait_dma2 semaphore(%arg16 : memref<!tpu.dma_semaphore, #tpu.memory_space<semaphore_mem>>) src(%dma_wait3A_177 : memref<800xi32, #tpu.memory_space<hbm>>) dst(%arg7 : memref<800xi32, #tpu.memory_space<vmem>>)
    %dma_wait3A_178 = arith.constant 0 : i32
    %dma_wait3A_179 = tpu.memref_slice %arg3[%dma_wait3A_178] : memref<160000xi32, #tpu.memory_space<hbm>> -> memref<800xi32, #tpu.memory_space<hbm>>
    %dma_wait3A_180 = arith.constant 0 : i32
    %dma_wait3A_181 = tpu.memref_slice %arg3[%dma_wait3A_180] : memref<160000xi32, #tpu.memory_space<hbm>> -> memref<800xi32, #tpu.memory_space<hbm>>
    tpu.wait_dma2 semaphore(%arg17 : memref<!tpu.dma_semaphore, #tpu.memory_space<semaphore_mem>>) src(%dma_wait3A_181 : memref<800xi32, #tpu.memory_space<hbm>>) dst(%arg8 : memref<800xi32, #tpu.memory_space<vmem>>)
    %dma_wait3A_182 = arith.constant 0 : i32
    %dma_wait3A_183 = tpu.memref_slice %arg4[%dma_wait3A_182] : memref<160000xi32, #tpu.memory_space<hbm>> -> memref<800xi32, #tpu.memory_space<hbm>>
    %dma_wait3A_184 = arith.constant 0 : i32
    %dma_wait3A_185 = tpu.memref_slice %arg4[%dma_wait3A_184] : memref<160000xi32, #tpu.memory_space<hbm>> -> memref<800xi32, #tpu.memory_space<hbm>>
    tpu.wait_dma2 semaphore(%arg17 : memref<!tpu.dma_semaphore, #tpu.memory_space<semaphore_mem>>) src(%dma_wait3A_185 : memref<800xi32, #tpu.memory_space<hbm>>) dst(%arg9 : memref<800xi32, #tpu.memory_space<vmem>>)
    %eq3A_186 = arith.constant 0 : i32
    %eq3A_187 = vector.broadcast %eq3A_186 : i32 to vector<16xi32>
    %eq3A_188 = arith.cmpi eq, %iota3A, %eq3A_187 : vector<16xi32>
    %select_n3A_189 = arith.select %eq3A_188, %scan3A_169, %broadcast_in_dim3A_10 : vector<16xi1>, vector<16xi32>
    %reduce_sum3A = arith.constant true
    %reduce_sum3A_190 = vector.broadcast %reduce_sum3A : i1 to vector<16xi1>
    %reduce_sum3A_191 = tpu.scan <sum>, %select_n3A_189 masked %reduce_sum3A_190 : vector<16xi32>, vector<16xi1> -> vector<16xi32>
    %reduce_sum3A_192 = vector.extract %reduce_sum3A_191[15] : i32 from vector<16xi32>
    %add3A_193 = arith.constant 1 : i32
    %add3A_194 = arith.addi %reduce_sum3A_192, %add3A_193 : i32
    %add3A_195 = arith.constant 0 : i32
    %add3A_196 = arith.addi %add3A_194, %add3A_195 : i32
    %swap3A = arith.index_cast %add3A_196 : i32 to index
    %swap3A_197 = tpu.vector_load %arg10[%swap3A] {strides = array<i32>} : memref<8192xi32, #tpu.memory_space<vmem>>, vector<16xi32>,
    tpu.vector_store %arg10[%swap3A], %broadcast_in_dim3A_10 {strides = array<i32>} : memref<8192xi32, #tpu.memory_space<vmem>>, vector<16xi32>,
    %add3A_198 = arith.constant 0 : i32
    %add3A_199 = arith.addi %add3A_194, %add3A_198 : i32
    %swap3A_200 = arith.index_cast %add3A_199 : i32 to index
    %swap3A_201 = tpu.vector_load %arg11[%swap3A_200] {strides = array<i32>} : memref<8192xi32, #tpu.memory_space<vmem>>, vector<16xi32>,
    tpu.vector_store %arg11[%swap3A_200], %broadcast_in_dim3A_16 {strides = array<i32>} : memref<8192xi32, #tpu.memory_space<vmem>>, vector<16xi32>,
    %add3A_202 = arith.constant 16 : i32
    %add3A_203 = arith.addi %add3A_194, %add3A_202 : i32
    %swap3A_204 = arith.index_cast %add3A_203 : i32 to index
    %swap3A_205 = tpu.vector_load %arg10[%swap3A_204] {strides = array<i32>} : memref<8192xi32, #tpu.memory_space<vmem>>, vector<16xi32>,
    tpu.vector_store %arg10[%swap3A_204], %broadcast_in_dim3A_10 {strides = array<i32>} : memref<8192xi32, #tpu.memory_space<vmem>>, vector<16xi32>,
    %add3A_206 = arith.constant 16 : i32
    %add3A_207 = arith.addi %add3A_194, %add3A_206 : i32
    %swap3A_208 = arith.index_cast %add3A_207 : i32 to index
    %swap3A_209 = tpu.vector_load %arg11[%swap3A_208] {strides = array<i32>} : memref<8192xi32, #tpu.memory_space<vmem>>, vector<16xi32>,
    tpu.vector_store %arg11[%swap3A_208], %broadcast_in_dim3A_16 {strides = array<i32>} : memref<8192xi32, #tpu.memory_space<vmem>>, vector<16xi32>,
    %add3A_210 = arith.constant 16 : i32
    %add3A_211 = arith.addi %add3A_194, %add3A_210 : i32
    %sub3A = arith.constant 1 : i32
    %sub3A_212 = arith.subi %add3A_211, %sub3A : i32
    %jit3A_213 = arith.constant 16 : i32
    %div3A = arith.divsi %sub3A_212, %jit3A_213 : i32
    %sign3A = arith.constant 0 : i32
    %sign3A_214 = arith.cmpi sgt, %sub3A_212, %sign3A : i32
    %sign3A_215 = arith.extui %sign3A_214 : i1 to i32
    %sign3A_216 = arith.constant 0 : i32
    %sign3A_217 = arith.cmpi slt, %sub3A_212, %sign3A_216 : i32
    %sign3A_218 = arith.extui %sign3A_217 : i1 to i32
    %sign3A_219 = arith.subi %sign3A_215, %sign3A_218 : i32
    %sign3A_220 = arith.constant 0 : i32
    %sign3A_221 = arith.cmpi sgt, %jit3A_213, %sign3A_220 : i32
    %sign3A_222 = arith.extui %sign3A_221 : i1 to i32
    %sign3A_223 = arith.constant 0 : i32
    %sign3A_224 = arith.cmpi slt, %jit3A_213, %sign3A_223 : i32
    %sign3A_225 = arith.extui %sign3A_224 : i1 to i32
    %sign3A_226 = arith.subi %sign3A_222, %sign3A_225 : i32
    %ne3A_227 = arith.cmpi ne, %sign3A_219, %sign3A_226 : i32
    %rem3A_228 = arith.remsi %sub3A_212, %jit3A_213 : i32
    %ne3A_229 = arith.constant 0 : i32
    %ne3A_230 = arith.cmpi ne, %rem3A_228, %ne3A_229 : i32
    %and3A_231 = arith.andi %ne3A_227, %ne3A_230 : i1
    %sub3A_232 = arith.constant 1 : i32
    %sub3A_233 = arith.subi %div3A, %sub3A_232 : i32
    %select_n3A_234 = arith.select %and3A_231, %sub3A_233, %div3A : i32
    %scan3A_235 = arith.constant 0 : i32
    %scan3A_236 = arith.constant 0 : i32
    %scan3A_237 = arith.constant 50 : i32
    %scan3A_238 = arith.addi %scan3A_236, %scan3A_237 : i32
    %scan3A_239 = arith.constant 1 : i32
    %scan3A_240 = scf.for %scan3A_252 = %scan3A_236 to %scan3A_238 step %scan3A_239 iter_args(%scan3A_253 = %scan3A_235) -> (i32)  : i32 {
      %mul3A_254 = arith.constant 25600 : i32
      %mul3A_255 = arith.muli %scan3A_252, %mul3A_254 : i32
      "tpu.region"() ({
        %run_scoped3A = tpu.sem_alloc : memref<!tpu.dma_semaphore, #tpu.memory_space<semaphore_mem>>
        %dma_start3A_271 = tpu.memref_slice %arg2[%mul3A_255] : memref<1280000xi32, #tpu.memory_space<hbm>> -> memref<25600xi32, #tpu.memory_space<hbm>>
        %dma_start3A_272 = tpu.memref_slice %arg2[%mul3A_255] : memref<1280000xi32, #tpu.memory_space<hbm>> -> memref<25600xi32, #tpu.memory_space<hbm>>
        tpu.enqueue_dma source(%dma_start3A_272 : memref<25600xi32, #tpu.memory_space<hbm>>) target(%arg14 : memref<25600xi32, #tpu.memory_space<vmem>>) target_semaphore(%run_scoped3A : memref<!tpu.dma_semaphore, #tpu.memory_space<semaphore_mem>>)
        %dma_wait3A_273 = tpu.memref_slice %arg2[%mul3A_255] : memref<1280000xi32, #tpu.memory_space<hbm>> -> memref<25600xi32, #tpu.memory_space<hbm>>
        %dma_wait3A_274 = tpu.memref_slice %arg2[%mul3A_255] : memref<1280000xi32, #tpu.memory_space<hbm>> -> memref<25600xi32, #tpu.memory_space<hbm>>
        tpu.wait_dma2 semaphore(%run_scoped3A : memref<!tpu.dma_semaphore, #tpu.memory_space<semaphore_mem>>) src(%dma_wait3A_274 : memref<25600xi32, #tpu.memory_space<hbm>>) dst(%arg14 : memref<25600xi32, #tpu.memory_space<vmem>>)
        tpu.yield
      }) : () -> ()
      %mul3A_256 = arith.constant 200 : i32
      %mul3A_257 = arith.muli %scan3A_252, %mul3A_256 : i32
      %broadcast_in_dim3A_258 = vector.broadcast %mul3A_257 : i32 to vector<16xi32>
      %while3A = arith.constant 0 : i32
      %while3A_259 = arith.constant 0 : i32
      %while3A_260 = arith.subi %select_n3A_234, %while3A : i32
      %while3A_261 = arith.addi %while3A, %while3A_260 : i32
      %while3A_262 = arith.constant 1 : i32
      %while3A_263 = arith.divsi %while3A_260, %while3A_262 : i32
      %while3A_264 = arith.muli %while3A_263, %while3A_262 : i32
      %while3A_265 = arith.addi %while3A, %while3A_264 : i32
      %while3A_266 = arith.constant 1 : i32
      %while3A_267 = scf.for %while3A_271 = %while3A to %while3A_265 step %while3A_266 iter_args(%while3A_272 = %while3A_259) -> (i32)  : i32 {
        %mul3A_273 = arith.constant 16 : i32
        %mul3A_274 = arith.muli %while3A_271, %mul3A_273 : i32
        %get3A = arith.index_cast %mul3A_274 : i32 to index
        %get3A_275 = tpu.vector_load %arg10[%get3A] {strides = array<i32>} : memref<8192xi32, #tpu.memory_space<vmem>>, vector<16xi32>,
        %mul3A_276 = arith.constant 16 : i32
        %mul3A_277 = arith.muli %while3A_271, %mul3A_276 : i32
        %get3A_278 = arith.index_cast %mul3A_277 : i32 to index
        %get3A_279 = tpu.vector_load %arg11[%get3A_278] {strides = array<i32>} : memref<8192xi32, #tpu.memory_space<vmem>>, vector<16xi32>,
        %sub3A_280 = arith.subi %get3A_275, %broadcast_in_dim3A_258 : vector<16xi32>
        %bitcast3A = vector.bitcast %sub3A_280 : vector<16xi32> to vector<16xi32>
        %lt3A_281 = arith.cmpi ult, %bitcast3A, %broadcast_in_dim3A_6 : vector<16xi32>
        %select_n3A_282 = arith.select %lt3A_281, %broadcast_in_dim3A_8, %broadcast_in_dim3A_10 : vector<16xi1>, vector<16xi32>
        %broadcast_in_dim3A_283 = arith.constant true
        %broadcast_in_dim3A_284 = vector.broadcast %broadcast_in_dim3A_283 : i1 to vector<16xi1>
        %masked_cumsum3A = tpu.scan <sum>, %select_n3A_282 masked %broadcast_in_dim3A_284 : vector<16xi32>, vector<16xi1> -> vector<16xi32>
        %sub3A_285 = arith.subi %masked_cumsum3A, %broadcast_in_dim3A_8 : vector<16xi32>
        %select_n3A_286 = arith.select %lt3A_281, %sub3A_285, %broadcast_in_dim3A_14 : vector<16xi1>, vector<16xi32>
        tpu.vector_store_idx %arg12[%select_n3A_286], %sub3A_280 : memref<32xi32, #tpu.memory_space<vmem>>[vector<16xi32>], vector<16xi32>,
        tpu.vector_store_idx %arg13[%select_n3A_286], %get3A_279 : memref<32xi32, #tpu.memory_space<vmem>>[vector<16xi32>], vector<16xi32>,
        %reduce_sum3A_287 = arith.constant true
        %reduce_sum3A_288 = vector.broadcast %reduce_sum3A_287 : i1 to vector<16xi1>
        %reduce_sum3A_289 = tpu.scan <sum>, %select_n3A_282 masked %reduce_sum3A_288 : vector<16xi32>, vector<16xi1> -> vector<16xi32>
        %reduce_sum3A_290 = vector.extract %reduce_sum3A_289[15] : i32 from vector<16xi32>
        %get3A_291 = arith.constant 0 : index
        %get3A_292 = tpu.vector_load %arg12[%get3A_291] {strides = array<i32>} : memref<32xi32, #tpu.memory_space<vmem>>, vector<16xi32>,
        %get3A_293 = arith.constant 0 : index
        %get3A_294 = tpu.vector_load %arg13[%get3A_293] {strides = array<i32>} : memref<32xi32, #tpu.memory_space<vmem>>, vector<16xi32>,
        %while3A_295 = arith.constant 0 : i32
        %while3A_296 = arith.constant 0 : i32
        %while3A_297 = arith.subi %reduce_sum3A_290, %while3A_295 : i32
        %while3A_298 = arith.addi %while3A_295, %while3A_297 : i32
        %while3A_299 = arith.constant 1 : i32
        %while3A_300 = arith.divsi %while3A_297, %while3A_299 : i32
        %while3A_301 = arith.muli %while3A_300, %while3A_299 : i32
        %while3A_302 = arith.addi %while3A_295, %while3A_301 : i32
        %while3A_303 = arith.constant 1 : i32
        %while3A_304 = scf.for %while3A_308 = %while3A_295 to %while3A_302 step %while3A_303 iter_args(%while3A_309 = %while3A_296) -> (i32)  : i32 {
          %broadcast_in_dim3A_310 = vector.broadcast %while3A_308 : i32 to vector<16xi32>
          %lt3A_311 = arith.constant 0 : i32
          %lt3A_312 = vector.broadcast %lt3A_311 : i32 to vector<16xi32>
          %lt3A_313 = arith.cmpi slt, %broadcast_in_dim3A_310, %lt3A_312 : vector<16xi32>
          %add3A_314 = arith.constant 16 : i32
          %add3A_315 = vector.broadcast %add3A_314 : i32 to vector<16xi32>
          %add3A_316 = arith.addi %broadcast_in_dim3A_310, %add3A_315 : vector<16xi32>
          %select_n3A_317 = arith.select %lt3A_313, %add3A_316, %broadcast_in_dim3A_310 : vector<16xi1>, vector<16xi32>
          %reshape3A = vector.shape_cast %select_n3A_317 : vector<16xi32> to vector<16x1xi32>
          %gather3A = vector.shape_cast %reshape3A : vector<16x1xi32> to vector<16xi32>
          %gather3A_318 = tpu.dynamic_gather %get3A_292[%gather3A] in [0] : vector<16xi32>, vector<16xi32> -> vector<16xi32>
          %mul3A_319 = arith.constant 128 : i32
          %mul3A_320 = vector.broadcast %mul3A_319 : i32 to vector<16xi32>
          %mul3A_321 = arith.muli %gather3A_318, %mul3A_320 : vector<16xi32>
          %lt3A_322 = arith.constant 0 : i32
          %lt3A_323 = vector.broadcast %lt3A_322 : i32 to vector<16xi32>
          %lt3A_324 = arith.cmpi slt, %broadcast_in_dim3A_310, %lt3A_323 : vector<16xi32>
          %add3A_325 = arith.constant 16 : i32
          %add3A_326 = vector.broadcast %add3A_325 : i32 to vector<16xi32>
          %add3A_327 = arith.addi %broadcast_in_dim3A_310, %add3A_326 : vector<16xi32>
          %select_n3A_328 = arith.select %lt3A_324, %add3A_327, %broadcast_in_dim3A_310 : vector<16xi1>, vector<16xi32>
          %reshape3A_329 = vector.shape_cast %select_n3A_328 : vector<16xi32> to vector<16x1xi32>
          %gather3A_330 = vector.shape_cast %reshape3A_329 : vector<16x1xi32> to vector<16xi32>
          %gather3A_331 = tpu.dynamic_gather %get3A_294[%gather3A_330] in [0] : vector<16xi32>, vector<16xi32> -> vector<16xi32>
          %add3A_332 = arith.addi %mul3A_321, %add3A_23 : vector<16xi32>
          %gather3A_333 = tpu.vector_load_idx %arg14[%add3A_332] : memref<25600xi32, #tpu.memory_space<vmem>>[vector<16xi32>], vector<16xi32>,
          %add3A_334 = arith.addi %mul3A_321, %add3A_26 : vector<16xi32>
          %gather3A_335 = tpu.vector_load_idx %arg14[%add3A_334] : memref<25600xi32, #tpu.memory_space<vmem>>[vector<16xi32>], vector<16xi32>,
          %add3A_336 = arith.addi %mul3A_321, %add3A_29 : vector<16xi32>
          %gather3A_337 = tpu.vector_load_idx %arg14[%add3A_336] : memref<25600xi32, #tpu.memory_space<vmem>>[vector<16xi32>], vector<16xi32>,
          %add3A_338 = arith.addi %mul3A_321, %add3A_32 : vector<16xi32>
          %gather3A_339 = tpu.vector_load_idx %arg14[%add3A_338] : memref<25600xi32, #tpu.memory_space<vmem>>[vector<16xi32>], vector<16xi32>,
          %add3A_340 = arith.addi %mul3A_321, %add3A_35 : vector<16xi32>
          %gather3A_341 = tpu.vector_load_idx %arg14[%add3A_340] : memref<25600xi32, #tpu.memory_space<vmem>>[vector<16xi32>], vector<16xi32>,
          %add3A_342 = arith.addi %mul3A_321, %add3A_38 : vector<16xi32>
          %gather3A_343 = tpu.vector_load_idx %arg14[%add3A_342] : memref<25600xi32, #tpu.memory_space<vmem>>[vector<16xi32>], vector<16xi32>,
          %add3A_344 = arith.addi %mul3A_321, %add3A_41 : vector<16xi32>
          %gather3A_345 = tpu.vector_load_idx %arg14[%add3A_344] : memref<25600xi32, #tpu.memory_space<vmem>>[vector<16xi32>], vector<16xi32>,
          %add3A_346 = arith.addi %mul3A_321, %add3A_44 : vector<16xi32>
          %gather3A_347 = tpu.vector_load_idx %arg14[%add3A_346] : memref<25600xi32, #tpu.memory_space<vmem>>[vector<16xi32>], vector<16xi32>,
          %bitcast3A_348 = vector.bitcast %gather3A_333 : vector<16xi32> to vector<32xbf16>
          %unpack3A = tpu.unpack_subelements %bitcast3A_348, 0 {pack_format = #tpu.pack_format<interleaved>} : vector<32xbf16> -> vector<16xf32>
          %unpack3A_349 = tpu.unpack_subelements %bitcast3A_348, 1 {pack_format = #tpu.pack_format<interleaved>} : vector<32xbf16> -> vector<16xf32>
          tpu.vector_store_idx %arg15[%gather3A_331, %add3A_50], %unpack3A {add = true} : memref<321x256xf32, #tpu.memory_space<vmem>>[vector<16xi32>, vector<16xi32>], vector<16xf32>,
          tpu.vector_store_idx %arg15[%gather3A_331, %add3A_95], %unpack3A_349 {add = true} : memref<321x256xf32, #tpu.memory_space<vmem>>[vector<16xi32>, vector<16xi32>], vector<16xf32>,
          %bitcast3A_350 = vector.bitcast %gather3A_335 : vector<16xi32> to vector<32xbf16>
          %unpack3A_351 = tpu.unpack_subelements %bitcast3A_350, 0 {pack_format = #tpu.pack_format<interleaved>} : vector<32xbf16> -> vector<16xf32>
          %unpack3A_352 = tpu.unpack_subelements %bitcast3A_350, 1 {pack_format = #tpu.pack_format<interleaved>} : vector<32xbf16> -> vector<16xf32>
          tpu.vector_store_idx %arg15[%gather3A_331, %add3A_56], %unpack3A_351 {add = true} : memref<321x256xf32, #tpu.memory_space<vmem>>[vector<16xi32>, vector<16xi32>], vector<16xf32>,
          tpu.vector_store_idx %arg15[%gather3A_331, %add3A_98], %unpack3A_352 {add = true} : memref<321x256xf32, #tpu.memory_space<vmem>>[vector<16xi32>, vector<16xi32>], vector<16xf32>,
          %bitcast3A_353 = vector.bitcast %gather3A_337 : vector<16xi32> to vector<32xbf16>
          %unpack3A_354 = tpu.unpack_subelements %bitcast3A_353, 0 {pack_format = #tpu.pack_format<interleaved>} : vector<32xbf16> -> vector<16xf32>
          %unpack3A_355 = tpu.unpack_subelements %bitcast3A_353, 1 {pack_format = #tpu.pack_format<interleaved>} : vector<32xbf16> -> vector<16xf32>
          tpu.vector_store_idx %arg15[%gather3A_331, %add3A_62], %unpack3A_354 {add = true} : memref<321x256xf32, #tpu.memory_space<vmem>>[vector<16xi32>, vector<16xi32>], vector<16xf32>,
          tpu.vector_store_idx %arg15[%gather3A_331, %add3A_101], %unpack3A_355 {add = true} : memref<321x256xf32, #tpu.memory_space<vmem>>[vector<16xi32>, vector<16xi32>], vector<16xf32>,
          %bitcast3A_356 = vector.bitcast %gather3A_339 : vector<16xi32> to vector<32xbf16>
          %unpack3A_357 = tpu.unpack_subelements %bitcast3A_356, 0 {pack_format = #tpu.pack_format<interleaved>} : vector<32xbf16> -> vector<16xf32>
          %unpack3A_358 = tpu.unpack_subelements %bitcast3A_356, 1 {pack_format = #tpu.pack_format<interleaved>} : vector<32xbf16> -> vector<16xf32>
          tpu.vector_store_idx %arg15[%gather3A_331, %add3A_68], %unpack3A_357 {add = true} : memref<321x256xf32, #tpu.memory_space<vmem>>[vector<16xi32>, vector<16xi32>], vector<16xf32>,
          tpu.vector_store_idx %arg15[%gather3A_331, %add3A_104], %unpack3A_358 {add = true} : memref<321x256xf32, #tpu.memory_space<vmem>>[vector<16xi32>, vector<16xi32>], vector<16xf32>,
          %bitcast3A_359 = vector.bitcast %gather3A_341 : vector<16xi32> to vector<32xbf16>
          %unpack3A_360 = tpu.unpack_subelements %bitcast3A_359, 0 {pack_format = #tpu.pack_format<interleaved>} : vector<32xbf16> -> vector<16xf32>
          %unpack3A_361 = tpu.unpack_subelements %bitcast3A_359, 1 {pack_format = #tpu.pack_format<interleaved>} : vector<32xbf16> -> vector<16xf32>
          tpu.vector_store_idx %arg15[%gather3A_331, %add3A_74], %unpack3A_360 {add = true} : memref<321x256xf32, #tpu.memory_space<vmem>>[vector<16xi32>, vector<16xi32>], vector<16xf32>,
          tpu.vector_store_idx %arg15[%gather3A_331, %add3A_107], %unpack3A_361 {add = true} : memref<321x256xf32, #tpu.memory_space<vmem>>[vector<16xi32>, vector<16xi32>], vector<16xf32>,
          %bitcast3A_362 = vector.bitcast %gather3A_343 : vector<16xi32> to vector<32xbf16>
          %unpack3A_363 = tpu.unpack_subelements %bitcast3A_362, 0 {pack_format = #tpu.pack_format<interleaved>} : vector<32xbf16> -> vector<16xf32>
          %unpack3A_364 = tpu.unpack_subelements %bitcast3A_362, 1 {pack_format = #tpu.pack_format<interleaved>} : vector<32xbf16> -> vector<16xf32>
          tpu.vector_store_idx %arg15[%gather3A_331, %add3A_80], %unpack3A_363 {add = true} : memref<321x256xf32, #tpu.memory_space<vmem>>[vector<16xi32>, vector<16xi32>], vector<16xf32>,
          tpu.vector_store_idx %arg15[%gather3A_331, %add3A_110], %unpack3A_364 {add = true} : memref<321x256xf32, #tpu.memory_space<vmem>>[vector<16xi32>, vector<16xi32>], vector<16xf32>,
          %bitcast3A_365 = vector.bitcast %gather3A_345 : vector<16xi32> to vector<32xbf16>
          %unpack3A_366 = tpu.unpack_subelements %bitcast3A_365, 0 {pack_format = #tpu.pack_format<interleaved>} : vector<32xbf16> -> vector<16xf32>
          %unpack3A_367 = tpu.unpack_subelements %bitcast3A_365, 1 {pack_format = #tpu.pack_format<interleaved>} : vector<32xbf16> -> vector<16xf32>
          tpu.vector_store_idx %arg15[%gather3A_331, %add3A_86], %unpack3A_366 {add = true} : memref<321x256xf32, #tpu.memory_space<vmem>>[vector<16xi32>, vector<16xi32>], vector<16xf32>,
          tpu.vector_store_idx %arg15[%gather3A_331, %add3A_113], %unpack3A_367 {add = true} : memref<321x256xf32, #tpu.memory_space<vmem>>[vector<16xi32>, vector<16xi32>], vector<16xf32>,
          %bitcast3A_368 = vector.bitcast %gather3A_347 : vector<16xi32> to vector<32xbf16>
          %unpack3A_369 = tpu.unpack_subelements %bitcast3A_368, 0 {pack_format = #tpu.pack_format<interleaved>} : vector<32xbf16> -> vector<16xf32>
          %unpack3A_370 = tpu.unpack_subelements %bitcast3A_368, 1 {pack_format = #tpu.pack_format<interleaved>} : vector<32xbf16> -> vector<16xf32>
          tpu.vector_store_idx %arg15[%gather3A_331, %add3A_92], %unpack3A_369 {add = true} : memref<321x256xf32, #tpu.memory_space<vmem>>[vector<16xi32>, vector<16xi32>], vector<16xf32>,
          tpu.vector_store_idx %arg15[%gather3A_331, %add3A_116], %unpack3A_370 {add = true} : memref<321x256xf32, #tpu.memory_space<vmem>>[vector<16xi32>, vector<16xi32>], vector<16xf32>,
          %while3A_371 = arith.constant 0 : i32
          scf.yield %while3A_371 : i32
        }
        %while3A_305 = arith.constant 1 : i32
        %while3A_306 = scf.for %while3A_308 = %while3A_302 to %while3A_298 step %while3A_305 iter_args(%while3A_309 = %while3A_304) -> (i32)  : i32 {
          %broadcast_in_dim3A_310 = vector.broadcast %while3A_308 : i32 to vector<16xi32>
          %lt3A_311 = arith.constant 0 : i32
          %lt3A_312 = vector.broadcast %lt3A_311 : i32 to vector<16xi32>
          %lt3A_313 = arith.cmpi slt, %broadcast_in_dim3A_310, %lt3A_312 : vector<16xi32>
          %add3A_314 = arith.constant 16 : i32
          %add3A_315 = vector.broadcast %add3A_314 : i32 to vector<16xi32>
          %add3A_316 = arith.addi %broadcast_in_dim3A_310, %add3A_315 : vector<16xi32>
          %select_n3A_317 = arith.select %lt3A_313, %add3A_316, %broadcast_in_dim3A_310 : vector<16xi1>, vector<16xi32>
          %reshape3A = vector.shape_cast %select_n3A_317 : vector<16xi32> to vector<16x1xi32>
          %gather3A = vector.shape_cast %reshape3A : vector<16x1xi32> to vector<16xi32>
          %gather3A_318 = tpu.dynamic_gather %get3A_292[%gather3A] in [0] : vector<16xi32>, vector<16xi32> -> vector<16xi32>
          %mul3A_319 = arith.constant 128 : i32
          %mul3A_320 = vector.broadcast %mul3A_319 : i32 to vector<16xi32>
          %mul3A_321 = arith.muli %gather3A_318, %mul3A_320 : vector<16xi32>
          %lt3A_322 = arith.constant 0 : i32
          %lt3A_323 = vector.broadcast %lt3A_322 : i32 to vector<16xi32>
          %lt3A_324 = arith.cmpi slt, %broadcast_in_dim3A_310, %lt3A_323 : vector<16xi32>
          %add3A_325 = arith.constant 16 : i32
          %add3A_326 = vector.broadcast %add3A_325 : i32 to vector<16xi32>
          %add3A_327 = arith.addi %broadcast_in_dim3A_310, %add3A_326 : vector<16xi32>
          %select_n3A_328 = arith.select %lt3A_324, %add3A_327, %broadcast_in_dim3A_310 : vector<16xi1>, vector<16xi32>
          %reshape3A_329 = vector.shape_cast %select_n3A_328 : vector<16xi32> to vector<16x1xi32>
          %gather3A_330 = vector.shape_cast %reshape3A_329 : vector<16x1xi32> to vector<16xi32>
          %gather3A_331 = tpu.dynamic_gather %get3A_294[%gather3A_330] in [0] : vector<16xi32>, vector<16xi32> -> vector<16xi32>
          %add3A_332 = arith.addi %mul3A_321, %add3A_23 : vector<16xi32>
          %gather3A_333 = tpu.vector_load_idx %arg14[%add3A_332] : memref<25600xi32, #tpu.memory_space<vmem>>[vector<16xi32>], vector<16xi32>,
          %add3A_334 = arith.addi %mul3A_321, %add3A_26 : vector<16xi32>
          %gather3A_335 = tpu.vector_load_idx %arg14[%add3A_334] : memref<25600xi32, #tpu.memory_space<vmem>>[vector<16xi32>], vector<16xi32>,
          %add3A_336 = arith.addi %mul3A_321, %add3A_29 : vector<16xi32>
          %gather3A_337 = tpu.vector_load_idx %arg14[%add3A_336] : memref<25600xi32, #tpu.memory_space<vmem>>[vector<16xi32>], vector<16xi32>,
          %add3A_338 = arith.addi %mul3A_321, %add3A_32 : vector<16xi32>
          %gather3A_339 = tpu.vector_load_idx %arg14[%add3A_338] : memref<25600xi32, #tpu.memory_space<vmem>>[vector<16xi32>], vector<16xi32>,
          %add3A_340 = arith.addi %mul3A_321, %add3A_35 : vector<16xi32>
          %gather3A_341 = tpu.vector_load_idx %arg14[%add3A_340] : memref<25600xi32, #tpu.memory_space<vmem>>[vector<16xi32>], vector<16xi32>,
          %add3A_342 = arith.addi %mul3A_321, %add3A_38 : vector<16xi32>
          %gather3A_343 = tpu.vector_load_idx %arg14[%add3A_342] : memref<25600xi32, #tpu.memory_space<vmem>>[vector<16xi32>], vector<16xi32>,
          %add3A_344 = arith.addi %mul3A_321, %add3A_41 : vector<16xi32>
          %gather3A_345 = tpu.vector_load_idx %arg14[%add3A_344] : memref<25600xi32, #tpu.memory_space<vmem>>[vector<16xi32>], vector<16xi32>,
          %add3A_346 = arith.addi %mul3A_321, %add3A_44 : vector<16xi32>
          %gather3A_347 = tpu.vector_load_idx %arg14[%add3A_346] : memref<25600xi32, #tpu.memory_space<vmem>>[vector<16xi32>], vector<16xi32>,
          %bitcast3A_348 = vector.bitcast %gather3A_333 : vector<16xi32> to vector<32xbf16>
          %unpack3A = tpu.unpack_subelements %bitcast3A_348, 0 {pack_format = #tpu.pack_format<interleaved>} : vector<32xbf16> -> vector<16xf32>
          %unpack3A_349 = tpu.unpack_subelements %bitcast3A_348, 1 {pack_format = #tpu.pack_format<interleaved>} : vector<32xbf16> -> vector<16xf32>
          tpu.vector_store_idx %arg15[%gather3A_331, %add3A_50], %unpack3A {add = true} : memref<321x256xf32, #tpu.memory_space<vmem>>[vector<16xi32>, vector<16xi32>], vector<16xf32>,
          tpu.vector_store_idx %arg15[%gather3A_331, %add3A_95], %unpack3A_349 {add = true} : memref<321x256xf32, #tpu.memory_space<vmem>>[vector<16xi32>, vector<16xi32>], vector<16xf32>,
          %bitcast3A_350 = vector.bitcast %gather3A_335 : vector<16xi32> to vector<32xbf16>
          %unpack3A_351 = tpu.unpack_subelements %bitcast3A_350, 0 {pack_format = #tpu.pack_format<interleaved>} : vector<32xbf16> -> vector<16xf32>
          %unpack3A_352 = tpu.unpack_subelements %bitcast3A_350, 1 {pack_format = #tpu.pack_format<interleaved>} : vector<32xbf16> -> vector<16xf32>
          tpu.vector_store_idx %arg15[%gather3A_331, %add3A_56], %unpack3A_351 {add = true} : memref<321x256xf32, #tpu.memory_space<vmem>>[vector<16xi32>, vector<16xi32>], vector<16xf32>,
          tpu.vector_store_idx %arg15[%gather3A_331, %add3A_98], %unpack3A_352 {add = true} : memref<321x256xf32, #tpu.memory_space<vmem>>[vector<16xi32>, vector<16xi32>], vector<16xf32>,
          %bitcast3A_353 = vector.bitcast %gather3A_337 : vector<16xi32> to vector<32xbf16>
          %unpack3A_354 = tpu.unpack_subelements %bitcast3A_353, 0 {pack_format = #tpu.pack_format<interleaved>} : vector<32xbf16> -> vector<16xf32>
          %unpack3A_355 = tpu.unpack_subelements %bitcast3A_353, 1 {pack_format = #tpu.pack_format<interleaved>} : vector<32xbf16> -> vector<16xf32>
          tpu.vector_store_idx %arg15[%gather3A_331, %add3A_62], %unpack3A_354 {add = true} : memref<321x256xf32, #tpu.memory_space<vmem>>[vector<16xi32>, vector<16xi32>], vector<16xf32>,
          tpu.vector_store_idx %arg15[%gather3A_331, %add3A_101], %unpack3A_355 {add = true} : memref<321x256xf32, #tpu.memory_space<vmem>>[vector<16xi32>, vector<16xi32>], vector<16xf32>,
          %bitcast3A_356 = vector.bitcast %gather3A_339 : vector<16xi32> to vector<32xbf16>
          %unpack3A_357 = tpu.unpack_subelements %bitcast3A_356, 0 {pack_format = #tpu.pack_format<interleaved>} : vector<32xbf16> -> vector<16xf32>
          %unpack3A_358 = tpu.unpack_subelements %bitcast3A_356, 1 {pack_format = #tpu.pack_format<interleaved>} : vector<32xbf16> -> vector<16xf32>
          tpu.vector_store_idx %arg15[%gather3A_331, %add3A_68], %unpack3A_357 {add = true} : memref<321x256xf32, #tpu.memory_space<vmem>>[vector<16xi32>, vector<16xi32>], vector<16xf32>,
          tpu.vector_store_idx %arg15[%gather3A_331, %add3A_104], %unpack3A_358 {add = true} : memref<321x256xf32, #tpu.memory_space<vmem>>[vector<16xi32>, vector<16xi32>], vector<16xf32>,
          %bitcast3A_359 = vector.bitcast %gather3A_341 : vector<16xi32> to vector<32xbf16>
          %unpack3A_360 = tpu.unpack_subelements %bitcast3A_359, 0 {pack_format = #tpu.pack_format<interleaved>} : vector<32xbf16> -> vector<16xf32>
          %unpack3A_361 = tpu.unpack_subelements %bitcast3A_359, 1 {pack_format = #tpu.pack_format<interleaved>} : vector<32xbf16> -> vector<16xf32>
          tpu.vector_store_idx %arg15[%gather3A_331, %add3A_74], %unpack3A_360 {add = true} : memref<321x256xf32, #tpu.memory_space<vmem>>[vector<16xi32>, vector<16xi32>], vector<16xf32>,
          tpu.vector_store_idx %arg15[%gather3A_331, %add3A_107], %unpack3A_361 {add = true} : memref<321x256xf32, #tpu.memory_space<vmem>>[vector<16xi32>, vector<16xi32>], vector<16xf32>,
          %bitcast3A_362 = vector.bitcast %gather3A_343 : vector<16xi32> to vector<32xbf16>
          %unpack3A_363 = tpu.unpack_subelements %bitcast3A_362, 0 {pack_format = #tpu.pack_format<interleaved>} : vector<32xbf16> -> vector<16xf32>
          %unpack3A_364 = tpu.unpack_subelements %bitcast3A_362, 1 {pack_format = #tpu.pack_format<interleaved>} : vector<32xbf16> -> vector<16xf32>
          tpu.vector_store_idx %arg15[%gather3A_331, %add3A_80], %unpack3A_363 {add = true} : memref<321x256xf32, #tpu.memory_space<vmem>>[vector<16xi32>, vector<16xi32>], vector<16xf32>,
          tpu.vector_store_idx %arg15[%gather3A_331, %add3A_110], %unpack3A_364 {add = true} : memref<321x256xf32, #tpu.memory_space<vmem>>[vector<16xi32>, vector<16xi32>], vector<16xf32>,
          %bitcast3A_365 = vector.bitcast %gather3A_345 : vector<16xi32> to vector<32xbf16>
          %unpack3A_366 = tpu.unpack_subelements %bitcast3A_365, 0 {pack_format = #tpu.pack_format<interleaved>} : vector<32xbf16> -> vector<16xf32>
          %unpack3A_367 = tpu.unpack_subelements %bitcast3A_365, 1 {pack_format = #tpu.pack_format<interleaved>} : vector<32xbf16> -> vector<16xf32>
          tpu.vector_store_idx %arg15[%gather3A_331, %add3A_86], %unpack3A_366 {add = true} : memref<321x256xf32, #tpu.memory_space<vmem>>[vector<16xi32>, vector<16xi32>], vector<16xf32>,
          tpu.vector_store_idx %arg15[%gather3A_331, %add3A_113], %unpack3A_367 {add = true} : memref<321x256xf32, #tpu.memory_space<vmem>>[vector<16xi32>, vector<16xi32>], vector<16xf32>,
          %bitcast3A_368 = vector.bitcast %gather3A_347 : vector<16xi32> to vector<32xbf16>
          %unpack3A_369 = tpu.unpack_subelements %bitcast3A_368, 0 {pack_format = #tpu.pack_format<interleaved>} : vector<32xbf16> -> vector<16xf32>
          %unpack3A_370 = tpu.unpack_subelements %bitcast3A_368, 1 {pack_format = #tpu.pack_format<interleaved>} : vector<32xbf16> -> vector<16xf32>
          tpu.vector_store_idx %arg15[%gather3A_331, %add3A_92], %unpack3A_369 {add = true} : memref<321x256xf32, #tpu.memory_space<vmem>>[vector<16xi32>, vector<16xi32>], vector<16xf32>,
          tpu.vector_store_idx %arg15[%gather3A_331, %add3A_116], %unpack3A_370 {add = true} : memref<321x256xf32, #tpu.memory_space<vmem>>[vector<16xi32>, vector<16xi32>], vector<16xf32>,
          %while3A_371 = arith.constant 0 : i32
          scf.yield %while3A_371 : i32
        }
        %while3A_307 = arith.constant 0 : i32
        scf.yield %while3A_307 : i32
      }
      %while3A_268 = arith.constant 1 : i32
      %while3A_269 = scf.for %while3A_271 = %while3A_265 to %while3A_261 step %while3A_268 iter_args(%while3A_272 = %while3A_267) -> (i32)  : i32 {
        %mul3A_273 = arith.constant 16 : i32
        %mul3A_274 = arith.muli %while3A_271, %mul3A_273 : i32
        %get3A = arith.index_cast %mul3A_274 : i32 to index
        %get3A_275 = tpu.vector_load %arg10[%get3A] {strides = array<i32>} : memref<8192xi32, #tpu.memory_space<vmem>>, vector<16xi32>,
        %mul3A_276 = arith.constant 16 : i32
        %mul3A_277 = arith.muli %while3A_271, %mul3A_276 : i32
        %get3A_278 = arith.index_cast %mul3A_277 : i32 to index
        %get3A_279 = tpu.vector_load %arg11[%get3A_278] {strides = array<i32>} : memref<8192xi32, #tpu.memory_space<vmem>>, vector<16xi32>,
        %sub3A_280 = arith.subi %get3A_275, %broadcast_in_dim3A_258 : vector<16xi32>
        %bitcast3A = vector.bitcast %sub3A_280 : vector<16xi32> to vector<16xi32>
        %lt3A_281 = arith.cmpi ult, %bitcast3A, %broadcast_in_dim3A_6 : vector<16xi32>
        %select_n3A_282 = arith.select %lt3A_281, %broadcast_in_dim3A_8, %broadcast_in_dim3A_10 : vector<16xi1>, vector<16xi32>
        %broadcast_in_dim3A_283 = arith.constant true
        %broadcast_in_dim3A_284 = vector.broadcast %broadcast_in_dim3A_283 : i1 to vector<16xi1>
        %masked_cumsum3A = tpu.scan <sum>, %select_n3A_282 masked %broadcast_in_dim3A_284 : vector<16xi32>, vector<16xi1> -> vector<16xi32>
        %sub3A_285 = arith.subi %masked_cumsum3A, %broadcast_in_dim3A_8 : vector<16xi32>
        %select_n3A_286 = arith.select %lt3A_281, %sub3A_285, %broadcast_in_dim3A_14 : vector<16xi1>, vector<16xi32>
        tpu.vector_store_idx %arg12[%select_n3A_286], %sub3A_280 : memref<32xi32, #tpu.memory_space<vmem>>[vector<16xi32>], vector<16xi32>,
        tpu.vector_store_idx %arg13[%select_n3A_286], %get3A_279 : memref<32xi32, #tpu.memory_space<vmem>>[vector<16xi32>], vector<16xi32>,
        %reduce_sum3A_287 = arith.constant true
        %reduce_sum3A_288 = vector.broadcast %reduce_sum3A_287 : i1 to vector<16xi1>
        %reduce_sum3A_289 = tpu.scan <sum>, %select_n3A_282 masked %reduce_sum3A_288 : vector<16xi32>, vector<16xi1> -> vector<16xi32>
        %reduce_sum3A_290 = vector.extract %reduce_sum3A_289[15] : i32 from vector<16xi32>
        %get3A_291 = arith.constant 0 : index
        %get3A_292 = tpu.vector_load %arg12[%get3A_291] {strides = array<i32>} : memref<32xi32, #tpu.memory_space<vmem>>, vector<16xi32>,
        %get3A_293 = arith.constant 0 : index
        %get3A_294 = tpu.vector_load %arg13[%get3A_293] {strides = array<i32>} : memref<32xi32, #tpu.memory_space<vmem>>, vector<16xi32>,
        %while3A_295 = arith.constant 0 : i32
        %while3A_296 = arith.constant 0 : i32
        %while3A_297 = arith.subi %reduce_sum3A_290, %while3A_295 : i32
        %while3A_298 = arith.addi %while3A_295, %while3A_297 : i32
        %while3A_299 = arith.constant 1 : i32
        %while3A_300 = arith.divsi %while3A_297, %while3A_299 : i32
        %while3A_301 = arith.muli %while3A_300, %while3A_299 : i32
        %while3A_302 = arith.addi %while3A_295, %while3A_301 : i32
        %while3A_303 = arith.constant 1 : i32
        %while3A_304 = scf.for %while3A_308 = %while3A_295 to %while3A_302 step %while3A_303 iter_args(%while3A_309 = %while3A_296) -> (i32)  : i32 {
          %broadcast_in_dim3A_310 = vector.broadcast %while3A_308 : i32 to vector<16xi32>
          %lt3A_311 = arith.constant 0 : i32
          %lt3A_312 = vector.broadcast %lt3A_311 : i32 to vector<16xi32>
          %lt3A_313 = arith.cmpi slt, %broadcast_in_dim3A_310, %lt3A_312 : vector<16xi32>
          %add3A_314 = arith.constant 16 : i32
          %add3A_315 = vector.broadcast %add3A_314 : i32 to vector<16xi32>
          %add3A_316 = arith.addi %broadcast_in_dim3A_310, %add3A_315 : vector<16xi32>
          %select_n3A_317 = arith.select %lt3A_313, %add3A_316, %broadcast_in_dim3A_310 : vector<16xi1>, vector<16xi32>
          %reshape3A = vector.shape_cast %select_n3A_317 : vector<16xi32> to vector<16x1xi32>
          %gather3A = vector.shape_cast %reshape3A : vector<16x1xi32> to vector<16xi32>
          %gather3A_318 = tpu.dynamic_gather %get3A_292[%gather3A] in [0] : vector<16xi32>, vector<16xi32> -> vector<16xi32>
          %mul3A_319 = arith.constant 128 : i32
          %mul3A_320 = vector.broadcast %mul3A_319 : i32 to vector<16xi32>
          %mul3A_321 = arith.muli %gather3A_318, %mul3A_320 : vector<16xi32>
          %lt3A_322 = arith.constant 0 : i32
          %lt3A_323 = vector.broadcast %lt3A_322 : i32 to vector<16xi32>
          %lt3A_324 = arith.cmpi slt, %broadcast_in_dim3A_310, %lt3A_323 : vector<16xi32>
          %add3A_325 = arith.constant 16 : i32
          %add3A_326 = vector.broadcast %add3A_325 : i32 to vector<16xi32>
          %add3A_327 = arith.addi %broadcast_in_dim3A_310, %add3A_326 : vector<16xi32>
          %select_n3A_328 = arith.select %lt3A_324, %add3A_327, %broadcast_in_dim3A_310 : vector<16xi1>, vector<16xi32>
          %reshape3A_329 = vector.shape_cast %select_n3A_328 : vector<16xi32> to vector<16x1xi32>
          %gather3A_330 = vector.shape_cast %reshape3A_329 : vector<16x1xi32> to vector<16xi32>
          %gather3A_331 = tpu.dynamic_gather %get3A_294[%gather3A_330] in [0] : vector<16xi32>, vector<16xi32> -> vector<16xi32>
          %add3A_332 = arith.addi %mul3A_321, %add3A_23 : vector<16xi32>
          %gather3A_333 = tpu.vector_load_idx %arg14[%add3A_332] : memref<25600xi32, #tpu.memory_space<vmem>>[vector<16xi32>], vector<16xi32>,
          %add3A_334 = arith.addi %mul3A_321, %add3A_26 : vector<16xi32>
          %gather3A_335 = tpu.vector_load_idx %arg14[%add3A_334] : memref<25600xi32, #tpu.memory_space<vmem>>[vector<16xi32>], vector<16xi32>,
          %add3A_336 = arith.addi %mul3A_321, %add3A_29 : vector<16xi32>
          %gather3A_337 = tpu.vector_load_idx %arg14[%add3A_336] : memref<25600xi32, #tpu.memory_space<vmem>>[vector<16xi32>], vector<16xi32>,
          %add3A_338 = arith.addi %mul3A_321, %add3A_32 : vector<16xi32>
          %gather3A_339 = tpu.vector_load_idx %arg14[%add3A_338] : memref<25600xi32, #tpu.memory_space<vmem>>[vector<16xi32>], vector<16xi32>,
          %add3A_340 = arith.addi %mul3A_321, %add3A_35 : vector<16xi32>
          %gather3A_341 = tpu.vector_load_idx %arg14[%add3A_340] : memref<25600xi32, #tpu.memory_space<vmem>>[vector<16xi32>], vector<16xi32>,
          %add3A_342 = arith.addi %mul3A_321, %add3A_38 : vector<16xi32>
          %gather3A_343 = tpu.vector_load_idx %arg14[%add3A_342] : memref<25600xi32, #tpu.memory_space<vmem>>[vector<16xi32>], vector<16xi32>,
          %add3A_344 = arith.addi %mul3A_321, %add3A_41 : vector<16xi32>
          %gather3A_345 = tpu.vector_load_idx %arg14[%add3A_344] : memref<25600xi32, #tpu.memory_space<vmem>>[vector<16xi32>], vector<16xi32>,
          %add3A_346 = arith.addi %mul3A_321, %add3A_44 : vector<16xi32>
          %gather3A_347 = tpu.vector_load_idx %arg14[%add3A_346] : memref<25600xi32, #tpu.memory_space<vmem>>[vector<16xi32>], vector<16xi32>,
          %bitcast3A_348 = vector.bitcast %gather3A_333 : vector<16xi32> to vector<32xbf16>
          %unpack3A = tpu.unpack_subelements %bitcast3A_348, 0 {pack_format = #tpu.pack_format<interleaved>} : vector<32xbf16> -> vector<16xf32>
          %unpack3A_349 = tpu.unpack_subelements %bitcast3A_348, 1 {pack_format = #tpu.pack_format<interleaved>} : vector<32xbf16> -> vector<16xf32>
          tpu.vector_store_idx %arg15[%gather3A_331, %add3A_50], %unpack3A {add = true} : memref<321x256xf32, #tpu.memory_space<vmem>>[vector<16xi32>, vector<16xi32>], vector<16xf32>,
          tpu.vector_store_idx %arg15[%gather3A_331, %add3A_95], %unpack3A_349 {add = true} : memref<321x256xf32, #tpu.memory_space<vmem>>[vector<16xi32>, vector<16xi32>], vector<16xf32>,
          %bitcast3A_350 = vector.bitcast %gather3A_335 : vector<16xi32> to vector<32xbf16>
          %unpack3A_351 = tpu.unpack_subelements %bitcast3A_350, 0 {pack_format = #tpu.pack_format<interleaved>} : vector<32xbf16> -> vector<16xf32>
          %unpack3A_352 = tpu.unpack_subelements %bitcast3A_350, 1 {pack_format = #tpu.pack_format<interleaved>} : vector<32xbf16> -> vector<16xf32>
          tpu.vector_store_idx %arg15[%gather3A_331, %add3A_56], %unpack3A_351 {add = true} : memref<321x256xf32, #tpu.memory_space<vmem>>[vector<16xi32>, vector<16xi32>], vector<16xf32>,
          tpu.vector_store_idx %arg15[%gather3A_331, %add3A_98], %unpack3A_352 {add = true} : memref<321x256xf32, #tpu.memory_space<vmem>>[vector<16xi32>, vector<16xi32>], vector<16xf32>,
          %bitcast3A_353 = vector.bitcast %gather3A_337 : vector<16xi32> to vector<32xbf16>
          %unpack3A_354 = tpu.unpack_subelements %bitcast3A_353, 0 {pack_format = #tpu.pack_format<interleaved>} : vector<32xbf16> -> vector<16xf32>
          %unpack3A_355 = tpu.unpack_subelements %bitcast3A_353, 1 {pack_format = #tpu.pack_format<interleaved>} : vector<32xbf16> -> vector<16xf32>
          tpu.vector_store_idx %arg15[%gather3A_331, %add3A_62], %unpack3A_354 {add = true} : memref<321x256xf32, #tpu.memory_space<vmem>>[vector<16xi32>, vector<16xi32>], vector<16xf32>,
          tpu.vector_store_idx %arg15[%gather3A_331, %add3A_101], %unpack3A_355 {add = true} : memref<321x256xf32, #tpu.memory_space<vmem>>[vector<16xi32>, vector<16xi32>], vector<16xf32>,
          %bitcast3A_356 = vector.bitcast %gather3A_339 : vector<16xi32> to vector<32xbf16>
          %unpack3A_357 = tpu.unpack_subelements %bitcast3A_356, 0 {pack_format = #tpu.pack_format<interleaved>} : vector<32xbf16> -> vector<16xf32>
          %unpack3A_358 = tpu.unpack_subelements %bitcast3A_356, 1 {pack_format = #tpu.pack_format<interleaved>} : vector<32xbf16> -> vector<16xf32>
          tpu.vector_store_idx %arg15[%gather3A_331, %add3A_68], %unpack3A_357 {add = true} : memref<321x256xf32, #tpu.memory_space<vmem>>[vector<16xi32>, vector<16xi32>], vector<16xf32>,
          tpu.vector_store_idx %arg15[%gather3A_331, %add3A_104], %unpack3A_358 {add = true} : memref<321x256xf32, #tpu.memory_space<vmem>>[vector<16xi32>, vector<16xi32>], vector<16xf32>,
          %bitcast3A_359 = vector.bitcast %gather3A_341 : vector<16xi32> to vector<32xbf16>
          %unpack3A_360 = tpu.unpack_subelements %bitcast3A_359, 0 {pack_format = #tpu.pack_format<interleaved>} : vector<32xbf16> -> vector<16xf32>
          %unpack3A_361 = tpu.unpack_subelements %bitcast3A_359, 1 {pack_format = #tpu.pack_format<interleaved>} : vector<32xbf16> -> vector<16xf32>
          tpu.vector_store_idx %arg15[%gather3A_331, %add3A_74], %unpack3A_360 {add = true} : memref<321x256xf32, #tpu.memory_space<vmem>>[vector<16xi32>, vector<16xi32>], vector<16xf32>,
          tpu.vector_store_idx %arg15[%gather3A_331, %add3A_107], %unpack3A_361 {add = true} : memref<321x256xf32, #tpu.memory_space<vmem>>[vector<16xi32>, vector<16xi32>], vector<16xf32>,
          %bitcast3A_362 = vector.bitcast %gather3A_343 : vector<16xi32> to vector<32xbf16>
          %unpack3A_363 = tpu.unpack_subelements %bitcast3A_362, 0 {pack_format = #tpu.pack_format<interleaved>} : vector<32xbf16> -> vector<16xf32>
          %unpack3A_364 = tpu.unpack_subelements %bitcast3A_362, 1 {pack_format = #tpu.pack_format<interleaved>} : vector<32xbf16> -> vector<16xf32>
          tpu.vector_store_idx %arg15[%gather3A_331, %add3A_80], %unpack3A_363 {add = true} : memref<321x256xf32, #tpu.memory_space<vmem>>[vector<16xi32>, vector<16xi32>], vector<16xf32>,
          tpu.vector_store_idx %arg15[%gather3A_331, %add3A_110], %unpack3A_364 {add = true} : memref<321x256xf32, #tpu.memory_space<vmem>>[vector<16xi32>, vector<16xi32>], vector<16xf32>,
          %bitcast3A_365 = vector.bitcast %gather3A_345 : vector<16xi32> to vector<32xbf16>
          %unpack3A_366 = tpu.unpack_subelements %bitcast3A_365, 0 {pack_format = #tpu.pack_format<interleaved>} : vector<32xbf16> -> vector<16xf32>
          %unpack3A_367 = tpu.unpack_subelements %bitcast3A_365, 1 {pack_format = #tpu.pack_format<interleaved>} : vector<32xbf16> -> vector<16xf32>
          tpu.vector_store_idx %arg15[%gather3A_331, %add3A_86], %unpack3A_366 {add = true} : memref<321x256xf32, #tpu.memory_space<vmem>>[vector<16xi32>, vector<16xi32>], vector<16xf32>,
          tpu.vector_store_idx %arg15[%gather3A_331, %add3A_113], %unpack3A_367 {add = true} : memref<321x256xf32, #tpu.memory_space<vmem>>[vector<16xi32>, vector<16xi32>], vector<16xf32>,
          %bitcast3A_368 = vector.bitcast %gather3A_347 : vector<16xi32> to vector<32xbf16>
          %unpack3A_369 = tpu.unpack_subelements %bitcast3A_368, 0 {pack_format = #tpu.pack_format<interleaved>} : vector<32xbf16> -> vector<16xf32>
          %unpack3A_370 = tpu.unpack_subelements %bitcast3A_368, 1 {pack_format = #tpu.pack_format<interleaved>} : vector<32xbf16> -> vector<16xf32>
          tpu.vector_store_idx %arg15[%gather3A_331, %add3A_92], %unpack3A_369 {add = true} : memref<321x256xf32, #tpu.memory_space<vmem>>[vector<16xi32>, vector<16xi32>], vector<16xf32>,
          tpu.vector_store_idx %arg15[%gather3A_331, %add3A_116], %unpack3A_370 {add = true} : memref<321x256xf32, #tpu.memory_space<vmem>>[vector<16xi32>, vector<16xi32>], vector<16xf32>,
          %while3A_371 = arith.constant 0 : i32
          scf.yield %while3A_371 : i32
        }
        %while3A_305 = arith.constant 1 : i32
        %while3A_306 = scf.for %while3A_308 = %while3A_302 to %while3A_298 step %while3A_305 iter_args(%while3A_309 = %while3A_304) -> (i32)  : i32 {
          %broadcast_in_dim3A_310 = vector.broadcast %while3A_308 : i32 to vector<16xi32>
          %lt3A_311 = arith.constant 0 : i32
          %lt3A_312 = vector.broadcast %lt3A_311 : i32 to vector<16xi32>
          %lt3A_313 = arith.cmpi slt, %broadcast_in_dim3A_310, %lt3A_312 : vector<16xi32>
          %add3A_314 = arith.constant 16 : i32
          %add3A_315 = vector.broadcast %add3A_314 : i32 to vector<16xi32>
          %add3A_316 = arith.addi %broadcast_in_dim3A_310, %add3A_315 : vector<16xi32>
          %select_n3A_317 = arith.select %lt3A_313, %add3A_316, %broadcast_in_dim3A_310 : vector<16xi1>, vector<16xi32>
          %reshape3A = vector.shape_cast %select_n3A_317 : vector<16xi32> to vector<16x1xi32>
          %gather3A = vector.shape_cast %reshape3A : vector<16x1xi32> to vector<16xi32>
          %gather3A_318 = tpu.dynamic_gather %get3A_292[%gather3A] in [0] : vector<16xi32>, vector<16xi32> -> vector<16xi32>
          %mul3A_319 = arith.constant 128 : i32
          %mul3A_320 = vector.broadcast %mul3A_319 : i32 to vector<16xi32>
          %mul3A_321 = arith.muli %gather3A_318, %mul3A_320 : vector<16xi32>
          %lt3A_322 = arith.constant 0 : i32
          %lt3A_323 = vector.broadcast %lt3A_322 : i32 to vector<16xi32>
          %lt3A_324 = arith.cmpi slt, %broadcast_in_dim3A_310, %lt3A_323 : vector<16xi32>
          %add3A_325 = arith.constant 16 : i32
          %add3A_326 = vector.broadcast %add3A_325 : i32 to vector<16xi32>
          %add3A_327 = arith.addi %broadcast_in_dim3A_310, %add3A_326 : vector<16xi32>
          %select_n3A_328 = arith.select %lt3A_324, %add3A_327, %broadcast_in_dim3A_310 : vector<16xi1>, vector<16xi32>
          %reshape3A_329 = vector.shape_cast %select_n3A_328 : vector<16xi32> to vector<16x1xi32>
          %gather3A_330 = vector.shape_cast %reshape3A_329 : vector<16x1xi32> to vector<16xi32>
          %gather3A_331 = tpu.dynamic_gather %get3A_294[%gather3A_330] in [0] : vector<16xi32>, vector<16xi32> -> vector<16xi32>
          %add3A_332 = arith.addi %mul3A_321, %add3A_23 : vector<16xi32>
          %gather3A_333 = tpu.vector_load_idx %arg14[%add3A_332] : memref<25600xi32, #tpu.memory_space<vmem>>[vector<16xi32>], vector<16xi32>,
          %add3A_334 = arith.addi %mul3A_321, %add3A_26 : vector<16xi32>
          %gather3A_335 = tpu.vector_load_idx %arg14[%add3A_334] : memref<25600xi32, #tpu.memory_space<vmem>>[vector<16xi32>], vector<16xi32>,
          %add3A_336 = arith.addi %mul3A_321, %add3A_29 : vector<16xi32>
          %gather3A_337 = tpu.vector_load_idx %arg14[%add3A_336] : memref<25600xi32, #tpu.memory_space<vmem>>[vector<16xi32>], vector<16xi32>,
          %add3A_338 = arith.addi %mul3A_321, %add3A_32 : vector<16xi32>
          %gather3A_339 = tpu.vector_load_idx %arg14[%add3A_338] : memref<25600xi32, #tpu.memory_space<vmem>>[vector<16xi32>], vector<16xi32>,
          %add3A_340 = arith.addi %mul3A_321, %add3A_35 : vector<16xi32>
          %gather3A_341 = tpu.vector_load_idx %arg14[%add3A_340] : memref<25600xi32, #tpu.memory_space<vmem>>[vector<16xi32>], vector<16xi32>,
          %add3A_342 = arith.addi %mul3A_321, %add3A_38 : vector<16xi32>
          %gather3A_343 = tpu.vector_load_idx %arg14[%add3A_342] : memref<25600xi32, #tpu.memory_space<vmem>>[vector<16xi32>], vector<16xi32>,
          %add3A_344 = arith.addi %mul3A_321, %add3A_41 : vector<16xi32>
          %gather3A_345 = tpu.vector_load_idx %arg14[%add3A_344] : memref<25600xi32, #tpu.memory_space<vmem>>[vector<16xi32>], vector<16xi32>,
          %add3A_346 = arith.addi %mul3A_321, %add3A_44 : vector<16xi32>
          %gather3A_347 = tpu.vector_load_idx %arg14[%add3A_346] : memref<25600xi32, #tpu.memory_space<vmem>>[vector<16xi32>], vector<16xi32>,
          %bitcast3A_348 = vector.bitcast %gather3A_333 : vector<16xi32> to vector<32xbf16>
          %unpack3A = tpu.unpack_subelements %bitcast3A_348, 0 {pack_format = #tpu.pack_format<interleaved>} : vector<32xbf16> -> vector<16xf32>
          %unpack3A_349 = tpu.unpack_subelements %bitcast3A_348, 1 {pack_format = #tpu.pack_format<interleaved>} : vector<32xbf16> -> vector<16xf32>
          tpu.vector_store_idx %arg15[%gather3A_331, %add3A_50], %unpack3A {add = true} : memref<321x256xf32, #tpu.memory_space<vmem>>[vector<16xi32>, vector<16xi32>], vector<16xf32>,
          tpu.vector_store_idx %arg15[%gather3A_331, %add3A_95], %unpack3A_349 {add = true} : memref<321x256xf32, #tpu.memory_space<vmem>>[vector<16xi32>, vector<16xi32>], vector<16xf32>,
          %bitcast3A_350 = vector.bitcast %gather3A_335 : vector<16xi32> to vector<32xbf16>
          %unpack3A_351 = tpu.unpack_subelements %bitcast3A_350, 0 {pack_format = #tpu.pack_format<interleaved>} : vector<32xbf16> -> vector<16xf32>
          %unpack3A_352 = tpu.unpack_subelements %bitcast3A_350, 1 {pack_format = #tpu.pack_format<interleaved>} : vector<32xbf16> -> vector<16xf32>
          tpu.vector_store_idx %arg15[%gather3A_331, %add3A_56], %unpack3A_351 {add = true} : memref<321x256xf32, #tpu.memory_space<vmem>>[vector<16xi32>, vector<16xi32>], vector<16xf32>,
          tpu.vector_store_idx %arg15[%gather3A_331, %add3A_98], %unpack3A_352 {add = true} : memref<321x256xf32, #tpu.memory_space<vmem>>[vector<16xi32>, vector<16xi32>], vector<16xf32>,
          %bitcast3A_353 = vector.bitcast %gather3A_337 : vector<16xi32> to vector<32xbf16>
          %unpack3A_354 = tpu.unpack_subelements %bitcast3A_353, 0 {pack_format = #tpu.pack_format<interleaved>} : vector<32xbf16> -> vector<16xf32>
          %unpack3A_355 = tpu.unpack_subelements %bitcast3A_353, 1 {pack_format = #tpu.pack_format<interleaved>} : vector<32xbf16> -> vector<16xf32>
          tpu.vector_store_idx %arg15[%gather3A_331, %add3A_62], %unpack3A_354 {add = true} : memref<321x256xf32, #tpu.memory_space<vmem>>[vector<16xi32>, vector<16xi32>], vector<16xf32>,
          tpu.vector_store_idx %arg15[%gather3A_331, %add3A_101], %unpack3A_355 {add = true} : memref<321x256xf32, #tpu.memory_space<vmem>>[vector<16xi32>, vector<16xi32>], vector<16xf32>,
          %bitcast3A_356 = vector.bitcast %gather3A_339 : vector<16xi32> to vector<32xbf16>
          %unpack3A_357 = tpu.unpack_subelements %bitcast3A_356, 0 {pack_format = #tpu.pack_format<interleaved>} : vector<32xbf16> -> vector<16xf32>
          %unpack3A_358 = tpu.unpack_subelements %bitcast3A_356, 1 {pack_format = #tpu.pack_format<interleaved>} : vector<32xbf16> -> vector<16xf32>
          tpu.vector_store_idx %arg15[%gather3A_331, %add3A_68], %unpack3A_357 {add = true} : memref<321x256xf32, #tpu.memory_space<vmem>>[vector<16xi32>, vector<16xi32>], vector<16xf32>,
          tpu.vector_store_idx %arg15[%gather3A_331, %add3A_104], %unpack3A_358 {add = true} : memref<321x256xf32, #tpu.memory_space<vmem>>[vector<16xi32>, vector<16xi32>], vector<16xf32>,
          %bitcast3A_359 = vector.bitcast %gather3A_341 : vector<16xi32> to vector<32xbf16>
          %unpack3A_360 = tpu.unpack_subelements %bitcast3A_359, 0 {pack_format = #tpu.pack_format<interleaved>} : vector<32xbf16> -> vector<16xf32>
          %unpack3A_361 = tpu.unpack_subelements %bitcast3A_359, 1 {pack_format = #tpu.pack_format<interleaved>} : vector<32xbf16> -> vector<16xf32>
          tpu.vector_store_idx %arg15[%gather3A_331, %add3A_74], %unpack3A_360 {add = true} : memref<321x256xf32, #tpu.memory_space<vmem>>[vector<16xi32>, vector<16xi32>], vector<16xf32>,
          tpu.vector_store_idx %arg15[%gather3A_331, %add3A_107], %unpack3A_361 {add = true} : memref<321x256xf32, #tpu.memory_space<vmem>>[vector<16xi32>, vector<16xi32>], vector<16xf32>,
          %bitcast3A_362 = vector.bitcast %gather3A_343 : vector<16xi32> to vector<32xbf16>
          %unpack3A_363 = tpu.unpack_subelements %bitcast3A_362, 0 {pack_format = #tpu.pack_format<interleaved>} : vector<32xbf16> -> vector<16xf32>
          %unpack3A_364 = tpu.unpack_subelements %bitcast3A_362, 1 {pack_format = #tpu.pack_format<interleaved>} : vector<32xbf16> -> vector<16xf32>
          tpu.vector_store_idx %arg15[%gather3A_331, %add3A_80], %unpack3A_363 {add = true} : memref<321x256xf32, #tpu.memory_space<vmem>>[vector<16xi32>, vector<16xi32>], vector<16xf32>,
          tpu.vector_store_idx %arg15[%gather3A_331, %add3A_110], %unpack3A_364 {add = true} : memref<321x256xf32, #tpu.memory_space<vmem>>[vector<16xi32>, vector<16xi32>], vector<16xf32>,
          %bitcast3A_365 = vector.bitcast %gather3A_345 : vector<16xi32> to vector<32xbf16>
          %unpack3A_366 = tpu.unpack_subelements %bitcast3A_365, 0 {pack_format = #tpu.pack_format<interleaved>} : vector<32xbf16> -> vector<16xf32>
          %unpack3A_367 = tpu.unpack_subelements %bitcast3A_365, 1 {pack_format = #tpu.pack_format<interleaved>} : vector<32xbf16> -> vector<16xf32>
          tpu.vector_store_idx %arg15[%gather3A_331, %add3A_86], %unpack3A_366 {add = true} : memref<321x256xf32, #tpu.memory_space<vmem>>[vector<16xi32>, vector<16xi32>], vector<16xf32>,
          tpu.vector_store_idx %arg15[%gather3A_331, %add3A_113], %unpack3A_367 {add = true} : memref<321x256xf32, #tpu.memory_space<vmem>>[vector<16xi32>, vector<16xi32>], vector<16xf32>,
          %bitcast3A_368 = vector.bitcast %gather3A_347 : vector<16xi32> to vector<32xbf16>
          %unpack3A_369 = tpu.unpack_subelements %bitcast3A_368, 0 {pack_format = #tpu.pack_format<interleaved>} : vector<32xbf16> -> vector<16xf32>
          %unpack3A_370 = tpu.unpack_subelements %bitcast3A_368, 1 {pack_format = #tpu.pack_format<interleaved>} : vector<32xbf16> -> vector<16xf32>
          tpu.vector_store_idx %arg15[%gather3A_331, %add3A_92], %unpack3A_369 {add = true} : memref<321x256xf32, #tpu.memory_space<vmem>>[vector<16xi32>, vector<16xi32>], vector<16xf32>,
          tpu.vector_store_idx %arg15[%gather3A_331, %add3A_116], %unpack3A_370 {add = true} : memref<321x256xf32, #tpu.memory_space<vmem>>[vector<16xi32>, vector<16xi32>], vector<16xf32>,
          %while3A_371 = arith.constant 0 : i32
          scf.yield %while3A_371 : i32
        }
        %while3A_307 = arith.constant 0 : i32
        scf.yield %while3A_307 : i32
      }
      %scan3A_270 = arith.constant 0 : i32
      scf.yield %scan3A_270 : i32
    }
    %scan3A_241 = arith.constant 50 : i32
    %broadcast_in_dim3A_242 = arith.constant -1 : i32
    %broadcast_in_dim3A_243 = vector.broadcast %broadcast_in_dim3A_242 : i32 to vector<16xi32>
    %lt3A_244 = arith.constant 31 : i32
    %lt3A_245 = arith.cmpi slt, %add3A, %lt3A_244 : i32
    %convert_element_type3A = arith.extui %lt3A_245 : i1 to i32
    %cond3A = arith.constant 0 : i32
    %cond3A_246 = arith.cmpi ne, %convert_element_type3A, %cond3A : i32
    scf.if %cond3A_246 {
      "tpu.region"() ({
        %run_scoped3A = tpu.sem_alloc : memref<!tpu.dma_semaphore, #tpu.memory_space<semaphore_mem>>
        %dma_start3A_252 = arith.constant 0 : i32
        %dma_start3A_253 = arith.constant 0 : i32
        %dma_start3A_254 = tpu.memref_slice %arg15[%dma_start3A_252, %dma_start3A_253] : memref<321x256xf32, #tpu.memory_space<vmem>> -> memref<320x256xf32, #tpu.memory_space<vmem>>
        %dma_start3A_255 = arith.constant 0 : i32
        %dma_start3A_256 = tpu.memref_slice %arg5[%mul3A_2, %dma_start3A_255] : memref<10000x256xf32, #tpu.memory_space<hbm>> -> memref<320x256xf32, #tpu.memory_space<hbm>>
        %dma_start3A_257 = arith.constant 0 : i32
        %dma_start3A_258 = tpu.memref_slice %arg5[%mul3A_2, %dma_start3A_257] : memref<10000x256xf32, #tpu.memory_space<hbm>> -> memref<320x256xf32, #tpu.memory_space<hbm>>
        %dma_start3A_259 = arith.constant 0 : i32
        %dma_start3A_260 = arith.constant 0 : i32
        %dma_start3A_261 = tpu.memref_slice %arg15[%dma_start3A_259, %dma_start3A_260] : memref<321x256xf32, #tpu.memory_space<vmem>> -> memref<320x256xf32, #tpu.memory_space<vmem>>
        tpu.enqueue_dma source(%dma_start3A_261 : memref<320x256xf32, #tpu.memory_space<vmem>>) target(%dma_start3A_258 : memref<320x256xf32, #tpu.memory_space<hbm>>) target_semaphore(%run_scoped3A : memref<!tpu.dma_semaphore, #tpu.memory_space<semaphore_mem>>)
        %dma_wait3A_262 = arith.constant 0 : i32
        %dma_wait3A_263 = arith.constant 0 : i32
        %dma_wait3A_264 = tpu.memref_slice %arg15[%dma_wait3A_262, %dma_wait3A_263] : memref<321x256xf32, #tpu.memory_space<vmem>> -> memref<320x256xf32, #tpu.memory_space<vmem>>
        %dma_wait3A_265 = arith.constant 0 : i32
        %dma_wait3A_266 = tpu.memref_slice %arg5[%mul3A_2, %dma_wait3A_265] : memref<10000x256xf32, #tpu.memory_space<hbm>> -> memref<320x256xf32, #tpu.memory_space<hbm>>
        %dma_wait3A_267 = arith.constant 0 : i32
        %dma_wait3A_268 = tpu.memref_slice %arg5[%mul3A_2, %dma_wait3A_267] : memref<10000x256xf32, #tpu.memory_space<hbm>> -> memref<320x256xf32, #tpu.memory_space<hbm>>
        %dma_wait3A_269 = arith.constant 0 : i32
        %dma_wait3A_270 = arith.constant 0 : i32
        %dma_wait3A_271 = tpu.memref_slice %arg15[%dma_wait3A_269, %dma_wait3A_270] : memref<321x256xf32, #tpu.memory_space<vmem>> -> memref<320x256xf32, #tpu.memory_space<vmem>>
        tpu.wait_dma2 semaphore(%run_scoped3A : memref<!tpu.dma_semaphore, #tpu.memory_space<semaphore_mem>>) src(%dma_wait3A_271 : memref<320x256xf32, #tpu.memory_space<vmem>>) dst(%dma_wait3A_268 : memref<320x256xf32, #tpu.memory_space<hbm>>)
        tpu.yield
      }) : () -> ()
    } else {
    }
    %eq3A_247 = arith.constant 31 : i32
    %eq3A_248 = arith.cmpi eq, %add3A, %eq3A_247 : i32
    %convert_element_type3A_249 = arith.extui %eq3A_248 : i1 to i32
    %cond3A_250 = arith.constant 0 : i32
    %cond3A_251 = arith.cmpi ne, %convert_element_type3A_249, %cond3A_250 : i32
    scf.if %cond3A_251 {
      "tpu.region"() ({
        %run_scoped3A = tpu.sem_alloc : memref<!tpu.dma_semaphore, #tpu.memory_space<semaphore_mem>>
        %dma_start3A_252 = arith.constant 0 : i32
        %dma_start3A_253 = arith.constant 0 : i32
        %dma_start3A_254 = tpu.memref_slice %arg15[%dma_start3A_252, %dma_start3A_253] : memref<321x256xf32, #tpu.memory_space<vmem>> -> memref<80x256xf32, #tpu.memory_space<vmem>>
        %dma_start3A_255 = arith.constant 0 : i32
        %dma_start3A_256 = tpu.memref_slice %arg5[%mul3A_2, %dma_start3A_255] : memref<10000x256xf32, #tpu.memory_space<hbm>> -> memref<80x256xf32, #tpu.memory_space<hbm>>
        %dma_start3A_257 = arith.constant 0 : i32
        %dma_start3A_258 = tpu.memref_slice %arg5[%mul3A_2, %dma_start3A_257] : memref<10000x256xf32, #tpu.memory_space<hbm>> -> memref<80x256xf32, #tpu.memory_space<hbm>>
        %dma_start3A_259 = arith.constant 0 : i32
        %dma_start3A_260 = arith.constant 0 : i32
        %dma_start3A_261 = tpu.memref_slice %arg15[%dma_start3A_259, %dma_start3A_260] : memref<321x256xf32, #tpu.memory_space<vmem>> -> memref<80x256xf32, #tpu.memory_space<vmem>>
        tpu.enqueue_dma source(%dma_start3A_261 : memref<80x256xf32, #tpu.memory_space<vmem>>) target(%dma_start3A_258 : memref<80x256xf32, #tpu.memory_space<hbm>>) target_semaphore(%run_scoped3A : memref<!tpu.dma_semaphore, #tpu.memory_space<semaphore_mem>>)
        %dma_wait3A_262 = arith.constant 0 : i32
        %dma_wait3A_263 = arith.constant 0 : i32
        %dma_wait3A_264 = tpu.memref_slice %arg15[%dma_wait3A_262, %dma_wait3A_263] : memref<321x256xf32, #tpu.memory_space<vmem>> -> memref<80x256xf32, #tpu.memory_space<vmem>>
        %dma_wait3A_265 = arith.constant 0 : i32
        %dma_wait3A_266 = tpu.memref_slice %arg5[%mul3A_2, %dma_wait3A_265] : memref<10000x256xf32, #tpu.memory_space<hbm>> -> memref<80x256xf32, #tpu.memory_space<hbm>>
        %dma_wait3A_267 = arith.constant 0 : i32
        %dma_wait3A_268 = tpu.memref_slice %arg5[%mul3A_2, %dma_wait3A_267] : memref<10000x256xf32, #tpu.memory_space<hbm>> -> memref<80x256xf32, #tpu.memory_space<hbm>>
        %dma_wait3A_269 = arith.constant 0 : i32
        %dma_wait3A_270 = arith.constant 0 : i32
        %dma_wait3A_271 = tpu.memref_slice %arg15[%dma_wait3A_269, %dma_wait3A_270] : memref<321x256xf32, #tpu.memory_space<vmem>> -> memref<80x256xf32, #tpu.memory_space<vmem>>
        tpu.wait_dma2 semaphore(%run_scoped3A : memref<!tpu.dma_semaphore, #tpu.memory_space<semaphore_mem>>) src(%dma_wait3A_271 : memref<80x256xf32, #tpu.memory_space<vmem>>) dst(%dma_wait3A_268 : memref<80x256xf32, #tpu.memory_space<hbm>>)
        tpu.yield
      }) : () -> ()
    } else {
    }
    return
  }
}

module attributes {stable_mosaic.version = 14 : i64} {
  func.func @_mlp_body(%arg0: i32, %arg1: memref<1000x256xf32, #tpu.memory_space<vmem>>, %arg2: memref<1000x256xf32, #tpu.memory_space<vmem>>, %arg3: memref<256x256xf32, #tpu.memory_space<vmem>>, %arg4: memref<1x256xf32, #tpu.memory_space<vmem>>, %arg5: memref<256x256xf32, #tpu.memory_space<vmem>>, %arg6: memref<1x256xf32, #tpu.memory_space<vmem>>, %arg7: memref<1000x256xf32, #tpu.memory_space<vmem>>) attributes {dimension_semantics = [#tpu.dimension_semantics<arbitrary>], iteration_bounds = array<i64: 10>, scalar_prefetch = 0 : i64, scratch_operands = 0 : i64, tpu.core_type = #tpu.core_type<tc>, window_params = [{transform_indices = @transform_0, window_bounds = array<i64: 1000, 256>}, {transform_indices = @transform_1, window_bounds = array<i64: 1000, 256>}, {pipeline_mode = #tpu.pipeline_mode<synchronous>, transform_indices = @transform_2, window_bounds = array<i64: 256, 256>}, {pipeline_mode = #tpu.pipeline_mode<synchronous>, transform_indices = @transform_3, window_bounds = array<i64: 1, 256>}, {pipeline_mode = #tpu.pipeline_mode<synchronous>, transform_indices = @transform_4, window_bounds = array<i64: 256, 256>}, {pipeline_mode = #tpu.pipeline_mode<synchronous>, transform_indices = @transform_5, window_bounds = array<i64: 1, 256>}, {transform_indices = @transform_6, window_bounds = array<i64: 1000, 256>}]} {
    %get3A = arith.constant 0 : index
    %get3A_0 = arith.constant 0 : index
    %get3A_1 = vector.load %arg1[%get3A, %get3A_0] : memref<1000x256xf32, #tpu.memory_space<vmem>>, vector<1000x256xf32>
    %get3A_2 = arith.constant 0 : index
    %get3A_3 = arith.constant 0 : index
    %get3A_4 = vector.load %arg2[%get3A_2, %get3A_3] : memref<1000x256xf32, #tpu.memory_space<vmem>>, vector<1000x256xf32>
    %add3A = arith.addf %get3A_1, %get3A_4 : vector<1000x256xf32>
    %get3A_5 = arith.constant 0 : index
    %get3A_6 = arith.constant 0 : index
    %get3A_7 = vector.load %arg3[%get3A_5, %get3A_6] : memref<256x256xf32, #tpu.memory_space<vmem>>, vector<256x256xf32>
    %dot_general3A = arith.constant dense<0.000000e+00> : vector<1000x256xf32>
    %dot_general3A_8 = tpu.matmul %add3A, %get3A_7, %dot_general3A {dimension_numbers = #tpu.dot_dimension_numbers<[1], [0], [0], [1], [0, 0, 1, 1], [], []>, transpose_lhs_hint = false} : vector<1000x256xf32>, vector<256x256xf32>, vector<1000x256xf32> -> vector<1000x256xf32>
    %get3A_9 = arith.constant 0 : index
    %get3A_10 = arith.constant 0 : index
    %get3A_11 = vector.load %arg4[%get3A_9, %get3A_10] : memref<1x256xf32, #tpu.memory_space<vmem>>, vector<1x256xf32>
    %add3A_12 = vector.broadcast %get3A_11 : vector<1x256xf32> to vector<1000x256xf32>
    %add3A_13 = arith.addf %dot_general3A_8, %add3A_12 : vector<1000x256xf32>
    %max3A = arith.constant 0.000000e+00 : f32
    %max3A_14 = vector.broadcast %max3A : f32 to vector<1000x256xf32>
    %max3A_15 = arith.maximumf %add3A_13, %max3A_14 : vector<1000x256xf32>
    %get3A_16 = arith.constant 0 : index
    %get3A_17 = arith.constant 0 : index
    %get3A_18 = vector.load %arg5[%get3A_16, %get3A_17] : memref<256x256xf32, #tpu.memory_space<vmem>>, vector<256x256xf32>
    %dot_general3A_19 = arith.constant dense<0.000000e+00> : vector<1000x256xf32>
    %dot_general3A_20 = tpu.matmul %max3A_15, %get3A_18, %dot_general3A_19 {dimension_numbers = #tpu.dot_dimension_numbers<[1], [0], [0], [1], [0, 0, 1, 1], [], []>, transpose_lhs_hint = false} : vector<1000x256xf32>, vector<256x256xf32>, vector<1000x256xf32> -> vector<1000x256xf32>
    %get3A_21 = arith.constant 0 : index
    %get3A_22 = arith.constant 0 : index
    %get3A_23 = vector.load %arg6[%get3A_21, %get3A_22] : memref<1x256xf32, #tpu.memory_space<vmem>>, vector<1x256xf32>
    %add3A_24 = vector.broadcast %get3A_23 : vector<1x256xf32> to vector<1000x256xf32>
    %add3A_25 = arith.addf %dot_general3A_20, %add3A_24 : vector<1000x256xf32>
    %max3A_26 = arith.constant 0.000000e+00 : f32
    %max3A_27 = vector.broadcast %max3A_26 : f32 to vector<1000x256xf32>
    %max3A_28 = arith.maximumf %add3A_25, %max3A_27 : vector<1000x256xf32>
    %swap3A = arith.constant 0 : index
    %swap3A_29 = arith.constant 0 : index
    %swap3A_30 = vector.load %arg7[%swap3A, %swap3A_29] : memref<1000x256xf32, #tpu.memory_space<vmem>>, vector<1000x256xf32>
    tpu.vector_store %arg7[%swap3A, %swap3A_29], %max3A_28 {strides = array<i32>} : memref<1000x256xf32, #tpu.memory_space<vmem>>, vector<1000x256xf32>,
    return
  }
  func.func @transform_0(%arg0: i32) -> (i32, i32) {
    %c0_i32 = arith.constant 0 : i32
    %c0_i32_0 = arith.constant 0 : i32
    return %arg0, %c0_i32 : i32, i32
  }
  func.func @transform_1(%arg0: i32) -> (i32, i32) {
    %c0_i32 = arith.constant 0 : i32
    %c0_i32_0 = arith.constant 0 : i32
    return %arg0, %c0_i32 : i32, i32
  }
  func.func @transform_2(%arg0: i32) -> (i32, i32) {
    %c0_i32 = arith.constant 0 : i32
    %c0_i32_0 = arith.constant 0 : i32
    %c0_i32_1 = arith.constant 0 : i32
    return %c0_i32, %c0_i32_0 : i32, i32
  }
  func.func @transform_3(%arg0: i32) -> (i32, i32) {
    %c0_i32 = arith.constant 0 : i32
    %c0_i32_0 = arith.constant 0 : i32
    %c0_i32_1 = arith.constant 0 : i32
    return %c0_i32, %c0_i32_0 : i32, i32
  }
  func.func @transform_4(%arg0: i32) -> (i32, i32) {
    %c0_i32 = arith.constant 0 : i32
    %c0_i32_0 = arith.constant 0 : i32
    %c0_i32_1 = arith.constant 0 : i32
    return %c0_i32, %c0_i32_0 : i32, i32
  }
  func.func @transform_5(%arg0: i32) -> (i32, i32) {
    %c0_i32 = arith.constant 0 : i32
    %c0_i32_0 = arith.constant 0 : i32
    %c0_i32_1 = arith.constant 0 : i32
    return %c0_i32, %c0_i32_0 : i32, i32
  }
  func.func @transform_6(%arg0: i32) -> (i32, i32) {
    %c0_i32 = arith.constant 0 : i32
    %c0_i32_0 = arith.constant 0 : i32
    return %arg0, %c0_i32 : i32, i32
  }
}

</mosaic_0001>

<sc_bundles>
// kernel: kernel.4.cloned.1.call-start
scs
__scs_entry_jumppad:
0x0: {  	(pc) =	sbr.rel $0x88, $3  }
0x1: {  	(tag) =	ssettag $0x0;
	lr =	simm.s32 $0x1  }
0x2: {  	[smem:$0x3F9B] =	sst lr;
	_ =	strace $0xD0000000  }
0x3: {  	_ = 	snop  }
0x4: {  	_ = 	snop  }
0x5: {  	_ = 	snop  }
0x6: {  	_ = 	snop  }
0x7: {  	_ = 	snop  }
__scs_overlays_trampoline_lowered:
0x8: {  	[smem:$0x3FAA] =	sst s0  }
0x9: {  	[smem:$0x3FAB] =	sst s1  }
0xa: {  	[smem:$0x3FAC] =	sst s2  }
0xb: {  	[smem:$0x3FAD] =	sst s3  }
0xc: {  	[smem:$0x3FAE] =	sst s4  }
0xd: {  	[smem:$0x3FAF] =	sst s5  }
0xe: {  	[smem:$0x3FB0] =	sst s6  }
0xf: {  	[smem:$0x3FB1] =	sst s7  }
0x10: {  	[smem:$0x3FB2] =	sst s8  }
0x11: {  	[smem:$0x3FB3] =	sst s9;
	s0 =	simm.s32 @!p0 $0x0  }
0x12: {  	s1 =	sld [smem:$0x3F99];
	s0 =	simm.s32 @p0 $0x1  }
0x13: {  	[smem:$0x3FB4] =	sst s0;
	s0 =	simm.s32 @!p1 $0x0  }
0x14: {  	s2 =	sld [smem:$0x3F98];
	s0 =	simm.s32 @p1 $0x1  }
0x15: {  	[smem:$0x3FB5] =	sst s0;
	s0 =	simm.s32 @!p2 $0x0  }
0x16: {  	s3 =	sld [smem:$0x3FDB];
	s0 =	simm.s32 @p2 $0x1  }
0x17: {  	s4 =	simm.s32 $0x1BF5;
	[smem:$0x3FB7] =	sst s0  }
0x18: {  	s0 =	sld [smem:$0x3F9A];
	_ =	swait.ge [sflag:s4], $0x0  }
0x19: {  	s7 =	sld [smem:$0x3F9B]  }
0x1a: {  	s8 =	sadd.s32 $0xFFFFE003, lr  }
0x1b: {  	s9 =	sadd.s32 $0xFFFFFEF7, lr;
	s5 =	simm.s32 $0xFFFFFFFF;
	p2 =	slt.u32 s8, $0xFFFFF086  }
0x1c: {  	p1 =	slt.u32 s9, $0xF7A;
	s5 =	simm.s32 @!p2 $0x0  }
0x1d: {  	s5 =	simm.s32 @p1 $0x1;
	p0 =	seq.s32 s7, s2  }
0x1e: {  	s7 =	smul.u32 @!p0 $0xF7A, s2;
	p2 =	seq.s32 @!p0 s5, $0x0  }
0x1f: {  	s9 =	smul.u32 $0xF7A, s1;
	s8 =	simm.s32 @!p0 $0x1BF5;
	p2 =	por !p2, p0  }
0x20: {  	[sflag:s8] =	ssyncset.s32 @!p0 $0xFFFFF086;
	s6 =	sadd.s32 @!p0 s3, s7;
	s7 =	simm.s32 @!p0 $0x108  }
0x21: {  	s3 =	sadd.s32 s3, s9;
	s6 =	sadd.s32 @!p0 $0x88, s6;
	s7 =	simm.s32 @p2 $0x1082  }
0x22: {  	[simem:s7], [sflag:s8] =	dma.local @!p0 [hbm:s6], $0xF7A  }
0x23: {  	s9 =	sor.u32 $0xD0000000, s2;
	s6 =	simm.s32 $0x108;
	_ =	swait.ge @!p0 [sflag:s8], $0x0  }
0x24: {  	s3 =	sadd.s32 $0x88, s3;
	s6 =	simm.s32 @!p1 $0x1082;
	[sflag:s4] =	ssyncset.s32 $0xFFFFF086  }
0x25: {  	[simem:s6], [sflag:s4] =	dma.local [hbm:s3], $0xF7A  }
0x26: {  	[smem:$0x3F9B] =	sst s1;
	(tag) =	ssettag s2;
	_ =	strace s9  }
0x27: {  	s1 =	sld [smem:$0x3FAB]  }
0x28: {  	s2 =	sld [smem:$0x3FAC]  }
0x29: {  	s4 =	sld [smem:$0x3FAE]  }
0x2a: {  	p0 =	seq.s32 s5, $0x0;
	s5 =	sld [smem:$0x3FAF]  }
0x2b: {  	s6 =	sld [smem:$0x3FB0]  }
0x2c: {  	s7 =	sld [smem:$0x3FB1]  }
0x2d: {  	s3 =	simm.s32 $0x108;
	s8 =	sld [smem:$0x3FB2]  }
0x2e: {  	s3 =	simm.s32 @!p0 $0x1082;
	s9 =	sld [smem:$0x3FB3]  }
0x2f: {  	lr =	sadd.s32 s0, s3;
	s0 =	sld [smem:$0x3FAA]  }
0x30: {  	s3 =	sld [smem:$0x3FAD]  }
0x31: {  	[smem:$0x3FB6] =	sst s10  }
0x32: {  	s10 =	sld [smem:$0x3FB4];
	_ =	sdelay $0x3  }
0x33: {  	p0 =	seq.s32 s10, $0x1;
	s10 =	sld [smem:$0x3FB6];
	_ =	sdelay $0x3  }
0x34: {  	[smem:$0x3FB6] =	sst s10  }
0x35: {  	s10 =	sld [smem:$0x3FB5];
	_ =	sdelay $0x3  }
0x36: {  	p1 =	seq.s32 s10, $0x1;
	s10 =	sld [smem:$0x3FB6];
	_ =	sdelay $0x3  }
0x37: {  	[smem:$0x3FB6] =	sst s10  }
0x38: {  	s10 =	sld [smem:$0x3FB7]  }
0x39: {  	_ = 	snop;
	(pc) =	sbr.ind lr, $3  }
0x3a: {  	_ = 	snop  }
0x3b: {  	_ = 	snop  }
0x3c: {  	p2 =	seq.s32 s10, $0x1;
	s10 =	sld [smem:$0x3FB6]  }
0x3d: {  	_ =	shalt  }
0x3e: {  	_ =	shalt  }
0x3f: {  	_ =	shalt  }
0x40: {  	_ =	shalt  }
0x41: {  	_ =	shalt  }
0x42: {  	_ =	shalt  }
0x43: {  	_ =	shalt  }
0x44: {  	_ =	shalt  }
0x45: {  	_ =	shalt  }
0x46: {  	_ =	shalt  }
0x47: {  	_ =	shalt  }
0x48: {  	_ =	shalt  }
0x49: {  	_ =	shalt  }
0x4a: {  	_ =	shalt  }
0x4b: {  	_ =	shalt  }
0x4c: {  	_ =	shalt  }
0x4d: {  	_ =	shalt  }
0x4e: {  	_ =	shalt  }
0x4f: {  	_ =	shalt  }
0x50: {  	_ =	shalt  }
0x51: {  	_ =	shalt  }
0x52: {  	_ =	shalt  }
0x53: {  	_ =	shalt  }
0x54: {  	_ =	shalt  }
0x55: {  	_ =	shalt  }
0x56: {  	_ =	shalt  }
0x57: {  	_ =	shalt  }
0x58: {  	_ =	shalt  }
0x59: {  	_ =	shalt  }
0x5a: {  	_ =	shalt  }
0x5b: {  	_ =	shalt  }
0x5c: {  	_ =	shalt  }
0x5d: {  	_ =	shalt  }
0x5e: {  	_ =	shalt  }
0x5f: {  	_ =	shalt  }
0x60: {  	_ =	shalt  }
0x61: {  	_ =	shalt  }
0x62: {  	_ =	shalt  }
0x63: {  	_ =	shalt  }
0x64: {  	_ =	shalt  }
0x65: {  	_ =	shalt  }
0x66: {  	_ =	shalt  }
0x67: {  	_ =	shalt  }
0x68: {  	_ =	shalt  }
0x69: {  	_ =	shalt  }
0x6a: {  	_ =	shalt  }
0x6b: {  	_ =	shalt  }
0x6c: {  	_ =	shalt  }
0x6d: {  	_ =	shalt  }
0x6e: {  	_ =	shalt  }
0x6f: {  	_ =	shalt  }
0x70: {  	_ =	shalt  }
0x71: {  	_ =	shalt  }
0x72: {  	_ =	shalt  }
0x73: {  	_ =	shalt  }
0x74: {  	_ =	shalt  }
0x75: {  	_ =	shalt  }
0x76: {  	_ =	shalt  }
0x77: {  	_ =	shalt  }
0x78: {  	_ =	shalt  }
0x79: {  	_ =	shalt  }
0x7a: {  	_ =	shalt  }
0x7b: {  	_ =	shalt  }
0x7c: {  	_ =	shalt  }
0x7d: {  	_ =	shalt  }
0x7e: {  	_ =	shalt  }
0x7f: {  	_ =	shalt  }
0x80: {  	_ =	shalt  }
0x81: {  	_ =	shalt  }
0x82: {  	_ =	shalt  }
0x83: {  	_ =	shalt  }
0x84: {  	_ =	shalt  }
0x85: {  	_ =	shalt  }
0x86: {  	_ =	shalt  }
0x87: {  	_ =	shalt  }
.Lfunc_end0:
.L_simem_size_0:
called_computation_lowered:
.L_overlay_start_0:
0x88: {  	s2 =	sld [smem:$0x3FD9]  }
0x89: {  	s3 =	sld [smem:$0x3FFE];
	_ =	sdelay $0x1  }
0x8a: {  	s1 =	srdreg.scid  }
0x8b: {  	s0 =	sand.u32 $0x1, s1  }
0x8c: {  	s17 =	sshll.u32 s0, $0xA;
	s2 =	sadd.s32 s3, s2  }
0x8d: {  	s2 =	sadd.s32 s2, s17  }
0x8e: {  	[smem:$0x3FC2] =	sst s2  }
0x8f: {  	_ = 	snop  }
0x90: {  	s2 =	sld [smem:$0x3FD0];
	(tm) =	ssettm $0x1  }
0x91: {  	s18 =	sld [smem:$0x3FFB];
	_ =	sdelay $0x3  }
0x92: {  	_ =	strace s18  }
0x93: {  	s3 =	sld [smem:$0x3FFC];
	_ =	sdelay $0x3  }
0x94: {  	_ =	strace s3  }
0x95: {  	s3 =	sld [smem:$0x3FFD];
	_ =	sdelay $0x3  }
0x96: {  	_ =	strace s3  }
0x97: {  	_ =	strace $0x8FFFFFFF  }
0x98: {  	s19 =	sld [smem:$0x3FDB];
	_ =	sdelay $0x1  }
0x99: {  	s4 =	simm.s32 $_scs_section_size  }
0x9a: {  	s5 =	simm.s32 $_size__tile_overlayer_lowered;
	s6 =	simm.s32 $_tile_overlayer_lowered  }
0x9b: {  	s22 =	simm.s32 $0x1BFF;
	s21 =	sshll.u32 s6, $0x1;
	s3 =	sadd.s32 s4, s19  }
0x9c: {  	s7 =	simm.s32 $0x0;
	s20 =	sshll.u32 s5, $0x1;
	s5 =	sadd.s32 s21, s3  }
0x9d: {  	[timem:s7], [sflag:s22] =	dma.local [hbm:s5], s20  }
0x9e: {  	_ =	swait.ge [sflag:s22], s20  }
0x9f: {  	s4 =	ssub.s32 $0x0, s20;
	[sflag:s22] =	ssyncset.done $0x0  }
0xa0: {  	[sflag:s22] =	ssyncadd.s32 s4;
	_ =	sdelay $0x1  }
0xa1: {  	s23 =	simm.s32 $0x1B8B  }
0xa2: {  	_ =	swait.ge [sflag:s23], $0x1  }
0xa3: {  	[sflag:s23] =	ssyncset.done $0x0  }
0xa4: {  	s25 =	simm.s32 $0x1B8E;
	s24 =	sld [smem:$0x3FFE];
	[sflag:s23] =	ssyncadd.s32 $0xFFFFFFFF  }
0xa5: {  	s26 =	simm.s32 $execute0_lowered;
	[smem:$0x3FD2] =	sst s25  }
0xa6: {  	s5 =	sshll.u32 s26, $0x1;
	_ =	strace $0x80000046;
	[dreg:$0x1] =	wrdreg $0xFFFFFFFF  }
0xa7: {  	s28 =	simm.s32 $_size_execute0_lowered;
	s3 =	sadd.s32 s3, s5;
	[dreg:$0x0] =	wrdreg $0x0  }
0xa8: {  	s5 =	sshll.u32 s28, $0x1;
	[dreg:$0x2] =	wrdreg s3  }
0xa9: {  	[dreg:$0x3] =	wrdreg s5  }
0xaa: {  	[dreg:$0x4] =	wrdreg $0xC0  }
0xab: {  	_ =	task [dreg:s7], $0x5FFFF  }
0xac: {  	[dreg:$0x1] =	wrdreg $0xFFFFFFFF  }
0xad: {  	[dreg:$0x0] =	wrdreg $0x60  }
0xae: {  	[dreg:$0x2] =	wrdreg s24  }
0xaf: {  	[dreg:$0x3] =	wrdreg s2  }
0xb0: {  	[dreg:$0x4] =	wrdreg $0x9  }
0xb1: {  	_ =	task.clear_ibuf [dreg:s7], $0x5FFFF;
	_ =	strace $0x90000046  }
0xb2: {  	s29 =	simm.s32 $0x9;
	_ =	strace $0x80000048  }
0xb3: {  	_ =	swait.ge [sflag:s29], $0x1  }
0xb4: {  	[sflag:s29] =	ssyncadd.s32 $0xFFFFFFFF  }
0xb5: {  	_ =	strace $0x90000048  }
0xb6: {  	_ =	sfence  }
0xb7: {  	s30 =	sld [smem:$0x0];
	_ =	sdelay $0x2  }
0xb8: {  	s31 =	sshll.u32 s1, $0xD;
	s1 =	sshrl.u32 s1, $0x2  }
0xb9: {  	s3 =	sand.u32 $0x4000, s31;
	s1 =	sadd.s32 s1, s30  }
0xba: {  	s0 =	sor.u32 s3, s0;
	s1 =	sshll.u32 s1, $0x11  }
0xbb: {  	s0 =	sor.u32 s1, s0  }
0xbc: {  	s0 =	sadd.s32 $0x8F2B, s0  }
0xbd: {  	[sflag:s0] =	ssyncadd.remote.s32 $0x1  }
0xbe: {  	_ =	sfence.sel $0xFFFF  }
0xbf: {  	[dreg:$0x0] =	wrdreg $0xFFFFFFFF;
	(pc) =	sbr.abs _section_cstart, $3  }
0xc0: {  	[dreg:$0x1] =	wrdreg $0xFFFFFFFF  }
0xc1: {  	_ =	task.clear_ibuf [dreg:s7], $0x2FFFF;
	_ =	strace $0x9FFFFFFF  }
0xc2: {  	(tm) =	ssettm $0x7FFFFFFF  }
0xc3: {  	_ =	shalt  }
tec
execute0_lowered:
.L_overlay_start_1:
0x0: {  	(tag) =	ssettag $0x1  }
0x1: {  	s0 =	rddreg [dreg:$0x0]  }
0x2: {  	s1 =	rddreg [dreg:$0x1];
	s3 =	srdreg.scid  }
0x3: {  	s2 =	simm.s32 $0x0;
	s5 =	stileid.u32;
	s15 =	simm.s32 $0xB300  }
0x4: {  	s16 =	simm.s32 $0x380;
	s17 =	simm.s32 $0x700;
	s18 =	simm.s32 $0xA80  }
0x5: {  	s19 =	simm.s32 $0x1;
	s20 =	simm.s32 $0xE00;
	s21 =	simm.s32 $0x2E00  }
0x6: {  	s22 =	simm.s32 $0x2;
	s23 =	simm.s32 $0x4F00;
	s24 =	simm.s32 $0x3  }
0x7: {  	s25 =	simm.s32 $0x4E00;
	s28 =	simm.s32 $0x0;
	s4 =	sand.u32 $0x1, s3  }
0x8: {  	[smem:$0x7FF] =	sst s2;
	s13 =	sadd.s32 $0x4D800, s1;
	s3 =	sshll.u32 s4, $0x4  }
0x9: {  	_ =	strace $0x80000047;
	s7 =	ssub.s32 $0x2, s4;
	s6 =	sor.u32 s5, s3  }
0xa: {  	s4 =	sadd.s32 $0x2D000, s0;
	s3 =	sadd.s32 $0xE00, s0;
	s8 =	smul.u32 $0x64, s6  }
0xb: {  	s5 =	sadd.s32 $0x28000, s0;
	s26 =	sshrl.u32 s7, $0x1;
	s29 =	smul.u32 $0x140, s6  }
0xc: {  	s0 =	ssub.s32 s7, s26;
	s31 =	smul.u32 $0x2800, s6;
	s11 =	sadd.s32 $0x3, s6  }
.Ltmp0:
0xd: {  	p0 =	seq.s32 s6, $0x1F;
	s9 =	sadd.s32 s4, s8;
	(pc) =	sbr.rel .LBB2_1-.Ltmp0, $4  }
0xe: {  	s30 =	sadd.s32 s5, s8;
	s8 =	sadd.s32 $0x64, s8;
	[dreg:$0x3] =	wrdreg s9  }
0xf: {  	s26 =	simm.s32 $0x4E80;
	[dreg:$0x4] =	wrdreg s30;
	s10 =	sadd.s32 s4, s8  }
0x10: {  	v62 =	vlaneseq.u32;
	s14 =	smax.u32 s0, $0x1;
	v3 =	vmov s29;
	s8 =	sadd.s32 s5, s8;
	[dreg:$0x5] =	wrdreg s10  }
0x11: {  	v0 =	vimm.f32 $0.0e+00;
	v41 =	vimm.s32 $0x0;
	vm0 =	vmmov $0x1;
	s12 =	sadd.s32 s1, s31;
	[tilespmem:$0x1FFF0] =	vst v3;
	[dreg:$0x6] =	wrdreg s8;
	s10 =	sadd.s32 $0x2, s6  }
.LBB2_36:
0x12: {  	s0 =	simm.s32 @p0 $0x0;
	s1 =	simm.s32 @p0 $0xB300  }
0x13: {  	[hbm4b:s13+s0] =	stream.linear.scatter @p0 [tilespmem:s1], [sflag:$0x3], $0x5000, $0x38;
	[tilespmem:$0x1FB00] =	vst v63  }
0x14: {  	s0 =	simm.s32 @p0 $0x3  }
0x15: {  	_ =	swait.ge @p0 [sflag:s0], $0x5000  }
0x16: {  	s28 =	sadd.s32 $0x1, s28;
	s1 =	simm.s32 @!p0 $0xB300;
	[sflag:s0] =	ssyncset.done @p0 $0x0  }
0x17: {  	p1 =	sne.s32 s28, s14;
	[sflag:s0] =	ssyncadd.s32 @p0 $0xFFFFB000;
	s0 =	simm.s32 @!p0 $0x0  }
0x18: {  	[hbm4b:s12+s0] =	stream.linear.scatter @!p0 [tilespmem:s1], [sflag:$0x3], $0x14000, $0x38;
	[tilespmem:$0x1FB00] =	vst v63  }
.Ltmp1:
0x19: {  	_ = 	snop;
	(pc) =	sbr.rel @!p1 .LBB2_37-.Ltmp1, $4  }
0x1a: {  	s0 =	simm.s32 @!p0 $0x3  }
0x1b: {  	_ =	swait.ge @!p0 [sflag:s0], $0x14000  }
0x1c: {  	[sflag:s0] =	ssyncset.done @!p0 $0x0  }
0x1d: {  	v0 =	vimm.f32 $0.0e+00;
	[sflag:s0] =	ssyncadd.s32 @!p0 $0xFFFEC000  }
.LBB2_1:
0x1e: {  	s0 =	simm.s32 $0x0  }
0x1f: {  	s31 =	sand.u32 $0xF0, s2;
	v6 =	vmov s0  }
0x20: {  	v7 =	vmov s31;
	v8 =	vshll.u32 v6, $0x8;
	v6 =	vshll.u32 v6, $0x7  }
0x21: {  	v7 =	vshll.u32 v7, $0x3;
	v8 =	vand.u32 $0x1F800, v8;
	v6 =	vand.u32 $0x380, v6  }
0x22: {  	v9 =	vor.u32 s31, v62;
	v7 =	vand.u32 $0x400, v7;
	v8 =	vor.u32 v8, v6  }
0x23: {  	s1 =	simm.s32 $0x10;
	s0 =	simm.s32 $0x1;
	v6 =	vand.u32 $0x7F, v9;
	v7 =	vor.u32 v7, v8  }
.LBB2_2:
0x24: {  	s6 =	sshrl.u32 s0, $0x4;
	p1 =	sne.s32 s0, $0x140F;
	s0 =	sadd.s32 $0x1, s0;
	v8 =	vor.u32 v6, v7  }
.Ltmp2:
0x25: {  	v6 =	vmov s6;
	s6 =	sand.u32 $0xF0, s1;
	(pc) =	sbr.rel @p1 .LBB2_2-.Ltmp2, $4  }
0x26: {  	v7 =	vmov s6;
	v9 =	vshll.u32 v6, $0x8;
	v6 =	vshll.u32 v6, $0x7  }
0x27: {  	v9 =	vand.u32 $0x1F800, v9;
	v7 =	vshll.u32 v7, $0x3;
	v6 =	vand.u32 $0x380, v6  }
0x28: {  	v10 =	vor.u32 s6, v62;
	v7 =	vand.u32 $0x400, v7;
	v9 =	vor.u32 v9, v6  }
0x29: {  	s1 =	sadd.s32 $0x10, s1;
	v6 =	vand.u32 $0x7F, v10;
	v7 =	vor.u32 v7, v9;
	[tilespmem:v8+s15+$0x0] =	vst.idx.msk $0xffff, v0  }
0x2a: {  	v6 =	vor.u32 v6, v7;
	_ =	sdelay $0x4  }
0x2b: {  	s29 =	simm.s32 $0x0;
	s0 =	rddreg [dreg:$0x3];
	[tilespmem:v6+s15+$0x0] =	vst.idx.msk $0xffff, v0  }
0x2c: {  	[tilespmem:s29], [sflag:$0x1] =	stream.linear.gather [hbm4b:s0+s29], $0x320, $0x38;
	[tilespmem:$0x1FB00] =	vst v63  }
0x2d: {  	s9 =	rddreg [dreg:$0x4]  }
0x2e: {  	[tilespmem:s16], [sflag:$0x1] =	stream.linear.gather [hbm4b:s9+s29], $0x320, $0x38;
	[tilespmem:$0x1FB00] =	vst v63  }
.Ltmp3:
0x2f: {  	_ = 	snop;
	(pc) =	sbr.rel .LBB2_4-.Ltmp3, $4  }
0x30: {  	s30 =	rddreg [dreg:$0x5]  }
0x31: {  	[tilespmem:s17], [sflag:$0x2] =	stream.linear.gather [hbm4b:s30+s29], $0x320, $0x38;
	[tilespmem:$0x1FB00] =	vst v63  }
0x32: {  	s31 =	rddreg [dreg:$0x6]  }
0x33: {  	v2 =	vimm.s32 $0xFFFFFFFF;
	[tilespmem:s18], [sflag:$0x2] =	stream.linear.gather [hbm4b:s31+s29], $0x320, $0x38;
	[tilespmem:$0x1FB00] =	vst v63  }
.LBB2_22:
0x34: {  	s29 =	sadd.s32 $0x1, s29  }
0x35: {  	v2 =	vld [tilespmem:$0x1FFE0];
	p2 =	sne.s32 s29, $0x64  }
.Ltmp4:
0x36: {  	_ = 	snop;
	(pc) =	sbr.rel @!p2 .LBB2_23-.Ltmp4, $3  }
0x37: {  	_ =	sdelay $0x1  }
0x38: {  	p1 =	sgt.s32 s30, $0x199F  }
0x39: {  	v2 =	vpsel p1, $0xFFFFFFFF, v2  }
.LBB2_4:
0x3a: {  	_ =	swait.ge [sflag:s19], $0x320  }
0x3b: {  	[sflag:s19] =	ssyncset.done $0x0  }
0x3c: {  	[sflag:s19] =	ssyncadd.s32 $0xFFFFFCE0  }
0x3d: {  	_ =	swait.ge [sflag:s19], $0x320  }
0x3e: {  	[sflag:s19] =	ssyncset.done $0x0  }
0x3f: {  	s0 =	simm.s32 $0x0;
	v1 =	vimm.s32 $0xF;
	v0 =	vld [tilespmem:$0x1FFF0];
	[sflag:s19] =	ssyncadd.s32 $0xFFFFFCE0  }
.LBB2_5:
0x40: {  	s1 =	sshra.s32 s0, $0x2  }
0x41: {  	v7 =	vld [tilespmem:s1+$0x380];
	_ =	sdelay $0x4  }
0x42: {  	v7 =	vsub.s32 v7, v0  }
0x43: {  	vm1 =	vlt.u32 v7, $0x140  }
0x44: {  	v8 =	vsel vm1, $0x1, v41  }
0x45: {  	(xrf0) =	vadd.scan.msk.s32 $0xffff, v8;
	_ =	sdelay $0x5  }
0x46: {  	v8, _, _ =	vpop (xrf0)  }
0x47: {  	v9 =	vadd.s32 v2, v8  }
0x48: {  	v10 =	vld [tilespmem:s1+$0x0];
	v9 =	vnsel vm1, $0x1FFF, v9;
	_ =	sdelay $0x4  }
0x49: {  	[tilespmem:v9+s20+$0x0] =	vst.idx.msk $0xffff, v10  }
0x4a: {  	[tilespmem:v9+s21+$0x0] =	vst.idx.msk $0xffff, v7  }
0x4b: {  	v7 =	vld [tilespmem:s1+$0x390];
	_ =	sdelay $0x4  }
0x4c: {  	v7 =	vsub.s32 v7, v0  }
0x4d: {  	vm1 =	vlt.u32 v7, $0x140  }
0x4e: {  	v51 =	vsel vm1, $0x1, v41  }
0x4f: {  	(xrf0) =	vadd.scan.msk.s32 $0xffff, v51;
	_ =	sdelay $0x3  }
0x50: {  	v8 =	vperm.xlane v8, v1;
	_ =	sdelay $0x1  }
0x51: {  	v6 =	vadd.s32 v2, v8;
	v52, _, _ =	vpop (xrf0)  }
0x52: {  	v53 =	vadd.s32 v6, v52  }
0x53: {  	v10 =	vld [tilespmem:s1+$0x10];
	v9 =	vnsel vm1, $0x1FFF, v53;
	_ =	sdelay $0x4  }
0x54: {  	[tilespmem:v9+s20+$0x0] =	vst.idx.msk $0xffff, v10  }
0x55: {  	[tilespmem:v9+s21+$0x0] =	vst.idx.msk $0xffff, v7  }
0x56: {  	v7 =	vld [tilespmem:s1+$0x3A0];
	_ =	sdelay $0x4  }
0x57: {  	v7 =	vsub.s32 v7, v0  }
0x58: {  	vm1 =	vlt.u32 v7, $0x140  }
0x59: {  	v54 =	vsel vm1, $0x1, v41  }
0x5a: {  	(xrf0) =	vadd.scan.msk.s32 $0xffff, v54;
	_ =	sdelay $0x3  }
0x5b: {  	v8 =	vperm.xlane v52, v1;
	_ =	sdelay $0x1  }
0x5c: {  	v6 =	vadd.s32 v6, v8;
	v55, _, _ =	vpop (xrf0)  }
0x5d: {  	v56 =	vadd.s32 v6, v55  }
0x5e: {  	v10 =	vld [tilespmem:s1+$0x20];
	v9 =	vnsel vm1, $0x1FFF, v56;
	_ =	sdelay $0x4  }
0x5f: {  	[tilespmem:v9+s20+$0x0] =	vst.idx.msk $0xffff, v10  }
0x60: {  	[tilespmem:v9+s21+$0x0] =	vst.idx.msk $0xffff, v7  }
0x61: {  	v7 =	vld [tilespmem:s1+$0x3B0];
	_ =	sdelay $0x4  }
0x62: {  	v7 =	vsub.s32 v7, v0  }
0x63: {  	vm1 =	vlt.u32 v7, $0x140  }
0x64: {  	v57 =	vsel vm1, $0x1, v41  }
0x65: {  	(xrf0) =	vadd.scan.msk.s32 $0xffff, v57;
	_ =	sdelay $0x3  }
0x66: {  	v8 =	vperm.xlane v55, v1;
	_ =	sdelay $0x1  }
0x67: {  	v6 =	vadd.s32 v6, v8;
	v58, _, _ =	vpop (xrf0)  }
0x68: {  	v59 =	vadd.s32 v6, v58  }
0x69: {  	v10 =	vld [tilespmem:s1+$0x30];
	v9 =	vnsel vm1, $0x1FFF, v59;
	_ =	sdelay $0x4  }
0x6a: {  	[tilespmem:v9+s20+$0x0] =	vst.idx.msk $0xffff, v10  }
0x6b: {  	[tilespmem:v9+s21+$0x0] =	vst.idx.msk $0xffff, v7  }
0x6c: {  	v7 =	vld [tilespmem:s1+$0x3C0];
	_ =	sdelay $0x4  }
0x6d: {  	v7 =	vsub.s32 v7, v0  }
0x6e: {  	vm1 =	vlt.u32 v7, $0x140  }
0x6f: {  	v60 =	vsel vm1, $0x1, v41  }
0x70: {  	(xrf0) =	vadd.scan.msk.s32 $0xffff, v60;
	_ =	sdelay $0x3  }
0x71: {  	v8 =	vperm.xlane v58, v1;
	_ =	sdelay $0x1  }
0x72: {  	v6 =	vadd.s32 v6, v8;
	v61, _, _ =	vpop (xrf0)  }
0x73: {  	v63 =	vadd.s32 v6, v61  }
0x74: {  	v10 =	vld [tilespmem:s1+$0x40];
	v9 =	vnsel vm1, $0x1FFF, v63  }
0x75: {  	p1 =	sne.s32 s0, $0xB40  }
.Ltmp5:
0x76: {  	_ = 	snop;
	(pc) =	sbr.rel @p1 .LBB2_5-.Ltmp5, $4  }
0x77: {  	_ = 	snop  }
0x78: {  	v8 =	vperm.xlane v61, v1  }
0x79: {  	[tilespmem:v9+s20+$0x0] =	vst.idx.msk $0xffff, v10  }
0x7a: {  	s0 =	sadd.s32 $0x140, s0;
	v2 =	vadd.s32 v6, v8;
	[tilespmem:v9+s21+$0x0] =	vst.idx.msk $0xffff, v7  }
0x7b: {  	s0 =	sshll.u32 s29, $0x1  }
0x7c: {  	s1 =	sadd.s32 s0, s10  }
0x7d: {  	s6 =	smulhi.u32 $0x51EB851F, s1;
	_ =	sdelay $0x1  }
0x7e: {  	s6 =	sshrl.u32 s6, $0x6  }
0x7f: {  	s6 =	smul.u32 $0xC8, s6;
	_ =	sdelay $0x1  }
0x80: {  	s1 =	ssub.s32 s1, s6  }
0x81: {  	s6 =	smul.u32 $0x64, s1;
	_ =	sdelay $0x1  }
0x82: {  	s1 =	simm.s32 $0x0;
	s7 =	sadd.s32 s4, s6  }
0x83: {  	[tilespmem:s1], [sflag:$0x1] =	stream.linear.gather [hbm4b:s7+s1], $0x320, $0x38;
	[tilespmem:$0x1FB00] =	vst v63  }
0x84: {  	s6 =	sadd.s32 s5, s6  }
0x85: {  	[tilespmem:s16], [sflag:$0x1] =	stream.linear.gather [hbm4b:s6+s1], $0x320, $0x38;
	[tilespmem:$0x1FB00] =	vst v63  }
0x86: {  	_ =	swait.ge [sflag:s22], $0x320  }
0x87: {  	[sflag:s22] =	ssyncset.done $0x0  }
0x88: {  	[sflag:s22] =	ssyncadd.s32 $0xFFFFFCE0  }
0x89: {  	_ =	swait.ge [sflag:s22], $0x320  }
0x8a: {  	[sflag:s22] =	ssyncset.done $0x0  }
0x8b: {  	[sflag:s22] =	ssyncadd.s32 $0xFFFFFCE0  }
.LBB2_7:
0x8c: {  	s6 =	sshra.s32 s1, $0x2  }
0x8d: {  	v7 =	vld [tilespmem:s6+$0xA80];
	_ =	sdelay $0x4  }
0x8e: {  	v7 =	vsub.s32 v7, v0  }
0x8f: {  	vm1 =	vlt.u32 v7, $0x140  }
0x90: {  	v8 =	vsel vm1, $0x1, v41  }
0x91: {  	(xrf0) =	vadd.scan.msk.s32 $0xffff, v8;
	_ =	sdelay $0x5  }
0x92: {  	v8, _, _ =	vpop (xrf0)  }
0x93: {  	v9 =	vadd.s32 v2, v8  }
0x94: {  	v10 =	vld [tilespmem:s6+$0x700];
	v9 =	vnsel vm1, $0x1FFF, v9;
	_ =	sdelay $0x4  }
0x95: {  	[tilespmem:v9+s20+$0x0] =	vst.idx.msk $0xffff, v10  }
0x96: {  	[tilespmem:v9+s21+$0x0] =	vst.idx.msk $0xffff, v7  }
0x97: {  	v7 =	vld [tilespmem:s6+$0xA90];
	_ =	sdelay $0x4  }
0x98: {  	v7 =	vsub.s32 v7, v0  }
0x99: {  	vm1 =	vlt.u32 v7, $0x140  }
0x9a: {  	v51 =	vsel vm1, $0x1, v41  }
0x9b: {  	(xrf0) =	vadd.scan.msk.s32 $0xffff, v51;
	_ =	sdelay $0x3  }
0x9c: {  	v8 =	vperm.xlane v8, v1;
	_ =	sdelay $0x1  }
0x9d: {  	v6 =	vadd.s32 v2, v8;
	v52, _, _ =	vpop (xrf0)  }
0x9e: {  	v53 =	vadd.s32 v6, v52  }
0x9f: {  	v10 =	vld [tilespmem:s6+$0x710];
	v9 =	vnsel vm1, $0x1FFF, v53;
	_ =	sdelay $0x4  }
0xa0: {  	[tilespmem:v9+s20+$0x0] =	vst.idx.msk $0xffff, v10  }
0xa1: {  	[tilespmem:v9+s21+$0x0] =	vst.idx.msk $0xffff, v7  }
0xa2: {  	v7 =	vld [tilespmem:s6+$0xAA0];
	_ =	sdelay $0x4  }
0xa3: {  	v7 =	vsub.s32 v7, v0  }
0xa4: {  	vm1 =	vlt.u32 v7, $0x140  }
0xa5: {  	v54 =	vsel vm1, $0x1, v41  }
0xa6: {  	(xrf0) =	vadd.scan.msk.s32 $0xffff, v54;
	_ =	sdelay $0x3  }
0xa7: {  	v8 =	vperm.xlane v52, v1;
	_ =	sdelay $0x1  }
0xa8: {  	v6 =	vadd.s32 v6, v8;
	v55, _, _ =	vpop (xrf0)  }
0xa9: {  	v56 =	vadd.s32 v6, v55  }
0xaa: {  	v10 =	vld [tilespmem:s6+$0x720];
	v9 =	vnsel vm1, $0x1FFF, v56;
	_ =	sdelay $0x4  }
0xab: {  	[tilespmem:v9+s20+$0x0] =	vst.idx.msk $0xffff, v10  }
0xac: {  	[tilespmem:v9+s21+$0x0] =	vst.idx.msk $0xffff, v7  }
0xad: {  	v7 =	vld [tilespmem:s6+$0xAB0];
	_ =	sdelay $0x4  }
0xae: {  	v7 =	vsub.s32 v7, v0  }
0xaf: {  	vm1 =	vlt.u32 v7, $0x140  }
0xb0: {  	v57 =	vsel vm1, $0x1, v41  }
0xb1: {  	(xrf0) =	vadd.scan.msk.s32 $0xffff, v57;
	_ =	sdelay $0x3  }
0xb2: {  	v8 =	vperm.xlane v55, v1;
	_ =	sdelay $0x1  }
0xb3: {  	v6 =	vadd.s32 v6, v8;
	v58, _, _ =	vpop (xrf0)  }
0xb4: {  	v59 =	vadd.s32 v6, v58  }
0xb5: {  	v10 =	vld [tilespmem:s6+$0x730];
	v9 =	vnsel vm1, $0x1FFF, v59;
	_ =	sdelay $0x4  }
0xb6: {  	[tilespmem:v9+s20+$0x0] =	vst.idx.msk $0xffff, v10  }
0xb7: {  	[tilespmem:v9+s21+$0x0] =	vst.idx.msk $0xffff, v7  }
0xb8: {  	v7 =	vld [tilespmem:s6+$0xAC0];
	_ =	sdelay $0x4  }
0xb9: {  	v7 =	vsub.s32 v7, v0  }
0xba: {  	vm1 =	vlt.u32 v7, $0x140  }
0xbb: {  	v60 =	vsel vm1, $0x1, v41  }
0xbc: {  	(xrf0) =	vadd.scan.msk.s32 $0xffff, v60;
	_ =	sdelay $0x3  }
0xbd: {  	v8 =	vperm.xlane v58, v1;
	_ =	sdelay $0x1  }
0xbe: {  	v6 =	vadd.s32 v6, v8;
	v61, _, _ =	vpop (xrf0)  }
0xbf: {  	v63 =	vadd.s32 v6, v61  }
0xc0: {  	v10 =	vld [tilespmem:s6+$0x740];
	v9 =	vnsel vm1, $0x1FFF, v63  }
0xc1: {  	p1 =	sne.s32 s1, $0xB40  }
.Ltmp6:
0xc2: {  	_ = 	snop;
	(pc) =	sbr.rel @p1 .LBB2_7-.Ltmp6, $4  }
0xc3: {  	_ = 	snop  }
0xc4: {  	v8 =	vperm.xlane v61, v1  }
0xc5: {  	[tilespmem:v9+s20+$0x0] =	vst.idx.msk $0xffff, v10  }
0xc6: {  	s1 =	sadd.s32 $0x140, s1;
	v2 =	vadd.s32 v6, v8;
	[tilespmem:v9+s21+$0x0] =	vst.idx.msk $0xffff, v7  }
0xc7: {  	v7 =	vnsel vm0, $0x0, v2  }
0xc8: {  	(xrf0) =	vadd.scan.msk.s32 $0xffff, v7;
	_ =	sdelay $0x5  }
0xc9: {  	v7, _, _ =	vpop (xrf0)  }
0xca: {  	(v2sf) =	vpush v7, $0xF;
	_ =	sdelay $0x1  }
0xcb: {  	s0 =	sadd.s32 s0, s11  }
0xcc: {  	s1 =	smulhi.u32 $0x51EB851F, s0;
	_ =	sdelay $0x1  }
0xcd: {  	s1 =	sshrl.u32 s1, $0x6  }
0xce: {  	s1 =	smul.u32 $0xC8, s1;
	_ =	sdelay $0x1  }
0xcf: {  	s0 =	ssub.s32 s0, s1  }
0xd0: {  	s0 =	smul.u32 $0x64, s0;
	_ =	sdelay $0x1  }
0xd1: {  	s31 =	sadd.s32 s4, s0  }
0xd2: {  	[tilespmem:s17], [sflag:$0x2] =	stream.linear.gather [hbm4b:s31+s2], $0x320, $0x38;
	[tilespmem:$0x1FB00] =	vst v63  }
0xd3: {  	s0 =	sadd.s32 s5, s0  }
0xd4: {  	[tilespmem:s18], [sflag:$0x2] =	stream.linear.gather [hbm4b:s0+s2], $0x320, $0x38;
	[tilespmem:$0x1FB00] =	vst v63  }
0xd5: {  	s0 =	spop (v2sf)  }
0xd6: {  	s30 =	sadd.s32 $0x1, s0  }
0xd7: {  	p1 =	slt.s32 s30, $0x19A0  }
.Ltmp7:
0xd8: {  	_ = 	snop;
	(pc) =	sbr.rel @p1 .LBB2_22-.Ltmp7, $2  }
0xd9: {  	_ =	sdelay $0x2  }
0xda: {  	[tilespmem:$0x1FFE0] =	vst v2  }
0xdb: {  	s1 =	sadd.s32 $0x10, s0;
	s6 =	sand.u32 $0xF, s0  }
0xdc: {  	p1 =	sne.s32 s6, $0x0;
	s9 =	sshra.s32 s1, $0x1F;
	p2 =	slt.s32 s1, $0x0  }
.Ltmp8:
0xdd: {  	s6 =	sshrl.u32 s9, $0x1C;
	p1 =	por !p2, !p1;
	(pc) =	sbr.rel .LBB2_10-.Ltmp8, $4  }
0xde: {  	[tilespmem:s30+$0xE00] =	vst v41;
	v0 =	vimm.s32 $0x140;
	s1 =	sadd.s32 s6, s1;
	p1 =	por !p1, !p1;
	s6 =	simm.s32 $0x1  }
0xdf: {  	[tilespmem:s30+$0x2E00] =	vst v0;
	s1 =	sshra.s32 s1, $0x4;
	s6 =	simm.s32 @!p1 $0x0  }
0xe0: {  	[tilespmem:s0+$0xE11] =	vst v41;
	s31 =	ssub.s32 s1, s6  }
0xe1: {  	[tilespmem:s0+$0x2E11] =	vst v0;
	s0 =	simm.s32 $0x0;
	s1 =	simm.s32 $0x0;
	p1 =	slt.s32 s31, $0x1  }
.LBB2_21:
0xe2: {  	s1 =	sadd.s32 $0x1, s1  }
0xe3: {  	p2 =	sne.s32 s1, $0x32  }
.Ltmp9:
0xe4: {  	_ = 	snop;
	(pc) =	sbr.rel @!p2 .LBB2_22-.Ltmp9, $1  }
0xe5: {  	_ =	sdelay $0x3  }
.LBB2_10:
0xe6: {  	s6 =	smul.u32 $0xC80, s1;
	_ =	sdelay $0x1  }
.Ltmp10:
0xe7: {  	s6 =	sadd.s32 s3, s6;
	(pc) =	sbr.rel @p1 .LBB2_21-.Ltmp10, $4  }
0xe8: {  	[tilespmem:s23], [sflag:$0x3] =	stream.linear.gather [hbm4b:s6+s0], $0x6400, $0x38;
	[tilespmem:$0x1FB00] =	vst v63  }
0xe9: {  	_ =	swait.ge [sflag:s24], $0x6400  }
0xea: {  	[sflag:s24] =	ssyncset.done $0x0  }
0xeb: {  	[sflag:s24] =	ssyncadd.s32 $0xFFFF9C00  }
.Ltmp11:
0xec: {  	(pc) =	sbr.rel .LBB2_12-.Ltmp11, $3  }
0xed: {  	s6 =	smul.u32 $0xFFFFFF38, s1;
	_ =	sdelay $0x1  }
0xee: {  	v0 =	vmov s6  }
0xef: {  	s6 =	simm.s32 $0x0;
	[tilespmem:$0x1FFD0] =	vst v0  }
.LBB2_14:
0xf0: {  	_ = 	snop  }
.LBB2_19:
0xf1: {  	_ =	sdelay $0x3  }
0xf2: {  	v0 =	vld.idx.msk @p2 [tilespmem:v0+s23+$0x0], $0xffff  }
0xf3: {  	v1 =	vld.idx.msk @p2 [tilespmem:v32+s23+$0x0], $0xffff  }
0xf4: {  	v2 =	vld.idx.msk @p2 [tilespmem:v25+s23+$0x0], $0xffff  }
0xf5: {  	v3 =	vld.idx.msk @p2 [tilespmem:v35+s23+$0x0], $0xffff  }
0xf6: {  	v4 =	vld.idx.msk @p2 [tilespmem:v37+s23+$0x0], $0xffff  }
0xf7: {  	v5 =	vld.idx.msk @p2 [tilespmem:v22+s23+$0x0], $0xffff  }
0xf8: {  	v6 =	vld.idx.msk @p2 [tilespmem:v20+s23+$0x0], $0xffff  }
0xf9: {  	v7 =	vld.idx.msk @p2 [tilespmem:v23+s23+$0x0], $0xffff;
	v8 =	vunpack.i.l.bf16.f32 @p2 v1  }
0xfa: {  	v20 =	vor.u32 @p2 v30, v15;
	v1 =	vunpack.i.u.bf16.f32 @p2 v1;
	[tilespmem:v24+s15+$0x0] =	vst.idx.add.f32.msk @p2 $0xffff, v8  }
0xfb: {  	[tilespmem:v26+s15+$0x0] =	vst.idx.add.f32.msk @p2 $0xffff, v1;
	v1 =	vunpack.i.l.bf16.f32 @p2 v0  }
0xfc: {  	v8 =	vor.u32 @p2 v21, v15;
	v0 =	vunpack.i.u.bf16.f32 @p2 v0;
	[tilespmem:v27+s15+$0x0] =	vst.idx.add.f32.msk @p2 $0xffff, v1  }
0xfd: {  	v1 =	vunpack.i.l.bf16.f32 @p2 v4;
	[tilespmem:v29+s15+$0x0] =	vst.idx.add.f32.msk @p2 $0xffff, v0  }
0xfe: {  	v0 =	vunpack.i.u.bf16.f32 @p2 v4;
	[tilespmem:v39+s15+$0x0] =	vst.idx.add.f32.msk @p2 $0xffff, v1  }
0xff: {  	[tilespmem:v20+s15+$0x0] =	vst.idx.add.f32.msk @p2 $0xffff, v0;
	v0 =	vunpack.i.l.bf16.f32 @p2 v7  }
0x100: {  	v1 =	vunpack.i.u.bf16.f32 @p2 v7;
	[tilespmem:v55+s15+$0x0] =	vst.idx.add.f32.msk @p2 $0xffff, v0;
	v0 =	vunpack.i.l.bf16.f32 @p2 v3  }
0x101: {  	[tilespmem:v8+s15+$0x0] =	vst.idx.add.f32.msk @p2 $0xffff, v1  }
0x102: {  	v3 =	vunpack.i.u.bf16.f32 @p2 v3;
	v1 =	vor.u32 @p2 v19, v15;
	[tilespmem:v33+s15+$0x0] =	vst.idx.add.f32.msk @p2 $0xffff, v0  }
0x103: {  	v0 =	vmov @p2 v57;
	[tilespmem:v28+s15+$0x0] =	vst.idx.add.f32.msk @p2 $0xffff, v3;
	v3 =	vunpack.i.l.bf16.f32 @p2 v6  }
0x104: {  	v4 =	vor.u32 @p2 v18, v15;
	v6 =	vunpack.i.u.bf16.f32 @p2 v6;
	[tilespmem:v34+s15+$0x0] =	vst.idx.add.f32.msk @p2 $0xffff, v3  }
0x105: {  	v3 =	vunpack.i.l.bf16.f32 @p2 v5;
	[tilespmem:v31+s15+$0x0] =	vst.idx.add.f32.msk @p2 $0xffff, v6  }
0x106: {  	v5 =	vunpack.i.u.bf16.f32 @p2 v5;
	[tilespmem:v36+s15+$0x0] =	vst.idx.add.f32.msk @p2 $0xffff, v3  }
0x107: {  	v30 =	vor.u32 v17, v40;
	[tilespmem:v1+s15+$0x0] =	vst.idx.add.f32.msk @p2 $0xffff, v5;
	v1 =	vunpack.i.l.bf16.f32 @p2 v2  }
0x108: {  	v2 =	vunpack.i.u.bf16.f32 @p2 v2;
	[tilespmem:v0+s15+$0x0] =	vst.idx.add.f32.msk @p2 $0xffff, v1  }
0x109: {  	[tilespmem:v4+s15+$0x0] =	vst.idx.add.f32.msk @p2 $0xffff, v2  }
0x10a: {  	v31 =	vor.u32 v11, v40;
	v1 =	vld.idx.msk [tilespmem:v16+s23+$0x0], $0xffff  }
0x10b: {  	v32 =	vor.u32 v63, v40;
	v33 =	vand.u32 $0xFFFFF800, v43;
	v34 =	vmul.u32 $0x2, v62;
	v6 =	vld.idx.msk [tilespmem:v13+s23+$0x0], $0xffff  }
0x10c: {  	v35 =	vor.u32 v9, v40;
	v4 =	vor.u32 v53, v33;
	v3 =	vld.idx.msk [tilespmem:v30+s23+$0x0], $0xffff  }
0x10d: {  	v37 =	vor.u32 $0x1, v34;
	v36 =	vor.u32 v34, v4;
	v10 =	vld.idx.msk [tilespmem:v14+s23+$0x0], $0xffff  }
0x10e: {  	v38 =	vor.u32 $0x20, v34;
	v9 =	vor.u32 v37, v4;
	v12 =	vld.idx.msk [tilespmem:v12+s23+$0x0], $0xffff  }
0x10f: {  	v39 =	vor.u32 $0x21, v34;
	v11 =	vor.u32 v38, v4;
	v0 =	vld.idx.msk [tilespmem:v31+s23+$0x0], $0xffff  }
0x110: {  	v40 =	vor.u32 $0x40, v34;
	v13 =	vor.u32 v39, v4;
	v2 =	vld.idx.msk [tilespmem:v32+s23+$0x0], $0xffff  }
0x111: {  	v42 =	vor.u32 $0x41, v34;
	v14 =	vor.u32 v40, v4;
	v7 =	vld.idx.msk [tilespmem:v35+s23+$0x0], $0xffff;
	v43 =	vunpack.i.l.bf16.f32 v6  }
0x112: {  	v44 =	vor.u32 $0x60, v34;
	v15 =	vor.u32 v42, v4;
	v6 =	vunpack.i.u.bf16.f32 v6;
	[tilespmem:v36+s15+$0x0] =	vst.idx.add.f32.msk $0xffff, v43  }
0x113: {  	v45 =	vor.u32 $0x61, v34;
	v46 =	vor.u32 v44, v4;
	v47 =	vunpack.i.l.bf16.f32 v1;
	[tilespmem:v9+s15+$0x0] =	vst.idx.add.f32.msk $0xffff, v6  }
0x114: {  	v48 =	vor.u32 $0x400, v34;
	v8 =	vor.u32 v45, v4;
	v1 =	vunpack.i.u.bf16.f32 v1;
	[tilespmem:v11+s15+$0x0] =	vst.idx.add.f32.msk $0xffff, v47  }
0x115: {  	v49 =	vor.u32 $0x401, v34;
	v50 =	vunpack.i.l.bf16.f32 v12;
	v9 =	vor.u32 v48, v4;
	[tilespmem:v13+s15+$0x0] =	vst.idx.add.f32.msk $0xffff, v1  }
0x116: {  	v51 =	vor.u32 $0x420, v34;
	v12 =	vunpack.i.u.bf16.f32 v12;
	v6 =	vor.u32 v49, v4;
	[tilespmem:v14+s15+$0x0] =	vst.idx.add.f32.msk $0xffff, v50  }
0x117: {  	v52 =	vor.u32 $0x421, v34;
	v53 =	vunpack.i.l.bf16.f32 v7;
	v1 =	vor.u32 v51, v4;
	[tilespmem:v15+s15+$0x0] =	vst.idx.add.f32.msk $0xffff, v12  }
0x118: {  	v54 =	vor.u32 $0x440, v34;
	v7 =	vunpack.i.u.bf16.f32 v7;
	v11 =	vor.u32 v52, v4;
	[tilespmem:v46+s15+$0x0] =	vst.idx.add.f32.msk $0xffff, v53  }
0x119: {  	v55 =	vor.u32 $0x441, v34;
	v56 =	vunpack.i.l.bf16.f32 v10;
	v13 =	vor.u32 v54, v4;
	[tilespmem:v8+s15+$0x0] =	vst.idx.add.f32.msk $0xffff, v7  }
0x11a: {  	v57 =	vor.u32 $0x460, v34;
	v10 =	vunpack.i.u.bf16.f32 v10;
	v12 =	vor.u32 v55, v4;
	[tilespmem:v9+s15+$0x0] =	vst.idx.add.f32.msk $0xffff, v56  }
0x11b: {  	v5 =	vor.u32 $0x461, v34;
	v58 =	vor.u32 v57, v4;
	v59 =	vunpack.i.l.bf16.f32 v2;
	[tilespmem:v6+s15+$0x0] =	vst.idx.add.f32.msk $0xffff, v10  }
0x11c: {  	v2 =	vunpack.i.u.bf16.f32 v2;
	v4 =	vor.u32 v5, v4;
	[tilespmem:v1+s15+$0x0] =	vst.idx.add.f32.msk $0xffff, v59  }
0x11d: {  	v60 =	vunpack.i.l.bf16.f32 v0;
	[tilespmem:v11+s15+$0x0] =	vst.idx.add.f32.msk $0xffff, v2  }
0x11e: {  	v0 =	vunpack.i.u.bf16.f32 v0;
	[tilespmem:v13+s15+$0x0] =	vst.idx.add.f32.msk $0xffff, v60  }
0x11f: {  	v61 =	vunpack.i.l.bf16.f32 v3;
	[tilespmem:v12+s15+$0x0] =	vst.idx.add.f32.msk $0xffff, v0  }
0x120: {  	v63 =	vunpack.i.u.bf16.f32 v3;
	[tilespmem:v58+s15+$0x0] =	vst.idx.add.f32.msk $0xffff, v61  }
0x121: {  	[tilespmem:v4+s15+$0x0] =	vst.idx.add.f32.msk $0xffff, v63  }
.LBB2_20:
0x122: {  	s6 =	sadd.s32 $0x1, s6  }
0x123: {  	p2 =	sne.s32 s6, s31  }
.Ltmp12:
0x124: {  	_ = 	snop;
	(pc) =	sbr.rel @!p2 .LBB2_21-.Ltmp12, $1  }
0x125: {  	_ =	sdelay $0x3  }
.LBB2_12:
0x126: {  	s7 =	sshll.u32 s6, $0x4;
	v0 =	vld [tilespmem:$0x1FFD0]  }
0x127: {  	v8 =	vld [tilespmem:s7+$0xE00];
	_ =	sdelay $0x4  }
0x128: {  	v8 =	vadd.s32 v0, v8  }
0x129: {  	vm1 =	vlt.u32 v8, $0xC8  }
0x12a: {  	v9 =	vsel vm1, $0x1, v41  }
0x12b: {  	(xrf0) =	vadd.scan.msk.s32 $0xffff, v9;
	_ =	sdelay $0x5  }
0x12c: {  	v9, _, _ =	vpop (xrf0)  }
0x12d: {  	(v2sf) =	vpush v9, $0xF;
	_ =	sdelay $0xd  }
0x12e: {  	v9 =	vadd.s32 $0xFFFFFFFF, v9  }
0x12f: {  	v10 =	vld [tilespmem:s7+$0x2E00];
	v9 =	vnsel vm1, $0x1F, v9;
	s7 =	spop (v2sf)  }
0x130: {  	p2 =	slt.s32 s7, $0x1  }
.Ltmp13:
0x131: {  	_ = 	snop;
	(pc) =	sbr.rel @p2 .LBB2_20-.Ltmp13, $3  }
0x132: {  	_ =	sdelay $0x1  }
0x133: {  	[tilespmem:v9+s25+$0x0] =	vst.idx.msk $0xffff, v8  }
0x134: {  	[tilespmem:v9+s26+$0x0] =	vst.idx.msk $0xffff, v10  }
0x135: {  	v0 =	vld [tilespmem:$0x4E00];
	_ =	sdelay $0x2  }
0x136: {  	s8 =	simm.s32 $0x0  }
0x137: {  	v1 =	vld [tilespmem:$0x4E80];
	v9 =	vmov s8  }
0x138: {  	v12 =	vperm.xlane v0, v9;
	_ =	sdelay $0x1  }
0x139: {  	v38 =	vor.u32 $0x10, v62;
	p3 =	sne.s32 s7, $0x1;
	v40 =	vshll.u32 v12, $0x7  }
.Ltmp14:
0x13a: {  	v17 =	vor.u32 $0x70, v62;
	v16 =	vor.u32 v38, v40;
	(pc) =	sbr.rel @!p3 .LBB2_14-.Ltmp14, $4  }
0x13b: {  	v11 =	vor.u32 $0x60, v62;
	v14 =	vperm.xlane v1, v9;
	v13 =	vor.u32 v62, v40  }
0x13c: {  	v63 =	vor.u32 $0x50, v62;
	v37 =	vor.u32 $0x20, v62;
	[tilespmem:$0x1FFC0] =	vst v0;
	v0 =	vor.u32 $0x40, v62  }
0x13d: {  	v43 =	vshll.u32 v14, $0x8;
	v15 =	vshll.u32 v14, $0x7;
	v14 =	vor.u32 v0, v40  }
0x13e: {  	p2 =	por $0x0, $0x0;
	s8 =	simm.s32 $0x1;
	v9 =	vor.u32 $0x30, v62;
	v12 =	vor.u32 v37, v40;
	v53 =	vand.u32 $0x380, v15  }
0x13f: {  	v20 =	vor.u32 v63, v40;
	v15 =	vand.u32 $0xFFFFF800, v43;
	v41 =	vmul.u32 $0x2, v62  }
0x140: {  	v23 =	vor.u32 v9, v40;
	v22 =	vor.u32 v11, v40;
	v36 =	vmov s8  }
0x141: {  	v25 =	vor.u32 v17, v40;
	v15 =	vor.u32 v53, v15;
	v7 =	vperm.xlane v1, v36  }
0x142: {  	v24 =	vor.u32 v41, v15;
	v42 =	vor.u32 $0x1, v41;
	v18 =	vor.u32 $0x461, v41  }
0x143: {  	v44 =	vor.u32 $0x20, v41;
	v30 =	vor.u32 $0x41, v41;
	v45 =	vor.u32 $0x21, v41  }
0x144: {  	v5 =	vld [tilespmem:$0x1FFC0];
	v46 =	vor.u32 $0x40, v41;
	v47 =	vor.u32 $0x60, v41;
	v21 =	vor.u32 $0x61, v41  }
0x145: {  	v48 =	vor.u32 $0x420, v41;
	v49 =	vor.u32 $0x400, v41;
	v19 =	vor.u32 $0x441, v41  }
0x146: {  	v50 =	vor.u32 $0x440, v41;
	v51 =	vor.u32 $0x401, v41;
	v52 =	vor.u32 $0x421, v41  }
0x147: {  	v54 =	vor.u32 $0x460, v41;
	v26 =	vor.u32 v42, v15;
	v27 =	vor.u32 v44, v15  }
0x148: {  	p3 =	sne.s32 s7, $0x2;
	v29 =	vor.u32 v45, v15;
	v28 =	vor.u32 v51, v15;
	v39 =	vor.u32 v46, v15  }
.Ltmp15:
0x149: {  	v31 =	vor.u32 v52, v15;
	v33 =	vor.u32 v49, v15;
	v6 =	vperm.xlane v5, v36;
	(pc) =	sbr.rel @!p3 .LBB2_16-.Ltmp15, $4  }
0x14a: {  	v34 =	vor.u32 v48, v15;
	v57 =	vor.u32 v54, v15;
	v43 =	vshll.u32 v7, $0x8  }
0x14b: {  	v35 =	vmovc v1;
	v53 =	vshll.u32 v7, $0x7;
	v55 =	vor.u32 v47, v15;
	v40 =	vshll.u32 v6, $0x7  }
0x14c: {  	v32 =	vmovc v0;
	v56 =	vmovc v17;
	v53 =	vand.u32 $0x380, v53;
	v36 =	vor.u32 v50, v15;
	v60 =	vor.u32 v62, v40  }
0x14d: {  	s8 =	simm.s32 $0x2;
	p2 =	por $0x1, $0x1;
	v10 =	vmovc v9;
	v61 =	vor.u32 v38, v40;
	v58 =	vor.u32 v37, v40;
	v59 =	vor.u32 v32, v40  }
.LBB2_17:
0x14e: {  	v62 =	vor.u32 v63, v40;
	v9 =	vmov v63;
	v63 =	vld.idx.msk [tilespmem:v16+s23+$0x0], $0xffff;
	v2 =	vmov v57  }
0x14f: {  	v57 =	vor.u32 v10, v40;
	v4 =	vor.u32 v11, v40;
	v16 =	vor.u32 v56, v40;
	v40 =	vld.idx.msk [tilespmem:v13+s23+$0x0], $0xffff  }
0x150: {  	v0 =	vld.idx.msk [tilespmem:v25+s23+$0x0], $0xffff  }
0x151: {  	v3 =	vld.idx.msk [tilespmem:v14+s23+$0x0], $0xffff  }
0x152: {  	v1 =	vld.idx.msk [tilespmem:v12+s23+$0x0], $0xffff  }
0x153: {  	v12 =	vmov v58;
	v58 =	vld.idx.msk [tilespmem:v20+s23+$0x0], $0xffff  }
0x154: {  	v5 =	vor.u32 v21, v15;
	v8 =	vand.u32 $0xFFFFF800, v43;
	v14 =	vmov v59;
	v59 =	vld.idx.msk [tilespmem:v23+s23+$0x0], $0xffff  }
0x155: {  	v43 =	vor.u32 v30, v15;
	v25 =	vmovc v16;
	v20 =	vmovc v62;
	v16 =	vmov v61;
	v61 =	vld.idx.msk [tilespmem:v22+s23+$0x0], $0xffff;
	v62 =	vunpack.i.l.bf16.f32 v40  }
0x156: {  	v6 =	vor.u32 v19, v15;
	v7 =	vor.u32 v18, v15;
	v40 =	vunpack.i.u.bf16.f32 v40;
	[tilespmem:v24+s15+$0x0] =	vst.idx.add.f32.msk $0xffff, v62  }
0x157: {  	v15 =	vor.u32 v53, v8;
	v23 =	vmov v57;
	v57 =	vunpack.i.l.bf16.f32 v63;
	[tilespmem:v26+s15+$0x0] =	vst.idx.add.f32.msk $0xffff, v40  }
0x158: {  	v13 =	vmov v60;
	v60 =	vor.u32 v42, v15;
	v8 =	vunpack.i.u.bf16.f32 v63;
	[tilespmem:v27+s15+$0x0] =	vst.idx.add.f32.msk $0xffff, v57  }
0x159: {  	v26 =	vmov v60;
	v60 =	vunpack.i.l.bf16.f32 v1;
	[tilespmem:v29+s15+$0x0] =	vst.idx.add.f32.msk $0xffff, v8  }
0x15a: {  	v1 =	vunpack.i.u.bf16.f32 v1;
	[tilespmem:v39+s15+$0x0] =	vst.idx.add.f32.msk $0xffff, v60  }
0x15b: {  	[tilespmem:v43+s15+$0x0] =	vst.idx.add.f32.msk $0xffff, v1;
	v43 =	vunpack.i.l.bf16.f32 v59  }
0x15c: {  	v8 =	vunpack.i.u.bf16.f32 v59;
	[tilespmem:v55+s15+$0x0] =	vst.idx.add.f32.msk $0xffff, v43  }
0x15d: {  	v57 =	vunpack.i.l.bf16.f32 v3;
	[tilespmem:v5+s15+$0x0] =	vst.idx.add.f32.msk $0xffff, v8  }
0x15e: {  	v53 =	vor.u32 v41, v15;
	v3 =	vunpack.i.u.bf16.f32 v3;
	[tilespmem:v33+s15+$0x0] =	vst.idx.add.f32.msk $0xffff, v57  }
0x15f: {  	v24 =	vmov v53;
	v53 =	vor.u32 v51, v15;
	[tilespmem:v28+s15+$0x0] =	vst.idx.add.f32.msk $0xffff, v3  }
0x160: {  	v22 =	vmov v4;
	v4 =	vor.u32 v44, v15;
	v28 =	vmov v53;
	v53 =	vld [tilespmem:$0x1FFC0]  }
0x161: {  	s9 =	smov.u32 s8;
	v62 =	vlaneseq.u32;
	v29 =	vor.u32 v45, v15;
	v39 =	vor.u32 v46, v15  }
0x162: {  	v63 =	vmovc v9;
	v27 =	vmovc v4;
	v60 =	vunpack.i.l.bf16.f32 v58;
	v1 =	vor.u32 v52, v15;
	v59 =	vmov s9  }
0x163: {  	s8 =	sadd.s32 $0x1, s8;
	v55 =	vunpack.i.u.bf16.f32 v58;
	v8 =	vor.u32 v48, v15;
	v5 =	vperm.xlane v35, v59;
	[tilespmem:v34+s15+$0x0] =	vst.idx.add.f32.msk $0xffff, v60  }
0x164: {  	p3 =	sne.s32 s7, s8;
	v9 =	vunpack.i.l.bf16.f32 v61;
	v33 =	vor.u32 v49, v15;
	v57 =	vor.u32 v54, v15;
	[tilespmem:v31+s15+$0x0] =	vst.idx.add.f32.msk $0xffff, v55  }
.Ltmp16:
0x165: {  	v3 =	vor.u32 v50, v15;
	[tilespmem:v36+s15+$0x0] =	vst.idx.add.f32.msk $0xffff, v9;
	v4 =	vperm.xlane v53, v59;
	v59 =	vunpack.i.u.bf16.f32 v61;
	(pc) =	sbr.rel @p3 .LBB2_17-.Ltmp16, $4  }
0x166: {  	v43 =	vshll.u32 v5, $0x8;
	v55 =	vshll.u32 v5, $0x7;
	v53 =	vunpack.i.l.bf16.f32 v0;
	[tilespmem:v6+s15+$0x0] =	vst.idx.add.f32.msk $0xffff, v59  }
0x167: {  	v56 =	vmovc v17;
	v34 =	vmovc v8;
	v0 =	vunpack.i.u.bf16.f32 v0;
	v40 =	vshll.u32 v4, $0x7;
	[tilespmem:v2+s15+$0x0] =	vst.idx.add.f32.msk $0xffff, v53;
	v53 =	vand.u32 $0x380, v55  }
0x168: {  	v31 =	vmovc v1;
	v55 =	vor.u32 v47, v15;
	v60 =	vor.u32 v62, v40;
	v61 =	vor.u32 v38, v40  }
0x169: {  	v36 =	vmov v3;
	v58 =	vor.u32 v37, v40;
	v59 =	vor.u32 v32, v40;
	[tilespmem:v7+s15+$0x0] =	vst.idx.add.f32.msk $0xffff, v0  }
.Ltmp17:
0x16a: {  	(pc) =	sbr.rel .LBB2_19-.Ltmp17, $4  }
0x16b: {  	_ = 	snop  }
0x16c: {  	v0 =	vmov v16  }
0x16d: {  	v32 =	vmovc v13;
	v35 =	vmovc v14;
	v37 =	vmov v12;
	v17 =	vmov v56;
	v13 =	vmov v60  }
0x16e: {  	v16 =	vmovc v61;
	v12 =	vmovc v58;
	v14 =	vmov v59;
	v41 =	vimm.s32 $0x0;
	v9 =	vmov v10  }
.LBB2_16:
.Ltmp18:
0x16f: {  	(pc) =	sbr.rel .LBB2_19-.Ltmp18, $3  }
0x170: {  	_ =	sdelay $0x1  }
0x171: {  	v0 =	vmovc v16;
	v32 =	vmovc v13;
	v35 =	vmov v14;
	v37 =	vmov v12;
	v13 =	vmov v60  }
0x172: {  	v16 =	vmovc v61;
	v12 =	vmovc v58;
	v14 =	vmov v59;
	v41 =	vimm.s32 $0x0;
	v9 =	vmov v10  }
.LBB2_23:
0x173: {  	_ =	swait.ge [sflag:s19], $0x320  }
0x174: {  	[sflag:s19] =	ssyncset.done $0x0  }
0x175: {  	[sflag:s19] =	ssyncadd.s32 $0xFFFFFCE0  }
0x176: {  	_ =	swait.ge [sflag:s19], $0x320  }
0x177: {  	[sflag:s19] =	ssyncset.done $0x0  }
0x178: {  	[sflag:s19] =	ssyncadd.s32 $0xFFFFFCE0  }
0x179: {  	_ =	swait.ge [sflag:s22], $0x320  }
0x17a: {  	[sflag:s22] =	ssyncset.done $0x0  }
0x17b: {  	[sflag:s22] =	ssyncadd.s32 $0xFFFFFCE0  }
0x17c: {  	v0 =	vnsel vm0, $0x0, v2;
	_ =	swait.ge [sflag:s22], $0x320  }
0x17d: {  	(xrf0) =	vadd.scan.msk.s32 $0xffff, v0;
	_ =	sdelay $0x5  }
0x17e: {  	v0, _, _ =	vpop (xrf0)  }
0x17f: {  	(v2sf) =	vpush v0, $0xF;
	_ =	sdelay $0xe  }
0x180: {  	[sflag:s22] =	ssyncset.done $0x0;
	s0 =	spop (v2sf)  }
0x181: {  	[sflag:s22] =	ssyncadd.s32 $0xFFFFFCE0;
	s1 =	sadd.s32 $0x10, s0;
	s6 =	sand.u32 $0xF, s0  }
0x182: {  	p1 =	sne.s32 s6, $0x0;
	s31 =	sshra.s32 s1, $0x1F;
	p2 =	slt.s32 s1, $0x1  }
.Ltmp19:
0x183: {  	s6 =	sshrl.u32 s31, $0x1C;
	p1 =	por !p2, !p1;
	(pc) =	sbr.rel .LBB2_24-.Ltmp19, $4  }
0x184: {  	v63 =	vimm.s32 $0x140;
	[tilespmem:s0+$0xE01] =	vst v41;
	s1 =	sadd.s32 s6, s1;
	p1 =	por !p1, !p1;
	s6 =	simm.s32 $0x1  }
0x185: {  	[tilespmem:s0+$0x2E01] =	vst v63;
	s1 =	sshra.s32 s1, $0x4;
	s6 =	simm.s32 @!p1 $0x0  }
0x186: {  	[tilespmem:s0+$0xE11] =	vst v41;
	s29 =	ssub.s32 s1, s6  }
0x187: {  	[tilespmem:s0+$0x2E11] =	vst v63;
	s0 =	simm.s32 $0x0;
	s1 =	simm.s32 $0x0;
	p1 =	slt.s32 s29, $0x1  }
.LBB2_35:
0x188: {  	s1 =	sadd.s32 $0x1, s1  }
0x189: {  	p2 =	sne.s32 s1, $0x32  }
.Ltmp20:
0x18a: {  	_ = 	snop;
	(pc) =	sbr.rel @!p2 .LBB2_36-.Ltmp20, $1  }
0x18b: {  	_ =	sdelay $0x3  }
.LBB2_24:
0x18c: {  	s6 =	smul.u32 $0xC80, s1;
	_ =	sdelay $0x1  }
.Ltmp21:
0x18d: {  	s6 =	sadd.s32 s3, s6;
	(pc) =	sbr.rel @p1 .LBB2_35-.Ltmp21, $4  }
0x18e: {  	[tilespmem:s23], [sflag:$0x3] =	stream.linear.gather [hbm4b:s6+s0], $0x6400, $0x38;
	[tilespmem:$0x1FB00] =	vst v63  }
0x18f: {  	_ =	swait.ge [sflag:s24], $0x6400  }
0x190: {  	[sflag:s24] =	ssyncset.done $0x0  }
0x191: {  	[sflag:s24] =	ssyncadd.s32 $0xFFFF9C00  }
.Ltmp22:
0x192: {  	(pc) =	sbr.rel .LBB2_26-.Ltmp22, $3  }
0x193: {  	s6 =	smul.u32 $0xFFFFFF38, s1;
	_ =	sdelay $0x1  }
0x194: {  	v0 =	vmov s6  }
0x195: {  	s6 =	simm.s32 $0x0;
	[tilespmem:$0x1FFB0] =	vst v0  }
.LBB2_28:
0x196: {  	_ = 	snop  }
.LBB2_33:
0x197: {  	_ =	sdelay $0x3  }
0x198: {  	v0 =	vld.idx.msk @p2 [tilespmem:v29+s23+$0x0], $0xffff  }
0x199: {  	v1 =	vld.idx.msk @p2 [tilespmem:v31+s23+$0x0], $0xffff  }
0x19a: {  	v2 =	vld.idx.msk @p2 [tilespmem:v24+s23+$0x0], $0xffff  }
0x19b: {  	v3 =	vld.idx.msk @p2 [tilespmem:v34+s23+$0x0], $0xffff  }
0x19c: {  	v4 =	vld.idx.msk @p2 [tilespmem:v36+s23+$0x0], $0xffff  }
0x19d: {  	v5 =	vld.idx.msk @p2 [tilespmem:v21+s23+$0x0], $0xffff  }
0x19e: {  	v6 =	vld.idx.msk @p2 [tilespmem:v19+s23+$0x0], $0xffff  }
0x19f: {  	v7 =	vld.idx.msk @p2 [tilespmem:v22+s23+$0x0], $0xffff;
	v19 =	vunpack.i.l.bf16.f32 @p2 v1  }
0x1a0: {  	v20 =	vor.u32 @p2 v18, v14;
	v1 =	vunpack.i.u.bf16.f32 @p2 v1;
	[tilespmem:v23+s15+$0x0] =	vst.idx.add.f32.msk @p2 $0xffff, v19  }
0x1a1: {  	[tilespmem:v25+s15+$0x0] =	vst.idx.add.f32.msk @p2 $0xffff, v1;
	v1 =	vunpack.i.l.bf16.f32 @p2 v0  }
0x1a2: {  	v18 =	vor.u32 @p2 v8, v14;
	v0 =	vunpack.i.u.bf16.f32 @p2 v0;
	[tilespmem:v26+s15+$0x0] =	vst.idx.add.f32.msk @p2 $0xffff, v1  }
0x1a3: {  	v1 =	vunpack.i.l.bf16.f32 @p2 v4;
	[tilespmem:v28+s15+$0x0] =	vst.idx.add.f32.msk @p2 $0xffff, v0  }
0x1a4: {  	v0 =	vunpack.i.u.bf16.f32 @p2 v4;
	[tilespmem:v38+s15+$0x0] =	vst.idx.add.f32.msk @p2 $0xffff, v1  }
0x1a5: {  	[tilespmem:v20+s15+$0x0] =	vst.idx.add.f32.msk @p2 $0xffff, v0;
	v0 =	vunpack.i.l.bf16.f32 @p2 v7  }
0x1a6: {  	v1 =	vunpack.i.u.bf16.f32 @p2 v7;
	[tilespmem:v54+s15+$0x0] =	vst.idx.add.f32.msk @p2 $0xffff, v0;
	v0 =	vunpack.i.l.bf16.f32 @p2 v3  }
0x1a7: {  	[tilespmem:v18+s15+$0x0] =	vst.idx.add.f32.msk @p2 $0xffff, v1  }
0x1a8: {  	v3 =	vunpack.i.u.bf16.f32 @p2 v3;
	v1 =	vor.u32 @p2 v17, v14;
	[tilespmem:v32+s15+$0x0] =	vst.idx.add.f32.msk @p2 $0xffff, v0  }
0x1a9: {  	v0 =	vmov @p2 v56;
	[tilespmem:v27+s15+$0x0] =	vst.idx.add.f32.msk @p2 $0xffff, v3;
	v3 =	vunpack.i.l.bf16.f32 @p2 v6  }
0x1aa: {  	v4 =	vor.u32 @p2 v16, v14;
	v6 =	vunpack.i.u.bf16.f32 @p2 v6;
	[tilespmem:v33+s15+$0x0] =	vst.idx.add.f32.msk @p2 $0xffff, v3  }
0x1ab: {  	v3 =	vunpack.i.l.bf16.f32 @p2 v5;
	[tilespmem:v30+s15+$0x0] =	vst.idx.add.f32.msk @p2 $0xffff, v6  }
0x1ac: {  	v5 =	vunpack.i.u.bf16.f32 @p2 v5;
	[tilespmem:v35+s15+$0x0] =	vst.idx.add.f32.msk @p2 $0xffff, v3  }
0x1ad: {  	v29 =	vor.u32 v63, v39;
	[tilespmem:v1+s15+$0x0] =	vst.idx.add.f32.msk @p2 $0xffff, v5;
	v1 =	vunpack.i.l.bf16.f32 @p2 v2  }
0x1ae: {  	v2 =	vunpack.i.u.bf16.f32 @p2 v2;
	[tilespmem:v0+s15+$0x0] =	vst.idx.add.f32.msk @p2 $0xffff, v1  }
0x1af: {  	[tilespmem:v4+s15+$0x0] =	vst.idx.add.f32.msk @p2 $0xffff, v2  }
0x1b0: {  	v30 =	vor.u32 v10, v39;
	v1 =	vld.idx.msk [tilespmem:v15+s23+$0x0], $0xffff  }
0x1b1: {  	v31 =	vor.u32 v61, v39;
	v32 =	vand.u32 $0xFFFFF800, v42;
	v33 =	vmul.u32 $0x2, v62;
	v6 =	vld.idx.msk [tilespmem:v12+s23+$0x0], $0xffff  }
0x1b2: {  	v34 =	vor.u32 v9, v39;
	v4 =	vor.u32 v52, v32;
	v3 =	vld.idx.msk [tilespmem:v29+s23+$0x0], $0xffff  }
0x1b3: {  	v36 =	vor.u32 $0x1, v33;
	v35 =	vor.u32 v33, v4;
	v37 =	vld.idx.msk [tilespmem:v13+s23+$0x0], $0xffff  }
0x1b4: {  	v38 =	vor.u32 $0x20, v33;
	v9 =	vor.u32 v36, v4;
	v11 =	vld.idx.msk [tilespmem:v11+s23+$0x0], $0xffff  }
0x1b5: {  	v39 =	vor.u32 $0x21, v33;
	v12 =	vor.u32 v38, v4;
	v0 =	vld.idx.msk [tilespmem:v30+s23+$0x0], $0xffff  }
0x1b6: {  	v40 =	vor.u32 $0x40, v33;
	v13 =	vor.u32 v39, v4;
	v2 =	vld.idx.msk [tilespmem:v31+s23+$0x0], $0xffff  }
0x1b7: {  	v42 =	vor.u32 $0x41, v33;
	v14 =	vor.u32 v40, v4;
	v7 =	vld.idx.msk [tilespmem:v34+s23+$0x0], $0xffff;
	v43 =	vunpack.i.l.bf16.f32 v6  }
0x1b8: {  	v44 =	vor.u32 $0x60, v33;
	v15 =	vor.u32 v42, v4;
	v6 =	vunpack.i.u.bf16.f32 v6;
	[tilespmem:v35+s15+$0x0] =	vst.idx.add.f32.msk $0xffff, v43  }
0x1b9: {  	v45 =	vor.u32 $0x61, v33;
	v46 =	vor.u32 v44, v4;
	v47 =	vunpack.i.l.bf16.f32 v1;
	[tilespmem:v9+s15+$0x0] =	vst.idx.add.f32.msk $0xffff, v6  }
0x1ba: {  	v48 =	vor.u32 $0x400, v33;
	v8 =	vor.u32 v45, v4;
	v1 =	vunpack.i.u.bf16.f32 v1;
	[tilespmem:v12+s15+$0x0] =	vst.idx.add.f32.msk $0xffff, v47  }
0x1bb: {  	v49 =	vor.u32 $0x401, v33;
	v50 =	vunpack.i.l.bf16.f32 v11;
	v9 =	vor.u32 v48, v4;
	[tilespmem:v13+s15+$0x0] =	vst.idx.add.f32.msk $0xffff, v1  }
0x1bc: {  	v51 =	vor.u32 $0x420, v33;
	v11 =	vunpack.i.u.bf16.f32 v11;
	v6 =	vor.u32 v49, v4;
	[tilespmem:v14+s15+$0x0] =	vst.idx.add.f32.msk $0xffff, v50  }
0x1bd: {  	v52 =	vor.u32 $0x421, v33;
	v53 =	vunpack.i.l.bf16.f32 v7;
	v1 =	vor.u32 v51, v4;
	[tilespmem:v15+s15+$0x0] =	vst.idx.add.f32.msk $0xffff, v11  }
0x1be: {  	v54 =	vor.u32 $0x440, v33;
	v7 =	vunpack.i.u.bf16.f32 v7;
	v12 =	vor.u32 v52, v4;
	[tilespmem:v46+s15+$0x0] =	vst.idx.add.f32.msk $0xffff, v53  }
0x1bf: {  	v55 =	vor.u32 $0x441, v33;
	v56 =	vunpack.i.l.bf16.f32 v37;
	v13 =	vor.u32 v54, v4;
	[tilespmem:v8+s15+$0x0] =	vst.idx.add.f32.msk $0xffff, v7  }
0x1c0: {  	v57 =	vor.u32 $0x460, v33;
	v10 =	vunpack.i.u.bf16.f32 v37;
	v11 =	vor.u32 v55, v4;
	[tilespmem:v9+s15+$0x0] =	vst.idx.add.f32.msk $0xffff, v56  }
0x1c1: {  	v5 =	vor.u32 $0x461, v33;
	v58 =	vor.u32 v57, v4;
	v59 =	vunpack.i.l.bf16.f32 v2;
	[tilespmem:v6+s15+$0x0] =	vst.idx.add.f32.msk $0xffff, v10  }
0x1c2: {  	v2 =	vunpack.i.u.bf16.f32 v2;
	v4 =	vor.u32 v5, v4;
	[tilespmem:v1+s15+$0x0] =	vst.idx.add.f32.msk $0xffff, v59  }
0x1c3: {  	v60 =	vunpack.i.l.bf16.f32 v0;
	[tilespmem:v12+s15+$0x0] =	vst.idx.add.f32.msk $0xffff, v2  }
0x1c4: {  	v0 =	vunpack.i.u.bf16.f32 v0;
	[tilespmem:v13+s15+$0x0] =	vst.idx.add.f32.msk $0xffff, v60  }
0x1c5: {  	v61 =	vunpack.i.l.bf16.f32 v3;
	[tilespmem:v11+s15+$0x0] =	vst.idx.add.f32.msk $0xffff, v0  }
0x1c6: {  	v63 =	vunpack.i.u.bf16.f32 v3;
	[tilespmem:v58+s15+$0x0] =	vst.idx.add.f32.msk $0xffff, v61  }
0x1c7: {  	[tilespmem:v4+s15+$0x0] =	vst.idx.add.f32.msk $0xffff, v63  }
.LBB2_34:
0x1c8: {  	s6 =	sadd.s32 $0x1, s6  }
0x1c9: {  	p2 =	sne.s32 s6, s29  }
.Ltmp23:
0x1ca: {  	_ = 	snop;
	(pc) =	sbr.rel @!p2 .LBB2_35-.Ltmp23, $1  }
0x1cb: {  	_ =	sdelay $0x3  }
.LBB2_26:
0x1cc: {  	s7 =	sshll.u32 s6, $0x4;
	v1 =	vld [tilespmem:$0x1FFB0]  }
0x1cd: {  	v0 =	vld [tilespmem:s7+$0xE00];
	_ =	sdelay $0x4  }
0x1ce: {  	v0 =	vadd.s32 v1, v0  }
0x1cf: {  	vm1 =	vlt.u32 v0, $0xC8  }
0x1d0: {  	v63 =	vsel vm1, $0x1, v41  }
0x1d1: {  	(xrf0) =	vadd.scan.msk.s32 $0xffff, v63;
	_ =	sdelay $0x5  }
0x1d2: {  	v1, _, _ =	vpop (xrf0)  }
0x1d3: {  	(v2sf) =	vpush v1, $0xF;
	_ =	sdelay $0xd  }
0x1d4: {  	v1 =	vadd.s32 $0xFFFFFFFF, v1  }
0x1d5: {  	v2 =	vld [tilespmem:s7+$0x2E00];
	v1 =	vnsel vm1, $0x1F, v1;
	s7 =	spop (v2sf)  }
0x1d6: {  	p2 =	slt.s32 s7, $0x1  }
.Ltmp24:
0x1d7: {  	_ = 	snop;
	(pc) =	sbr.rel @p2 .LBB2_34-.Ltmp24, $3  }
0x1d8: {  	_ =	sdelay $0x1  }
0x1d9: {  	[tilespmem:v1+s25+$0x0] =	vst.idx.msk $0xffff, v0  }
0x1da: {  	[tilespmem:v1+s26+$0x0] =	vst.idx.msk $0xffff, v2  }
0x1db: {  	v1 =	vld [tilespmem:$0x4E00];
	_ =	sdelay $0x2  }
0x1dc: {  	s8 =	simm.s32 $0x0  }
0x1dd: {  	v2 =	vld [tilespmem:$0x4E80];
	v0 =	vmov s8  }
0x1de: {  	[tilespmem:$0x1FFA0] =	vst v1;
	v1 =	vperm.xlane v1, v0;
	_ =	sdelay $0x1  }
0x1df: {  	v37 =	vor.u32 $0x10, v62;
	p3 =	sne.s32 s7, $0x1;
	v39 =	vshll.u32 v1, $0x7  }
.Ltmp25:
0x1e0: {  	v63 =	vor.u32 $0x70, v62;
	v15 =	vor.u32 v37, v39;
	(pc) =	sbr.rel @!p3 .LBB2_28-.Ltmp25, $4  }
0x1e1: {  	v10 =	vor.u32 $0x60, v62;
	v0 =	vperm.xlane v2, v0;
	v12 =	vor.u32 v62, v39  }
0x1e2: {  	v61 =	vor.u32 $0x50, v62;
	v34 =	vor.u32 $0x40, v62;
	v36 =	vor.u32 $0x20, v62  }
0x1e3: {  	v42 =	vshll.u32 v0, $0x8;
	v0 =	vshll.u32 v0, $0x7;
	v13 =	vor.u32 v34, v39  }
0x1e4: {  	v9 =	vor.u32 $0x30, v62;
	p2 =	por $0x0, $0x0;
	s8 =	simm.s32 $0x1;
	v11 =	vor.u32 v36, v39;
	v52 =	vand.u32 $0x380, v0  }
0x1e5: {  	v19 =	vor.u32 v61, v39;
	v0 =	vand.u32 $0xFFFFF800, v42;
	v40 =	vmul.u32 $0x2, v62  }
0x1e6: {  	v22 =	vor.u32 v9, v39;
	v21 =	vor.u32 v10, v39;
	v60 =	vmov s8  }
0x1e7: {  	v24 =	vor.u32 v63, v39;
	v14 =	vor.u32 v52, v0;
	v0 =	vperm.xlane v2, v60  }
0x1e8: {  	v23 =	vor.u32 v40, v14;
	v41 =	vor.u32 $0x1, v40;
	v16 =	vor.u32 $0x461, v40  }
0x1e9: {  	v43 =	vor.u32 $0x20, v40;
	v18 =	vor.u32 $0x41, v40;
	v44 =	vor.u32 $0x21, v40  }
0x1ea: {  	v1 =	vld [tilespmem:$0x1FFA0];
	v45 =	vor.u32 $0x40, v40;
	v46 =	vor.u32 $0x60, v40;
	v8 =	vor.u32 $0x61, v40  }
0x1eb: {  	v47 =	vor.u32 $0x420, v40;
	v48 =	vor.u32 $0x400, v40;
	v17 =	vor.u32 $0x441, v40  }
0x1ec: {  	v49 =	vor.u32 $0x440, v40;
	v50 =	vor.u32 $0x401, v40;
	v51 =	vor.u32 $0x421, v40  }
0x1ed: {  	v53 =	vor.u32 $0x460, v40;
	v25 =	vor.u32 v41, v14;
	v26 =	vor.u32 v43, v14  }
0x1ee: {  	p3 =	sne.s32 s7, $0x2;
	v28 =	vor.u32 v44, v14;
	v27 =	vor.u32 v50, v14;
	v38 =	vor.u32 v45, v14  }
.Ltmp26:
0x1ef: {  	v30 =	vor.u32 v51, v14;
	v32 =	vor.u32 v48, v14;
	v1 =	vperm.xlane v1, v60;
	(pc) =	sbr.rel @!p3 .LBB2_30-.Ltmp26, $4  }
0x1f0: {  	v33 =	vor.u32 v47, v14;
	v35 =	vor.u32 v49, v14;
	v56 =	vor.u32 v53, v14  }
0x1f1: {  	v42 =	vshll.u32 v0, $0x8;
	v0 =	vshll.u32 v0, $0x7;
	v39 =	vshll.u32 v1, $0x7  }
0x1f2: {  	v31 =	vmovc v2;
	v54 =	vor.u32 v46, v14;
	v52 =	vand.u32 $0x380, v0;
	v59 =	vor.u32 v62, v39  }
0x1f3: {  	s8 =	simm.s32 $0x2;
	p2 =	por $0x1, $0x1;
	v55 =	vmovc v63;
	v60 =	vor.u32 v37, v39;
	v57 =	vor.u32 v36, v39;
	v58 =	vor.u32 v34, v39  }
.LBB2_31:
0x1f4: {  	v0 =	vor.u32 v61, v39;
	v1 =	vld.idx.msk [tilespmem:v15+s23+$0x0], $0xffff  }
0x1f5: {  	v4 =	vor.u32 v9, v39;
	v5 =	vor.u32 v10, v39;
	v15 =	vor.u32 v55, v39;
	v39 =	vld.idx.msk [tilespmem:v12+s23+$0x0], $0xffff  }
0x1f6: {  	v2 =	vor.u32 v8, v14;
	v20 =	vmovc v8;
	v8 =	vmovc v10;
	v10 =	vmov v9;
	v9 =	vmov v61;
	v61 =	vld.idx.msk [tilespmem:v24+s23+$0x0], $0xffff  }
0x1f7: {  	v3 =	vmov v56;
	v56 =	vld.idx.msk [tilespmem:v13+s23+$0x0], $0xffff  }
0x1f8: {  	v6 =	vld.idx.msk [tilespmem:v11+s23+$0x0], $0xffff  }
0x1f9: {  	v11 =	vmov v57;
	v57 =	vld.idx.msk [tilespmem:v19+s23+$0x0], $0xffff  }
0x1fa: {  	v7 =	vand.u32 $0xFFFFF800, v42;
	v19 =	vmov v0;
	v0 =	vld.idx.msk [tilespmem:v22+s23+$0x0], $0xffff  }
0x1fb: {  	v42 =	vor.u32 v18, v14;
	v13 =	vmovc v58;
	v24 =	vmovc v15;
	v15 =	vmov v60;
	v60 =	vld.idx.msk [tilespmem:v21+s23+$0x0], $0xffff;
	v58 =	vunpack.i.l.bf16.f32 v39  }
0x1fc: {  	v62 =	vor.u32 v17, v14;
	v29 =	vor.u32 v16, v14;
	v39 =	vunpack.i.u.bf16.f32 v39;
	[tilespmem:v23+s15+$0x0] =	vst.idx.add.f32.msk $0xffff, v58  }
0x1fd: {  	v14 =	vor.u32 v52, v7;
	v7 =	vunpack.i.u.bf16.f32 v1;
	v1 =	vunpack.i.l.bf16.f32 v1;
	[tilespmem:v25+s15+$0x0] =	vst.idx.add.f32.msk $0xffff, v39  }
0x1fe: {  	v12 =	vmov v59;
	v59 =	vor.u32 v41, v14;
	[tilespmem:v26+s15+$0x0] =	vst.idx.add.f32.msk $0xffff, v1  }
0x1ff: {  	v25 =	vmov v59;
	v59 =	vunpack.i.l.bf16.f32 v6;
	[tilespmem:v28+s15+$0x0] =	vst.idx.add.f32.msk $0xffff, v7  }
0x200: {  	v39 =	vunpack.i.u.bf16.f32 v6;
	[tilespmem:v38+s15+$0x0] =	vst.idx.add.f32.msk $0xffff, v59  }
0x201: {  	[tilespmem:v42+s15+$0x0] =	vst.idx.add.f32.msk $0xffff, v39;
	v42 =	vunpack.i.l.bf16.f32 v0  }
0x202: {  	v0 =	vunpack.i.u.bf16.f32 v0;
	[tilespmem:v54+s15+$0x0] =	vst.idx.add.f32.msk $0xffff, v42  }
0x203: {  	v58 =	vunpack.i.l.bf16.f32 v56;
	[tilespmem:v2+s15+$0x0] =	vst.idx.add.f32.msk $0xffff, v0  }
0x204: {  	v52 =	vor.u32 v40, v14;
	v59 =	vunpack.i.u.bf16.f32 v56;
	[tilespmem:v32+s15+$0x0] =	vst.idx.add.f32.msk $0xffff, v58  }
0x205: {  	v23 =	vmov v52;
	v52 =	vor.u32 v50, v14;
	[tilespmem:v27+s15+$0x0] =	vst.idx.add.f32.msk $0xffff, v59  }
0x206: {  	v21 =	vmov v5;
	v5 =	vor.u32 v43, v14;
	v27 =	vmov v52;
	v52 =	vld [tilespmem:$0x1FFA0]  }
0x207: {  	s9 =	smov.u32 s8;
	v26 =	vmovc v5;
	v1 =	vor.u32 v51, v14;
	v5 =	vor.u32 v49, v14;
	v28 =	vor.u32 v44, v14  }
0x208: {  	v55 =	vmovc v63;
	v22 =	vmovc v4;
	v38 =	vor.u32 v45, v14;
	v39 =	vmov s9;
	v42 =	vunpack.i.l.bf16.f32 v57  }
0x209: {  	s8 =	sadd.s32 $0x1, s8;
	v6 =	vunpack.i.u.bf16.f32 v57;
	v56 =	vor.u32 v53, v14;
	v0 =	vperm.xlane v31, v39;
	[tilespmem:v33+s15+$0x0] =	vst.idx.add.f32.msk $0xffff, v42  }
0x20a: {  	p3 =	sne.s32 s7, s8;
	v2 =	vor.u32 v47, v14;
	v32 =	vor.u32 v48, v14;
	[tilespmem:v30+s15+$0x0] =	vst.idx.add.f32.msk $0xffff, v6;
	v6 =	vunpack.i.l.bf16.f32 v60  }
.Ltmp27:
0x20b: {  	v54 =	vunpack.i.u.bf16.f32 v60;
	v42 =	vshll.u32 v0, $0x8;
	v33 =	vmovc v2;
	[tilespmem:v35+s15+$0x0] =	vst.idx.add.f32.msk $0xffff, v6;
	v4 =	vperm.xlane v52, v39;
	(pc) =	sbr.rel @p3 .LBB2_31-.Ltmp27, $4  }
0x20c: {  	v0 =	vshll.u32 v0, $0x7;
	v30 =	vmovc v1;
	v35 =	vmovc v5;
	[tilespmem:v62+s15+$0x0] =	vst.idx.add.f32.msk $0xffff, v54;
	v54 =	vunpack.i.l.bf16.f32 v61;
	v52 =	vlaneseq.u32  }
0x20d: {  	[tilespmem:v3+s15+$0x0] =	vst.idx.add.f32.msk $0xffff, v54;
	v54 =	vor.u32 v46, v14;
	v39 =	vshll.u32 v4, $0x7;
	v4 =	vunpack.i.u.bf16.f32 v61;
	v61 =	vmovc v9  }
0x20e: {  	v9 =	vmovc v10;
	v10 =	vmovc v8;
	v8 =	vmov v20;
	v59 =	vor.u32 v52, v39;
	v60 =	vor.u32 v37, v39  }
0x20f: {  	v57 =	vor.u32 v36, v39;
	v58 =	vor.u32 v34, v39;
	v52 =	vand.u32 $0x380, v0;
	[tilespmem:v29+s15+$0x0] =	vst.idx.add.f32.msk $0xffff, v4  }
.Ltmp28:
0x210: {  	(pc) =	sbr.rel .LBB2_33-.Ltmp28, $4  }
0x211: {  	_ = 	snop  }
0x212: {  	v29 =	vmov v15  }
0x213: {  	v31 =	vmovc v12;
	v34 =	vmovc v13;
	v36 =	vmov v11;
	v63 =	vmov v55;
	v12 =	vmov v59  }
0x214: {  	v15 =	vmovc v60;
	v11 =	vmovc v57;
	v13 =	vmov v58;
	v62 =	vlaneseq.u32;
	v41 =	vimm.s32 $0x0  }
.LBB2_30:
.Ltmp29:
0x215: {  	(pc) =	sbr.rel .LBB2_33-.Ltmp29, $3  }
0x216: {  	_ =	sdelay $0x1  }
0x217: {  	v29 =	vmovc v15;
	v31 =	vmovc v12;
	v34 =	vmov v13;
	v36 =	vmov v11;
	v12 =	vmov v59  }
0x218: {  	v15 =	vmovc v60;
	v11 =	vmovc v57;
	v13 =	vmov v58;
	v62 =	vlaneseq.u32;
	v41 =	vimm.s32 $0x0  }
.LBB2_37:
0x219: {  	_ =	sfence.sel $0x180000  }
0x21a: {  	[bflag:$0x0] =	sbarrier.arrive $0xFFFF  }
0x21b: {  	_ =	strace $0x90000047  }
0x21c: {  	s0 =	stileid.u32;
	[bflag:$0x2] =	sbarrier.arrive $0xFFFF  }
0x21d: {  	p0 =	sne.s32 s0, $0x0;
	s0 =	rddreg [dreg:$0x2]  }
0x21e: {  	s0 =	sadd.s32 @!p0 $0x100000, s0  }
0x21f: {  	[sflag:s0] =	ssyncadd.tile.s32 @!p0 $0x1;
	_ =	shalt  }
.Lfunc_end2:
_tile_overlayer_lowered:
.L_overlay_start_2:
0x220: {  	(tag) =	ssettag $0x2  }
0x221: {  	s0 =	rddreg [dreg:$0x0];
	s2 =	stileid.u32  }
0x222: {  	s1 =	rddreg [dreg:$0x1];
	p0 =	sne.s32 s2, $0x0  }
0x223: {  	s3 =	rddreg [dreg:$0x2];
	[bflag:$0x3] =	sbarrier.arrive $0xFFFF;
	s2 =	simm.s32 @!p0 $0x1C03  }
0x224: {  	[timem:s3], [sflag:s2] =	dma.local @!p0 [hbm:s0], s1  }
0x225: {  	s0 =	simm.s32 @!p0 $0x3  }
0x226: {  	_ =	swait.ge @!p0 [sflag:s0], s1  }
0x227: {  	s1 =	ssub.s32 @!p0 $0x0, s1;
	[sflag:s0] =	ssyncset.done @!p0 $0x0  }
0x228: {  	[sflag:s0] =	ssyncadd.s32 @!p0 s1  }
0x229: {  	[bflag:$0x3] =	sbarrier.arrive $0xFFFF  }
0x22a: {  	_ =	shalt  }

</sc_bundles>
